<compile_context>
chip_gen: v7x
topology: tpu7x:2x2x1
jax: 0.10.2.dev20260603
libtpu: 0.0.44.dev20260713+nightly
codegen_flags: <defaults>
</compile_context>

<pallas_src>
import functools

import jax
import jax.numpy as jnp
from jax import lax

_PH = jax.lax.Precision.HIGHEST
from jax.experimental import pallas as pl
from jax.experimental.pallas import tpu as pltpu
from jax.experimental.pallas import tpu_sc as plsc

BS = 128
EC = 32
N = BS * EC
E = 65536
WC = 60
CS = 128
K = 8

G = 4
NPB = G * EC
NBLK = BS // G
ABD = NBLK * NPB * NPB

T1 = WC - K + 1
T2 = T1 - K + 1
T3 = T2 - K + 1
T4 = T3 - K + 1


def _build_adj(src2, dst2, ew2, zeros_hbm):
    mesh = plsc.VectorSubcoreMesh(core_axis_name="c", subcore_axis_name="s")
    rows_per_worker = 16
    words_per_tile = ABD // 16

    @functools.partial(
        pl.kernel,
        mesh=mesh,
        out_type=jax.ShapeDtypeStruct((2, ABD), jnp.float32),
        scratch_types=[
            pltpu.VMEM((rows_per_worker, 128), jnp.int32),
            pltpu.VMEM((rows_per_worker, 128), jnp.int32),
            pltpu.VMEM((rows_per_worker, 128), jnp.float32),
            pltpu.VMEM((rows_per_worker, 128), jnp.int32),
            pltpu.VMEM_SHARED((ABD,), jnp.float32),
        ],
    )
    def adj(src_hbm, dst_hbm, ew_hbm, zero_hbm, out_hbm,
            src_v, dst_v, ew_v, idx_v, a_sh):
        cid = lax.axis_index("c")
        sid = lax.axis_index("s")
        pltpu.sync_copy(zero_hbm.at[pl.ds(sid * words_per_tile, words_per_tile)],
                        a_sh.at[pl.ds(sid * words_per_tile, words_per_tile)])
        plsc.subcore_barrier()
        rbase = (cid * 16 + sid) * rows_per_worker
        pltpu.sync_copy(src_hbm.at[pl.ds(rbase, rows_per_worker), :], src_v)
        pltpu.sync_copy(dst_hbm.at[pl.ds(rbase, rows_per_worker), :], dst_v)
        pltpu.sync_copy(ew_hbm.at[pl.ds(rbase, rows_per_worker), :], ew_v)
        for j in range(rows_per_worker):
            def body(i, carry, j=j):
                s16 = src_v[j, pl.ds(i * 16, 16)]
                d16 = dst_v[j, pl.ds(i * 16, 16)]
                blk = lax.shift_right_logical(d16, NPB.bit_length() - 1)
                idx16 = blk * (NPB * NPB) + (d16 & (NPB - 1)) * NPB + (s16 & (NPB - 1))
                idx_v[j, pl.ds(i * 16, 16)] = idx16
                return carry
            lax.fori_loop(0, 128 // 16, body, 0)
        for j in range(rows_per_worker):
            pltpu.sync_copy(ew_v.at[j], a_sh.at[idx_v.at[j]], add=True)
        plsc.subcore_barrier()
        pltpu.sync_copy(a_sh.at[pl.ds(sid * words_per_tile, words_per_tile)],
                        out_hbm.at[cid, pl.ds(sid * words_per_tile, words_per_tile)])

    return adj(src2, dst2, ew2, zeros_hbm)


def _gcn_block(h, a1b, wgb, bg, t_len, c):
    f32 = jnp.float32
    agg = jnp.stack([jnp.dot(a1b, h[t], preferred_element_type=f32,
                             precision=_PH)
                     for t in range(t_len)], axis=0)
    hw = jnp.dot(agg.reshape(t_len * NPB, c), wgb,
                 preferred_element_type=f32)
    return jnp.maximum(hw + bg[None, :], 0.0)


def _tc_body(x_ref, a_ref, w1_ref, b1_ref, wg1_ref, bg1_ref, w2_ref, b2_ref,
             w3_ref, b3_ref, wg2_ref, bg2_ref, w4_ref, b4_ref, wc_ref, bc_ref,
             wf_ref, bf_ref, out_ref):
    f32 = jnp.float32
    bf16 = jnp.bfloat16
    rows = lax.broadcasted_iota(jnp.int32, (NPB, NPB), 0)
    cols = lax.broadcasted_iota(jnp.int32, (NPB, NPB), 1)
    a1b = (a_ref[0, 0] + a_ref[1, 0]
           + jnp.where(rows == cols, 1.0, 0.0).astype(f32))

    xt = jnp.transpose(x_ref[:].reshape(NPB, WC, CS), (1, 0, 2))
    xb = xt.reshape(WC * NPB, CS)
    y = jnp.dot(xb, w1_ref[:], preferred_element_type=f32)
    h1 = y[0:T1 * NPB, 0:32]
    for k in range(1, K):
        h1 = h1 + y[k * NPB:(k + T1) * NPB, k * 32:(k + 1) * 32]
    h1 = jnp.maximum(h1 + b1_ref[:][None, :], 0.0).reshape(T1, NPB, 32)

    z1 = _gcn_block(h1, a1b, wg1_ref[:], bg1_ref[:], T1, 32)

    c2 = jnp.concatenate([z1[k * NPB:(k + T2) * NPB, :] for k in range(K)],
                         axis=1)
    y2 = jnp.dot(c2, w2_ref[:], preferred_element_type=f32)
    h2 = jnp.maximum(y2 + b2_ref[:][None, :], 0.0)

    y3 = jnp.dot(h2, w3_ref[:],
                 preferred_element_type=f32)
    h3 = y3[0:T3 * NPB, 0:16]
    for k in range(1, K):
        h3 = h3 + y3[k * NPB:(k + T3) * NPB, k * 16:(k + 1) * 16]
    h3 = jnp.maximum(h3 + b3_ref[:][None, :], 0.0).reshape(T3, NPB, 16)

    z2 = _gcn_block(h3, a1b, wg2_ref[:], bg2_ref[:], T3, 16)

    c4 = jnp.concatenate([z2[k * NPB:(k + T4) * NPB, :] for k in range(K)],
                         axis=1)
    y4 = jnp.dot(c4, w4_ref[:], preferred_element_type=f32)
    h4 = jnp.maximum(y4 + b4_ref[:][None, :], 0.0).reshape(T4, NPB, 32)

    y5 = jnp.dot(h4[0], wc_ref[0], preferred_element_type=f32)
    for t in range(1, T4):
        y5 = y5 + jnp.dot(h4[t], wc_ref[t], preferred_element_type=f32)
    y5 = y5 + bc_ref[:][None, :]

    prod = y5.astype(bf16).astype(f32) * wf_ref[:]
    grow = lax.broadcasted_iota(jnp.int32, (G, NPB), 0)
    gcol = lax.broadcasted_iota(jnp.int32, (G, NPB), 1)
    gsel = jnp.where(gcol // EC == grow, 1.0, 0.0).astype(f32)
    per_graph = jnp.dot(gsel, prod, preferred_element_type=f32,
                        precision=_PH)
    o = jnp.dot(per_graph, jnp.ones((32, 1), f32),
                preferred_element_type=f32, precision=_PH) + bf_ref[:][None, :]
    out_ref[:] = jnp.maximum(o, 0.0).reshape(1, G, 1)


def _stgcn_tc(x, a2, w1c, b1, wg1, bg1, w2i, b2, w3c, b3, wg2, bg2, w4i, b4,
              wct, bc, wft, bf):
    full = lambda shape: pl.BlockSpec(shape, lambda i: (0,) * len(shape))
    out = pl.pallas_call(
        _tc_body,
        grid=(NBLK,),
        in_specs=[
            pl.BlockSpec((NPB, WC * CS), lambda i: (i, 0)),
            pl.BlockSpec((2, 1, NPB, NPB), lambda i: (0, i, 0, 0)),
            full((CS, K * 32)), full((32,)),
            full((32, 32)), full((32,)),
            full((K * 32, 64)), full((64,)),
            full((64, K * 16)), full((16,)),
            full((16, 16)), full((16,)),
            full((K * 16, 32)), full((32,)),
            full((T4, 32, 32)), full((32,)),
            full((NPB, 32)), full((1,)),
        ],
        out_specs=pl.BlockSpec((1, G, 1), lambda i: (i, 0, 0)),
        out_shape=jax.ShapeDtypeStruct((NBLK, G, 1), jnp.float32),
    )(x, a2, w1c, b1, wg1, bg1, w2i, b2, w3c, b3, wg2, bg2, w4i, b4,
      wct, bc, wft, bf)
    return out.reshape(BS, 1)


def kernel(x, edge_index, edge_attr, batch, Wt1_1, bt1_1, Wg1, bg1, Wt2_1,
           bt2_1, Wt1_2, bt1_2, Wg2, bg2, Wt2_2, bt2_2, Wc, bc, Wf, bf):
    src2 = edge_index[0].reshape(E // 128, 128)
    dst2 = edge_index[1].reshape(E // 128, 128)
    ew2 = edge_attr[:, 0].reshape(E // 128, 128)
    zeros_hbm = jnp.zeros((ABD,), jnp.float32)
    a_part = _build_adj(src2, dst2, ew2, zeros_hbm)
    a2 = a_part.reshape(2, NBLK, NPB, NPB)

    bf16 = jnp.bfloat16
    w1c = Wt1_1.transpose(1, 2, 0).reshape(CS, K * 32)
    w2i = Wt2_1.transpose(2, 1, 0).reshape(K * 32, 64)
    w3c = Wt1_2.transpose(1, 2, 0).reshape(64, K * 16)
    w4i = Wt2_2.transpose(2, 1, 0).reshape(K * 16, 32)
    wct = Wc.transpose(2, 1, 0)
    wg1b = Wg1
    wg2b = Wg2
    wft = jnp.tile(Wf.reshape(EC, 32), (G, 1)).astype(bf16).astype(
        jnp.float32)

    return _stgcn_tc(x, a2, w1c, bt1_1, wg1b, bg1, w2i, bt2_1, w3c, bt1_2,
                     wg2b, bg2, w4i, bt2_2, wct, bc, wft, bf)

# --- scband reference (transcript-rebuilt; emitter-appended) ---
"""Pipeline reference for scband-stgcn-2817498546708 (READ-ONLY COPY).

The authoritative reference and input builder live on the scoring server;
editing this copy changes nothing except your own understanding.
"""

import jax, jax.numpy as jnp
import numpy as np

BS = 128; EC = 32; N = BS * EC; E = 65536; WC = 60; CS = 128; K = 8


def _conv1d(x, W, b):
    # x: (N, Cin, T), W: (Cout, Cin, K)
    y = jax.lax.conv_general_dilated(x, W, window_strides=(1,), padding='VALID',
                                     dimension_numbers=('NCH', 'OIH', 'NCH'))
    return y + b[None, :, None]


def _gcn(x, src, dst, ew, Wg, bg):
    # x: (N, C, T); gather messages from src, weight by edge_attr, scatter-add to dst
    msg = x[src] * ew[:, None, None]
    agg = jnp.zeros_like(x).at[dst].add(msg) + x  # self-loop
    return jnp.einsum('nct,co->not', agg, Wg) + bg[None, :, None]


def _w(k, shape, fan_in):
    return jax.random.normal(k, shape, dtype=jnp.float32) * (fan_in ** -0.5)


def setup_inputs(seed: int = 0) -> dict:
    key = jax.random.key(seed)
    ks = jax.random.split(key, 24)
    x = jax.random.normal(ks[0], (N, WC * CS), dtype=jnp.float32)
    g = jax.random.randint(ks[1], (E,), 0, BS)
    src = g * EC + jax.random.randint(ks[2], (E,), 0, EC)
    dst = g * EC + jax.random.randint(ks[3], (E,), 0, EC)
    edge_index = jnp.stack([src, dst])
    edge_attr = jax.random.uniform(ks[4], (E, 1), dtype=jnp.float32)
    batch = jnp.arange(N) // EC
    inp = {
        'x': x, 'edge_index': edge_index, 'edge_attr': edge_attr, 'batch': batch,
        # stb1: tconv(128->32,k8) -> gcn(32->32) -> tconv(32->64,k8)
        'Wt1_1': _w(ks[5], (32, 128, K), 128 * K), 'bt1_1': jnp.zeros((32,), jnp.float32),
        'Wg1': _w(ks[6], (32, 32), 32), 'bg1': jnp.zeros((32,), jnp.float32),
        'Wt2_1': _w(ks[7], (64, 32, K), 32 * K), 'bt2_1': jnp.zeros((64,), jnp.float32),
        # stb2: tconv(64->16,k8) -> gcn(16->16) -> tconv(16->32,k8)
        'Wt1_2': _w(ks[8], (16, 64, K), 64 * K), 'bt1_2': jnp.zeros((16,), jnp.float32),
        'Wg2': _w(ks[9], (16, 16), 16), 'bg2': jnp.zeros((16,), jnp.float32),
        'Wt2_2': _w(ks[10], (32, 16, K), 16 * K), 'bt2_2': jnp.zeros((32,), jnp.float32),
        # conv1d(32,32,32)
        'Wc': _w(ks[11], (32, 32, 32), 32 * 32), 'bc': jnp.zeros((32,), jnp.float32),
        # fc(1024, 1)
        'Wf': _w(ks[12], (1, 1024), 1024), 'bf': jnp.zeros((1,), jnp.float32),
    }
    return inp


def reference(x, edge_index, edge_attr, batch, Wt1_1, bt1_1, Wg1, bg1, Wt2_1, bt2_1,
              Wt1_2, bt1_2, Wg2, bg2, Wt2_2, bt2_2, Wc, bc, Wf, bf):
    bs = x.shape[0] // EC
    src, dst = edge_index[0], edge_index[1]
    ew = edge_attr[:, 0]
    # rearrange '(bs ec) (wc cs) -> (bs ec) cs wc' with cs=128
    h = x.reshape(x.shape[0], WC, CS).transpose(0, 2, 1)  # (N, 128, 60)
    # stb1
    h = jax.nn.relu(_conv1d(h, Wt1_1, bt1_1))
    h = jax.nn.relu(_gcn(h, src, dst, ew, Wg1, bg1))
    h = jax.nn.relu(_conv1d(h, Wt2_1, bt2_1))
    # dropout p=0.3 (eval mode -> identity)
    # stb2
    h = jax.nn.relu(_conv1d(h, Wt1_2, bt1_2))
    h = jax.nn.relu(_gcn(h, src, dst, ew, Wg2, bg2))
    h = jax.nn.relu(_conv1d(h, Wt2_2, bt2_2))
    # dropout p=0.2 (eval mode -> identity)
    h = _conv1d(h, Wc, bc)  # (N, 32, 1)
    h = h.reshape(bs, EC * 32 * h.shape[-1])  # (bs, 1024)
    out = jax.nn.relu(h @ Wf.T + bf)
    return out

if __name__ == "__main__":
    import jax
    _d = setup_inputs()
    print(jax.jit(kernel)(*tuple(_d.values())))

</pallas_src>

<mosaic_0001>
#map = affine_map<(d0, d1) -> (0, 0)>
#map1 = affine_map<(d0, d1) -> (0)>
module attributes {stable_mosaic.version = 14 : i64} {
  func.func @adj(%arg0: i32, %arg1: i32, %arg2: memref<512x128xi32, #tpu.memory_space<hbm>>, %arg3: memref<512x128xi32, #tpu.memory_space<hbm>>, %arg4: memref<512x128xf32, #tpu.memory_space<hbm>>, %arg5: memref<524288xf32, #tpu.memory_space<hbm>>, %arg6: memref<2x524288xf32, #tpu.memory_space<hbm>>, %arg7: memref<16x128xi32, #tpu.memory_space<vmem>>, %arg8: memref<16x128xi32, #tpu.memory_space<vmem>>, %arg9: memref<16x128xf32, #tpu.memory_space<vmem>>, %arg10: memref<16x128xi32, #tpu.memory_space<vmem>>, %arg11: memref<524288xf32, #tpu.memory_space<vmem_shared>>) attributes {dimension_semantics = [#tpu.dimension_semantics<core_parallel>, #tpu.dimension_semantics<subcore_parallel>], iteration_bounds = array<i64: 2, 16>, scalar_prefetch = 0 : i64, scratch_operands = 5 : i64, tpu.core_type = #tpu.core_type<sc_vector_subcore>, window_params = [{transform_indices = #map}, {transform_indices = #map}, {transform_indices = #map}, {transform_indices = #map1}, {transform_indices = #map}]} {
    %mul3A = arith.constant 32768 : i32
    %mul3A_0 = arith.muli %arg1, %mul3A : i32
    %mul3A_1 = arith.constant 32768 : i32
    %mul3A_2 = arith.muli %arg1, %mul3A_1 : i32
    "tpu.region"() ({
      %run_scoped3A_138 = tpu.sem_alloc : memref<!tpu.dma_semaphore, #tpu.memory_space<semaphore_mem>>
      %dma_start3A = tpu.memref_slice %arg11[%mul3A_2] : memref<524288xf32, #tpu.memory_space<vmem_shared>> -> memref<32768xf32, #tpu.memory_space<vmem_shared>>
      %dma_start3A_139 = tpu.memref_slice %arg5[%mul3A_0] : memref<524288xf32, #tpu.memory_space<hbm>> -> memref<32768xf32, #tpu.memory_space<hbm>>
      tpu.enqueue_dma source(%dma_start3A_139 : memref<32768xf32, #tpu.memory_space<hbm>>) target(%dma_start3A : memref<32768xf32, #tpu.memory_space<vmem_shared>>) target_semaphore(%run_scoped3A_138 : memref<!tpu.dma_semaphore, #tpu.memory_space<semaphore_mem>>)
      %dma_wait3A = tpu.memref_slice %arg11[%mul3A_2] : memref<524288xf32, #tpu.memory_space<vmem_shared>> -> memref<32768xf32, #tpu.memory_space<vmem_shared>>
      %dma_wait3A_140 = tpu.memref_slice %arg5[%mul3A_0] : memref<524288xf32, #tpu.memory_space<hbm>> -> memref<32768xf32, #tpu.memory_space<hbm>>
      tpu.wait_dma2 semaphore(%run_scoped3A_138 : memref<!tpu.dma_semaphore, #tpu.memory_space<semaphore_mem>>) src(%dma_wait3A_140 : memref<32768xf32, #tpu.memory_space<hbm>>) dst(%dma_wait3A : memref<32768xf32, #tpu.memory_space<vmem_shared>>)
      tpu.yield
    }) : () -> ()
    %barrier3A = arith.constant 0 : index
    tpu.barrier barrier_id(%barrier3A)
    %mul3A_3 = arith.constant 16 : i32
    %mul3A_4 = arith.muli %arg0, %mul3A_3 : i32
    %add3A = arith.addi %mul3A_4, %arg1 : i32
    %mul3A_5 = arith.constant 16 : i32
    %mul3A_6 = arith.muli %add3A, %mul3A_5 : i32
    "tpu.region"() ({
      %run_scoped3A_138 = tpu.sem_alloc : memref<!tpu.dma_semaphore, #tpu.memory_space<semaphore_mem>>
      %dma_start3A = arith.constant 0 : i32
      %dma_start3A_139 = tpu.memref_slice %arg2[%mul3A_6, %dma_start3A] : memref<512x128xi32, #tpu.memory_space<hbm>> -> memref<16x128xi32, #tpu.memory_space<hbm>>
      %dma_start3A_140 = arith.constant 0 : i32
      %dma_start3A_141 = tpu.memref_slice %arg2[%mul3A_6, %dma_start3A_140] : memref<512x128xi32, #tpu.memory_space<hbm>> -> memref<16x128xi32, #tpu.memory_space<hbm>>
      tpu.enqueue_dma source(%dma_start3A_141 : memref<16x128xi32, #tpu.memory_space<hbm>>) target(%arg7 : memref<16x128xi32, #tpu.memory_space<vmem>>) target_semaphore(%run_scoped3A_138 : memref<!tpu.dma_semaphore, #tpu.memory_space<semaphore_mem>>)
      %dma_wait3A = arith.constant 0 : i32
      %dma_wait3A_142 = tpu.memref_slice %arg2[%mul3A_6, %dma_wait3A] : memref<512x128xi32, #tpu.memory_space<hbm>> -> memref<16x128xi32, #tpu.memory_space<hbm>>
      %dma_wait3A_143 = arith.constant 0 : i32
      %dma_wait3A_144 = tpu.memref_slice %arg2[%mul3A_6, %dma_wait3A_143] : memref<512x128xi32, #tpu.memory_space<hbm>> -> memref<16x128xi32, #tpu.memory_space<hbm>>
      tpu.wait_dma2 semaphore(%run_scoped3A_138 : memref<!tpu.dma_semaphore, #tpu.memory_space<semaphore_mem>>) src(%dma_wait3A_144 : memref<16x128xi32, #tpu.memory_space<hbm>>) dst(%arg7 : memref<16x128xi32, #tpu.memory_space<vmem>>)
      tpu.yield
    }) : () -> ()
    "tpu.region"() ({
      %run_scoped3A_138 = tpu.sem_alloc : memref<!tpu.dma_semaphore, #tpu.memory_space<semaphore_mem>>
      %dma_start3A = arith.constant 0 : i32
      %dma_start3A_139 = tpu.memref_slice %arg3[%mul3A_6, %dma_start3A] : memref<512x128xi32, #tpu.memory_space<hbm>> -> memref<16x128xi32, #tpu.memory_space<hbm>>
      %dma_start3A_140 = arith.constant 0 : i32
      %dma_start3A_141 = tpu.memref_slice %arg3[%mul3A_6, %dma_start3A_140] : memref<512x128xi32, #tpu.memory_space<hbm>> -> memref<16x128xi32, #tpu.memory_space<hbm>>
      tpu.enqueue_dma source(%dma_start3A_141 : memref<16x128xi32, #tpu.memory_space<hbm>>) target(%arg8 : memref<16x128xi32, #tpu.memory_space<vmem>>) target_semaphore(%run_scoped3A_138 : memref<!tpu.dma_semaphore, #tpu.memory_space<semaphore_mem>>)
      %dma_wait3A = arith.constant 0 : i32
      %dma_wait3A_142 = tpu.memref_slice %arg3[%mul3A_6, %dma_wait3A] : memref<512x128xi32, #tpu.memory_space<hbm>> -> memref<16x128xi32, #tpu.memory_space<hbm>>
      %dma_wait3A_143 = arith.constant 0 : i32
      %dma_wait3A_144 = tpu.memref_slice %arg3[%mul3A_6, %dma_wait3A_143] : memref<512x128xi32, #tpu.memory_space<hbm>> -> memref<16x128xi32, #tpu.memory_space<hbm>>
      tpu.wait_dma2 semaphore(%run_scoped3A_138 : memref<!tpu.dma_semaphore, #tpu.memory_space<semaphore_mem>>) src(%dma_wait3A_144 : memref<16x128xi32, #tpu.memory_space<hbm>>) dst(%arg8 : memref<16x128xi32, #tpu.memory_space<vmem>>)
      tpu.yield
    }) : () -> ()
    "tpu.region"() ({
      %run_scoped3A_138 = tpu.sem_alloc : memref<!tpu.dma_semaphore, #tpu.memory_space<semaphore_mem>>
      %dma_start3A = arith.constant 0 : i32
      %dma_start3A_139 = tpu.memref_slice %arg4[%mul3A_6, %dma_start3A] : memref<512x128xf32, #tpu.memory_space<hbm>> -> memref<16x128xf32, #tpu.memory_space<hbm>>
      %dma_start3A_140 = arith.constant 0 : i32
      %dma_start3A_141 = tpu.memref_slice %arg4[%mul3A_6, %dma_start3A_140] : memref<512x128xf32, #tpu.memory_space<hbm>> -> memref<16x128xf32, #tpu.memory_space<hbm>>
      tpu.enqueue_dma source(%dma_start3A_141 : memref<16x128xf32, #tpu.memory_space<hbm>>) target(%arg9 : memref<16x128xf32, #tpu.memory_space<vmem>>) target_semaphore(%run_scoped3A_138 : memref<!tpu.dma_semaphore, #tpu.memory_space<semaphore_mem>>)
      %dma_wait3A = arith.constant 0 : i32
      %dma_wait3A_142 = tpu.memref_slice %arg4[%mul3A_6, %dma_wait3A] : memref<512x128xf32, #tpu.memory_space<hbm>> -> memref<16x128xf32, #tpu.memory_space<hbm>>
      %dma_wait3A_143 = arith.constant 0 : i32
      %dma_wait3A_144 = tpu.memref_slice %arg4[%mul3A_6, %dma_wait3A_143] : memref<512x128xf32, #tpu.memory_space<hbm>> -> memref<16x128xf32, #tpu.memory_space<hbm>>
      tpu.wait_dma2 semaphore(%run_scoped3A_138 : memref<!tpu.dma_semaphore, #tpu.memory_space<semaphore_mem>>) src(%dma_wait3A_144 : memref<16x128xf32, #tpu.memory_space<hbm>>) dst(%arg9 : memref<16x128xf32, #tpu.memory_space<vmem>>)
      tpu.yield
    }) : () -> ()
    %scan3A = arith.constant 0 : i32
    %scan3A_7 = arith.constant 0 : i32
    %scan3A_8 = arith.constant 8 : i32
    %scan3A_9 = arith.addi %scan3A_7, %scan3A_8 : i32
    %scan3A_10 = arith.constant 1 : i32
    scf.for %scan3A_138 = %scan3A_7 to %scan3A_9 step %scan3A_10  : i32 {
      %mul3A_139 = arith.constant 16 : i32
      %mul3A_140 = arith.muli %scan3A_138, %mul3A_139 : i32
      %get3A = arith.constant 0 : i32
      %get3A_141 = arith.index_cast %get3A : i32 to index
      %get3A_142 = arith.index_cast %mul3A_140 : i32 to index
      %get3A_143 = tpu.vector_load %arg7[%get3A_141, %get3A_142] {strides = array<i32>} : memref<16x128xi32, #tpu.memory_space<vmem>>, vector<1x16xi32>,
      %get3A_144 = vector.shape_cast %get3A_143 : vector<1x16xi32> to vector<16xi32>
      %mul3A_145 = arith.constant 16 : i32
      %mul3A_146 = arith.muli %scan3A_138, %mul3A_145 : i32
      %get3A_147 = arith.constant 0 : i32
      %get3A_148 = arith.index_cast %get3A_147 : i32 to index
      %get3A_149 = arith.index_cast %mul3A_146 : i32 to index
      %get3A_150 = tpu.vector_load %arg8[%get3A_148, %get3A_149] {strides = array<i32>} : memref<16x128xi32, #tpu.memory_space<vmem>>, vector<1x16xi32>,
      %get3A_151 = vector.shape_cast %get3A_150 : vector<1x16xi32> to vector<16xi32>
      %shift_right_logical3A = arith.constant 7 : i32
      %shift_right_logical3A_152 = vector.broadcast %shift_right_logical3A : i32 to vector<16xi32>
      %shift_right_logical3A_153 = arith.shrui %get3A_151, %shift_right_logical3A_152 : vector<16xi32>
      %mul3A_154 = arith.constant 16384 : i32
      %mul3A_155 = vector.broadcast %mul3A_154 : i32 to vector<16xi32>
      %mul3A_156 = arith.muli %shift_right_logical3A_153, %mul3A_155 : vector<16xi32>
      %and3A = arith.constant 127 : i32
      %and3A_157 = vector.broadcast %and3A : i32 to vector<16xi32>
      %and3A_158 = arith.andi %get3A_151, %and3A_157 : vector<16xi32>
      %mul3A_159 = arith.constant 128 : i32
      %mul3A_160 = vector.broadcast %mul3A_159 : i32 to vector<16xi32>
      %mul3A_161 = arith.muli %and3A_158, %mul3A_160 : vector<16xi32>
      %add3A_162 = arith.addi %mul3A_156, %mul3A_161 : vector<16xi32>
      %and3A_163 = arith.constant 127 : i32
      %and3A_164 = vector.broadcast %and3A_163 : i32 to vector<16xi32>
      %and3A_165 = arith.andi %get3A_144, %and3A_164 : vector<16xi32>
      %add3A_166 = arith.addi %add3A_162, %and3A_165 : vector<16xi32>
      %mul3A_167 = arith.constant 16 : i32
      %mul3A_168 = arith.muli %scan3A_138, %mul3A_167 : i32
      %swap3A = arith.constant 0 : i32
      %swap3A_169 = arith.index_cast %swap3A : i32 to index
      %swap3A_170 = arith.index_cast %mul3A_168 : i32 to index
      %swap3A_171 = tpu.vector_load %arg10[%swap3A_169, %swap3A_170] {strides = array<i32>} : memref<16x128xi32, #tpu.memory_space<vmem>>, vector<1x16xi32>,
      %swap3A_172 = vector.shape_cast %swap3A_171 : vector<1x16xi32> to vector<16xi32>
      %swap3A_173 = vector.shape_cast %add3A_166 : vector<16xi32> to vector<1x16xi32>
      tpu.vector_store %arg10[%swap3A_169, %swap3A_170], %swap3A_173 {strides = array<i32>} : memref<16x128xi32, #tpu.memory_space<vmem>>, vector<1x16xi32>,
    }
    %scan3A_11 = arith.constant 8 : i32
    %scan3A_12 = arith.constant 0 : i32
    %scan3A_13 = arith.constant 0 : i32
    %scan3A_14 = arith.constant 8 : i32
    %scan3A_15 = arith.addi %scan3A_13, %scan3A_14 : i32
    %scan3A_16 = arith.constant 1 : i32
    scf.for %scan3A_138 = %scan3A_13 to %scan3A_15 step %scan3A_16  : i32 {
      %mul3A_139 = arith.constant 16 : i32
      %mul3A_140 = arith.muli %scan3A_138, %mul3A_139 : i32
      %get3A = arith.constant 1 : i32
      %get3A_141 = arith.index_cast %get3A : i32 to index
      %get3A_142 = arith.index_cast %mul3A_140 : i32 to index
      %get3A_143 = tpu.vector_load %arg7[%get3A_141, %get3A_142] {strides = array<i32>} : memref<16x128xi32, #tpu.memory_space<vmem>>, vector<1x16xi32>,
      %get3A_144 = vector.shape_cast %get3A_143 : vector<1x16xi32> to vector<16xi32>
      %mul3A_145 = arith.constant 16 : i32
      %mul3A_146 = arith.muli %scan3A_138, %mul3A_145 : i32
      %get3A_147 = arith.constant 1 : i32
      %get3A_148 = arith.index_cast %get3A_147 : i32 to index
      %get3A_149 = arith.index_cast %mul3A_146 : i32 to index
      %get3A_150 = tpu.vector_load %arg8[%get3A_148, %get3A_149] {strides = array<i32>} : memref<16x128xi32, #tpu.memory_space<vmem>>, vector<1x16xi32>,
      %get3A_151 = vector.shape_cast %get3A_150 : vector<1x16xi32> to vector<16xi32>
      %shift_right_logical3A = arith.constant 7 : i32
      %shift_right_logical3A_152 = vector.broadcast %shift_right_logical3A : i32 to vector<16xi32>
      %shift_right_logical3A_153 = arith.shrui %get3A_151, %shift_right_logical3A_152 : vector<16xi32>
      %mul3A_154 = arith.constant 16384 : i32
      %mul3A_155 = vector.broadcast %mul3A_154 : i32 to vector<16xi32>
      %mul3A_156 = arith.muli %shift_right_logical3A_153, %mul3A_155 : vector<16xi32>
      %and3A = arith.constant 127 : i32
      %and3A_157 = vector.broadcast %and3A : i32 to vector<16xi32>
      %and3A_158 = arith.andi %get3A_151, %and3A_157 : vector<16xi32>
      %mul3A_159 = arith.constant 128 : i32
      %mul3A_160 = vector.broadcast %mul3A_159 : i32 to vector<16xi32>
      %mul3A_161 = arith.muli %and3A_158, %mul3A_160 : vector<16xi32>
      %add3A_162 = arith.addi %mul3A_156, %mul3A_161 : vector<16xi32>
      %and3A_163 = arith.constant 127 : i32
      %and3A_164 = vector.broadcast %and3A_163 : i32 to vector<16xi32>
      %and3A_165 = arith.andi %get3A_144, %and3A_164 : vector<16xi32>
      %add3A_166 = arith.addi %add3A_162, %and3A_165 : vector<16xi32>
      %mul3A_167 = arith.constant 16 : i32
      %mul3A_168 = arith.muli %scan3A_138, %mul3A_167 : i32
      %swap3A = arith.constant 1 : i32
      %swap3A_169 = arith.index_cast %swap3A : i32 to index
      %swap3A_170 = arith.index_cast %mul3A_168 : i32 to index
      %swap3A_171 = tpu.vector_load %arg10[%swap3A_169, %swap3A_170] {strides = array<i32>} : memref<16x128xi32, #tpu.memory_space<vmem>>, vector<1x16xi32>,
      %swap3A_172 = vector.shape_cast %swap3A_171 : vector<1x16xi32> to vector<16xi32>
      %swap3A_173 = vector.shape_cast %add3A_166 : vector<16xi32> to vector<1x16xi32>
      tpu.vector_store %arg10[%swap3A_169, %swap3A_170], %swap3A_173 {strides = array<i32>} : memref<16x128xi32, #tpu.memory_space<vmem>>, vector<1x16xi32>,
    }
    %scan3A_17 = arith.constant 8 : i32
    %scan3A_18 = arith.constant 0 : i32
    %scan3A_19 = arith.constant 0 : i32
    %scan3A_20 = arith.constant 8 : i32
    %scan3A_21 = arith.addi %scan3A_19, %scan3A_20 : i32
    %scan3A_22 = arith.constant 1 : i32
    scf.for %scan3A_138 = %scan3A_19 to %scan3A_21 step %scan3A_22  : i32 {
      %mul3A_139 = arith.constant 16 : i32
      %mul3A_140 = arith.muli %scan3A_138, %mul3A_139 : i32
      %get3A = arith.constant 2 : i32
      %get3A_141 = arith.index_cast %get3A : i32 to index
      %get3A_142 = arith.index_cast %mul3A_140 : i32 to index
      %get3A_143 = tpu.vector_load %arg7[%get3A_141, %get3A_142] {strides = array<i32>} : memref<16x128xi32, #tpu.memory_space<vmem>>, vector<1x16xi32>,
      %get3A_144 = vector.shape_cast %get3A_143 : vector<1x16xi32> to vector<16xi32>
      %mul3A_145 = arith.constant 16 : i32
      %mul3A_146 = arith.muli %scan3A_138, %mul3A_145 : i32
      %get3A_147 = arith.constant 2 : i32
      %get3A_148 = arith.index_cast %get3A_147 : i32 to index
      %get3A_149 = arith.index_cast %mul3A_146 : i32 to index
      %get3A_150 = tpu.vector_load %arg8[%get3A_148, %get3A_149] {strides = array<i32>} : memref<16x128xi32, #tpu.memory_space<vmem>>, vector<1x16xi32>,
      %get3A_151 = vector.shape_cast %get3A_150 : vector<1x16xi32> to vector<16xi32>
      %shift_right_logical3A = arith.constant 7 : i32
      %shift_right_logical3A_152 = vector.broadcast %shift_right_logical3A : i32 to vector<16xi32>
      %shift_right_logical3A_153 = arith.shrui %get3A_151, %shift_right_logical3A_152 : vector<16xi32>
      %mul3A_154 = arith.constant 16384 : i32
      %mul3A_155 = vector.broadcast %mul3A_154 : i32 to vector<16xi32>
      %mul3A_156 = arith.muli %shift_right_logical3A_153, %mul3A_155 : vector<16xi32>
      %and3A = arith.constant 127 : i32
      %and3A_157 = vector.broadcast %and3A : i32 to vector<16xi32>
      %and3A_158 = arith.andi %get3A_151, %and3A_157 : vector<16xi32>
      %mul3A_159 = arith.constant 128 : i32
      %mul3A_160 = vector.broadcast %mul3A_159 : i32 to vector<16xi32>
      %mul3A_161 = arith.muli %and3A_158, %mul3A_160 : vector<16xi32>
      %add3A_162 = arith.addi %mul3A_156, %mul3A_161 : vector<16xi32>
      %and3A_163 = arith.constant 127 : i32
      %and3A_164 = vector.broadcast %and3A_163 : i32 to vector<16xi32>
      %and3A_165 = arith.andi %get3A_144, %and3A_164 : vector<16xi32>
      %add3A_166 = arith.addi %add3A_162, %and3A_165 : vector<16xi32>
      %mul3A_167 = arith.constant 16 : i32
      %mul3A_168 = arith.muli %scan3A_138, %mul3A_167 : i32
      %swap3A = arith.constant 2 : i32
      %swap3A_169 = arith.index_cast %swap3A : i32 to index
      %swap3A_170 = arith.index_cast %mul3A_168 : i32 to index
      %swap3A_171 = tpu.vector_load %arg10[%swap3A_169, %swap3A_170] {strides = array<i32>} : memref<16x128xi32, #tpu.memory_space<vmem>>, vector<1x16xi32>,
      %swap3A_172 = vector.shape_cast %swap3A_171 : vector<1x16xi32> to vector<16xi32>
      %swap3A_173 = vector.shape_cast %add3A_166 : vector<16xi32> to vector<1x16xi32>
      tpu.vector_store %arg10[%swap3A_169, %swap3A_170], %swap3A_173 {strides = array<i32>} : memref<16x128xi32, #tpu.memory_space<vmem>>, vector<1x16xi32>,
    }
    %scan3A_23 = arith.constant 8 : i32
    %scan3A_24 = arith.constant 0 : i32
    %scan3A_25 = arith.constant 0 : i32
    %scan3A_26 = arith.constant 8 : i32
    %scan3A_27 = arith.addi %scan3A_25, %scan3A_26 : i32
    %scan3A_28 = arith.constant 1 : i32
    scf.for %scan3A_138 = %scan3A_25 to %scan3A_27 step %scan3A_28  : i32 {
      %mul3A_139 = arith.constant 16 : i32
      %mul3A_140 = arith.muli %scan3A_138, %mul3A_139 : i32
      %get3A = arith.constant 3 : i32
      %get3A_141 = arith.index_cast %get3A : i32 to index
      %get3A_142 = arith.index_cast %mul3A_140 : i32 to index
      %get3A_143 = tpu.vector_load %arg7[%get3A_141, %get3A_142] {strides = array<i32>} : memref<16x128xi32, #tpu.memory_space<vmem>>, vector<1x16xi32>,
      %get3A_144 = vector.shape_cast %get3A_143 : vector<1x16xi32> to vector<16xi32>
      %mul3A_145 = arith.constant 16 : i32
      %mul3A_146 = arith.muli %scan3A_138, %mul3A_145 : i32
      %get3A_147 = arith.constant 3 : i32
      %get3A_148 = arith.index_cast %get3A_147 : i32 to index
      %get3A_149 = arith.index_cast %mul3A_146 : i32 to index
      %get3A_150 = tpu.vector_load %arg8[%get3A_148, %get3A_149] {strides = array<i32>} : memref<16x128xi32, #tpu.memory_space<vmem>>, vector<1x16xi32>,
      %get3A_151 = vector.shape_cast %get3A_150 : vector<1x16xi32> to vector<16xi32>
      %shift_right_logical3A = arith.constant 7 : i32
      %shift_right_logical3A_152 = vector.broadcast %shift_right_logical3A : i32 to vector<16xi32>
      %shift_right_logical3A_153 = arith.shrui %get3A_151, %shift_right_logical3A_152 : vector<16xi32>
      %mul3A_154 = arith.constant 16384 : i32
      %mul3A_155 = vector.broadcast %mul3A_154 : i32 to vector<16xi32>
      %mul3A_156 = arith.muli %shift_right_logical3A_153, %mul3A_155 : vector<16xi32>
      %and3A = arith.constant 127 : i32
      %and3A_157 = vector.broadcast %and3A : i32 to vector<16xi32>
      %and3A_158 = arith.andi %get3A_151, %and3A_157 : vector<16xi32>
      %mul3A_159 = arith.constant 128 : i32
      %mul3A_160 = vector.broadcast %mul3A_159 : i32 to vector<16xi32>
      %mul3A_161 = arith.muli %and3A_158, %mul3A_160 : vector<16xi32>
      %add3A_162 = arith.addi %mul3A_156, %mul3A_161 : vector<16xi32>
      %and3A_163 = arith.constant 127 : i32
      %and3A_164 = vector.broadcast %and3A_163 : i32 to vector<16xi32>
      %and3A_165 = arith.andi %get3A_144, %and3A_164 : vector<16xi32>
      %add3A_166 = arith.addi %add3A_162, %and3A_165 : vector<16xi32>
      %mul3A_167 = arith.constant 16 : i32
      %mul3A_168 = arith.muli %scan3A_138, %mul3A_167 : i32
      %swap3A = arith.constant 3 : i32
      %swap3A_169 = arith.index_cast %swap3A : i32 to index
      %swap3A_170 = arith.index_cast %mul3A_168 : i32 to index
      %swap3A_171 = tpu.vector_load %arg10[%swap3A_169, %swap3A_170] {strides = array<i32>} : memref<16x128xi32, #tpu.memory_space<vmem>>, vector<1x16xi32>,
      %swap3A_172 = vector.shape_cast %swap3A_171 : vector<1x16xi32> to vector<16xi32>
      %swap3A_173 = vector.shape_cast %add3A_166 : vector<16xi32> to vector<1x16xi32>
      tpu.vector_store %arg10[%swap3A_169, %swap3A_170], %swap3A_173 {strides = array<i32>} : memref<16x128xi32, #tpu.memory_space<vmem>>, vector<1x16xi32>,
    }
    %scan3A_29 = arith.constant 8 : i32
    %scan3A_30 = arith.constant 0 : i32
    %scan3A_31 = arith.constant 0 : i32
    %scan3A_32 = arith.constant 8 : i32
    %scan3A_33 = arith.addi %scan3A_31, %scan3A_32 : i32
    %scan3A_34 = arith.constant 1 : i32
    scf.for %scan3A_138 = %scan3A_31 to %scan3A_33 step %scan3A_34  : i32 {
      %mul3A_139 = arith.constant 16 : i32
      %mul3A_140 = arith.muli %scan3A_138, %mul3A_139 : i32
      %get3A = arith.constant 4 : i32
      %get3A_141 = arith.index_cast %get3A : i32 to index
      %get3A_142 = arith.index_cast %mul3A_140 : i32 to index
      %get3A_143 = tpu.vector_load %arg7[%get3A_141, %get3A_142] {strides = array<i32>} : memref<16x128xi32, #tpu.memory_space<vmem>>, vector<1x16xi32>,
      %get3A_144 = vector.shape_cast %get3A_143 : vector<1x16xi32> to vector<16xi32>
      %mul3A_145 = arith.constant 16 : i32
      %mul3A_146 = arith.muli %scan3A_138, %mul3A_145 : i32
      %get3A_147 = arith.constant 4 : i32
      %get3A_148 = arith.index_cast %get3A_147 : i32 to index
      %get3A_149 = arith.index_cast %mul3A_146 : i32 to index
      %get3A_150 = tpu.vector_load %arg8[%get3A_148, %get3A_149] {strides = array<i32>} : memref<16x128xi32, #tpu.memory_space<vmem>>, vector<1x16xi32>,
      %get3A_151 = vector.shape_cast %get3A_150 : vector<1x16xi32> to vector<16xi32>
      %shift_right_logical3A = arith.constant 7 : i32
      %shift_right_logical3A_152 = vector.broadcast %shift_right_logical3A : i32 to vector<16xi32>
      %shift_right_logical3A_153 = arith.shrui %get3A_151, %shift_right_logical3A_152 : vector<16xi32>
      %mul3A_154 = arith.constant 16384 : i32
      %mul3A_155 = vector.broadcast %mul3A_154 : i32 to vector<16xi32>
      %mul3A_156 = arith.muli %shift_right_logical3A_153, %mul3A_155 : vector<16xi32>
      %and3A = arith.constant 127 : i32
      %and3A_157 = vector.broadcast %and3A : i32 to vector<16xi32>
      %and3A_158 = arith.andi %get3A_151, %and3A_157 : vector<16xi32>
      %mul3A_159 = arith.constant 128 : i32
      %mul3A_160 = vector.broadcast %mul3A_159 : i32 to vector<16xi32>
      %mul3A_161 = arith.muli %and3A_158, %mul3A_160 : vector<16xi32>
      %add3A_162 = arith.addi %mul3A_156, %mul3A_161 : vector<16xi32>
      %and3A_163 = arith.constant 127 : i32
      %and3A_164 = vector.broadcast %and3A_163 : i32 to vector<16xi32>
      %and3A_165 = arith.andi %get3A_144, %and3A_164 : vector<16xi32>
      %add3A_166 = arith.addi %add3A_162, %and3A_165 : vector<16xi32>
      %mul3A_167 = arith.constant 16 : i32
      %mul3A_168 = arith.muli %scan3A_138, %mul3A_167 : i32
      %swap3A = arith.constant 4 : i32
      %swap3A_169 = arith.index_cast %swap3A : i32 to index
      %swap3A_170 = arith.index_cast %mul3A_168 : i32 to index
      %swap3A_171 = tpu.vector_load %arg10[%swap3A_169, %swap3A_170] {strides = array<i32>} : memref<16x128xi32, #tpu.memory_space<vmem>>, vector<1x16xi32>,
      %swap3A_172 = vector.shape_cast %swap3A_171 : vector<1x16xi32> to vector<16xi32>
      %swap3A_173 = vector.shape_cast %add3A_166 : vector<16xi32> to vector<1x16xi32>
      tpu.vector_store %arg10[%swap3A_169, %swap3A_170], %swap3A_173 {strides = array<i32>} : memref<16x128xi32, #tpu.memory_space<vmem>>, vector<1x16xi32>,
    }
    %scan3A_35 = arith.constant 8 : i32
    %scan3A_36 = arith.constant 0 : i32
    %scan3A_37 = arith.constant 0 : i32
    %scan3A_38 = arith.constant 8 : i32
    %scan3A_39 = arith.addi %scan3A_37, %scan3A_38 : i32
    %scan3A_40 = arith.constant 1 : i32
    scf.for %scan3A_138 = %scan3A_37 to %scan3A_39 step %scan3A_40  : i32 {
      %mul3A_139 = arith.constant 16 : i32
      %mul3A_140 = arith.muli %scan3A_138, %mul3A_139 : i32
      %get3A = arith.constant 5 : i32
      %get3A_141 = arith.index_cast %get3A : i32 to index
      %get3A_142 = arith.index_cast %mul3A_140 : i32 to index
      %get3A_143 = tpu.vector_load %arg7[%get3A_141, %get3A_142] {strides = array<i32>} : memref<16x128xi32, #tpu.memory_space<vmem>>, vector<1x16xi32>,
      %get3A_144 = vector.shape_cast %get3A_143 : vector<1x16xi32> to vector<16xi32>
      %mul3A_145 = arith.constant 16 : i32
      %mul3A_146 = arith.muli %scan3A_138, %mul3A_145 : i32
      %get3A_147 = arith.constant 5 : i32
      %get3A_148 = arith.index_cast %get3A_147 : i32 to index
      %get3A_149 = arith.index_cast %mul3A_146 : i32 to index
      %get3A_150 = tpu.vector_load %arg8[%get3A_148, %get3A_149] {strides = array<i32>} : memref<16x128xi32, #tpu.memory_space<vmem>>, vector<1x16xi32>,
      %get3A_151 = vector.shape_cast %get3A_150 : vector<1x16xi32> to vector<16xi32>
      %shift_right_logical3A = arith.constant 7 : i32
      %shift_right_logical3A_152 = vector.broadcast %shift_right_logical3A : i32 to vector<16xi32>
      %shift_right_logical3A_153 = arith.shrui %get3A_151, %shift_right_logical3A_152 : vector<16xi32>
      %mul3A_154 = arith.constant 16384 : i32
      %mul3A_155 = vector.broadcast %mul3A_154 : i32 to vector<16xi32>
      %mul3A_156 = arith.muli %shift_right_logical3A_153, %mul3A_155 : vector<16xi32>
      %and3A = arith.constant 127 : i32
      %and3A_157 = vector.broadcast %and3A : i32 to vector<16xi32>
      %and3A_158 = arith.andi %get3A_151, %and3A_157 : vector<16xi32>
      %mul3A_159 = arith.constant 128 : i32
      %mul3A_160 = vector.broadcast %mul3A_159 : i32 to vector<16xi32>
      %mul3A_161 = arith.muli %and3A_158, %mul3A_160 : vector<16xi32>
      %add3A_162 = arith.addi %mul3A_156, %mul3A_161 : vector<16xi32>
      %and3A_163 = arith.constant 127 : i32
      %and3A_164 = vector.broadcast %and3A_163 : i32 to vector<16xi32>
      %and3A_165 = arith.andi %get3A_144, %and3A_164 : vector<16xi32>
      %add3A_166 = arith.addi %add3A_162, %and3A_165 : vector<16xi32>
      %mul3A_167 = arith.constant 16 : i32
      %mul3A_168 = arith.muli %scan3A_138, %mul3A_167 : i32
      %swap3A = arith.constant 5 : i32
      %swap3A_169 = arith.index_cast %swap3A : i32 to index
      %swap3A_170 = arith.index_cast %mul3A_168 : i32 to index
      %swap3A_171 = tpu.vector_load %arg10[%swap3A_169, %swap3A_170] {strides = array<i32>} : memref<16x128xi32, #tpu.memory_space<vmem>>, vector<1x16xi32>,
      %swap3A_172 = vector.shape_cast %swap3A_171 : vector<1x16xi32> to vector<16xi32>
      %swap3A_173 = vector.shape_cast %add3A_166 : vector<16xi32> to vector<1x16xi32>
      tpu.vector_store %arg10[%swap3A_169, %swap3A_170], %swap3A_173 {strides = array<i32>} : memref<16x128xi32, #tpu.memory_space<vmem>>, vector<1x16xi32>,
    }
    %scan3A_41 = arith.constant 8 : i32
    %scan3A_42 = arith.constant 0 : i32
    %scan3A_43 = arith.constant 0 : i32
    %scan3A_44 = arith.constant 8 : i32
    %scan3A_45 = arith.addi %scan3A_43, %scan3A_44 : i32
    %scan3A_46 = arith.constant 1 : i32
    scf.for %scan3A_138 = %scan3A_43 to %scan3A_45 step %scan3A_46  : i32 {
      %mul3A_139 = arith.constant 16 : i32
      %mul3A_140 = arith.muli %scan3A_138, %mul3A_139 : i32
      %get3A = arith.constant 6 : i32
      %get3A_141 = arith.index_cast %get3A : i32 to index
      %get3A_142 = arith.index_cast %mul3A_140 : i32 to index
      %get3A_143 = tpu.vector_load %arg7[%get3A_141, %get3A_142] {strides = array<i32>} : memref<16x128xi32, #tpu.memory_space<vmem>>, vector<1x16xi32>,
      %get3A_144 = vector.shape_cast %get3A_143 : vector<1x16xi32> to vector<16xi32>
      %mul3A_145 = arith.constant 16 : i32
      %mul3A_146 = arith.muli %scan3A_138, %mul3A_145 : i32
      %get3A_147 = arith.constant 6 : i32
      %get3A_148 = arith.index_cast %get3A_147 : i32 to index
      %get3A_149 = arith.index_cast %mul3A_146 : i32 to index
      %get3A_150 = tpu.vector_load %arg8[%get3A_148, %get3A_149] {strides = array<i32>} : memref<16x128xi32, #tpu.memory_space<vmem>>, vector<1x16xi32>,
      %get3A_151 = vector.shape_cast %get3A_150 : vector<1x16xi32> to vector<16xi32>
      %shift_right_logical3A = arith.constant 7 : i32
      %shift_right_logical3A_152 = vector.broadcast %shift_right_logical3A : i32 to vector<16xi32>
      %shift_right_logical3A_153 = arith.shrui %get3A_151, %shift_right_logical3A_152 : vector<16xi32>
      %mul3A_154 = arith.constant 16384 : i32
      %mul3A_155 = vector.broadcast %mul3A_154 : i32 to vector<16xi32>
      %mul3A_156 = arith.muli %shift_right_logical3A_153, %mul3A_155 : vector<16xi32>
      %and3A = arith.constant 127 : i32
      %and3A_157 = vector.broadcast %and3A : i32 to vector<16xi32>
      %and3A_158 = arith.andi %get3A_151, %and3A_157 : vector<16xi32>
      %mul3A_159 = arith.constant 128 : i32
      %mul3A_160 = vector.broadcast %mul3A_159 : i32 to vector<16xi32>
      %mul3A_161 = arith.muli %and3A_158, %mul3A_160 : vector<16xi32>
      %add3A_162 = arith.addi %mul3A_156, %mul3A_161 : vector<16xi32>
      %and3A_163 = arith.constant 127 : i32
      %and3A_164 = vector.broadcast %and3A_163 : i32 to vector<16xi32>
      %and3A_165 = arith.andi %get3A_144, %and3A_164 : vector<16xi32>
      %add3A_166 = arith.addi %add3A_162, %and3A_165 : vector<16xi32>
      %mul3A_167 = arith.constant 16 : i32
      %mul3A_168 = arith.muli %scan3A_138, %mul3A_167 : i32
      %swap3A = arith.constant 6 : i32
      %swap3A_169 = arith.index_cast %swap3A : i32 to index
      %swap3A_170 = arith.index_cast %mul3A_168 : i32 to index
      %swap3A_171 = tpu.vector_load %arg10[%swap3A_169, %swap3A_170] {strides = array<i32>} : memref<16x128xi32, #tpu.memory_space<vmem>>, vector<1x16xi32>,
      %swap3A_172 = vector.shape_cast %swap3A_171 : vector<1x16xi32> to vector<16xi32>
      %swap3A_173 = vector.shape_cast %add3A_166 : vector<16xi32> to vector<1x16xi32>
      tpu.vector_store %arg10[%swap3A_169, %swap3A_170], %swap3A_173 {strides = array<i32>} : memref<16x128xi32, #tpu.memory_space<vmem>>, vector<1x16xi32>,
    }
    %scan3A_47 = arith.constant 8 : i32
    %scan3A_48 = arith.constant 0 : i32
    %scan3A_49 = arith.constant 0 : i32
    %scan3A_50 = arith.constant 8 : i32
    %scan3A_51 = arith.addi %scan3A_49, %scan3A_50 : i32
    %scan3A_52 = arith.constant 1 : i32
    scf.for %scan3A_138 = %scan3A_49 to %scan3A_51 step %scan3A_52  : i32 {
      %mul3A_139 = arith.constant 16 : i32
      %mul3A_140 = arith.muli %scan3A_138, %mul3A_139 : i32
      %get3A = arith.constant 7 : i32
      %get3A_141 = arith.index_cast %get3A : i32 to index
      %get3A_142 = arith.index_cast %mul3A_140 : i32 to index
      %get3A_143 = tpu.vector_load %arg7[%get3A_141, %get3A_142] {strides = array<i32>} : memref<16x128xi32, #tpu.memory_space<vmem>>, vector<1x16xi32>,
      %get3A_144 = vector.shape_cast %get3A_143 : vector<1x16xi32> to vector<16xi32>
      %mul3A_145 = arith.constant 16 : i32
      %mul3A_146 = arith.muli %scan3A_138, %mul3A_145 : i32
      %get3A_147 = arith.constant 7 : i32
      %get3A_148 = arith.index_cast %get3A_147 : i32 to index
      %get3A_149 = arith.index_cast %mul3A_146 : i32 to index
      %get3A_150 = tpu.vector_load %arg8[%get3A_148, %get3A_149] {strides = array<i32>} : memref<16x128xi32, #tpu.memory_space<vmem>>, vector<1x16xi32>,
      %get3A_151 = vector.shape_cast %get3A_150 : vector<1x16xi32> to vector<16xi32>
      %shift_right_logical3A = arith.constant 7 : i32
      %shift_right_logical3A_152 = vector.broadcast %shift_right_logical3A : i32 to vector<16xi32>
      %shift_right_logical3A_153 = arith.shrui %get3A_151, %shift_right_logical3A_152 : vector<16xi32>
      %mul3A_154 = arith.constant 16384 : i32
      %mul3A_155 = vector.broadcast %mul3A_154 : i32 to vector<16xi32>
      %mul3A_156 = arith.muli %shift_right_logical3A_153, %mul3A_155 : vector<16xi32>
      %and3A = arith.constant 127 : i32
      %and3A_157 = vector.broadcast %and3A : i32 to vector<16xi32>
      %and3A_158 = arith.andi %get3A_151, %and3A_157 : vector<16xi32>
      %mul3A_159 = arith.constant 128 : i32
      %mul3A_160 = vector.broadcast %mul3A_159 : i32 to vector<16xi32>
      %mul3A_161 = arith.muli %and3A_158, %mul3A_160 : vector<16xi32>
      %add3A_162 = arith.addi %mul3A_156, %mul3A_161 : vector<16xi32>
      %and3A_163 = arith.constant 127 : i32
      %and3A_164 = vector.broadcast %and3A_163 : i32 to vector<16xi32>
      %and3A_165 = arith.andi %get3A_144, %and3A_164 : vector<16xi32>
      %add3A_166 = arith.addi %add3A_162, %and3A_165 : vector<16xi32>
      %mul3A_167 = arith.constant 16 : i32
      %mul3A_168 = arith.muli %scan3A_138, %mul3A_167 : i32
      %swap3A = arith.constant 7 : i32
      %swap3A_169 = arith.index_cast %swap3A : i32 to index
      %swap3A_170 = arith.index_cast %mul3A_168 : i32 to index
      %swap3A_171 = tpu.vector_load %arg10[%swap3A_169, %swap3A_170] {strides = array<i32>} : memref<16x128xi32, #tpu.memory_space<vmem>>, vector<1x16xi32>,
      %swap3A_172 = vector.shape_cast %swap3A_171 : vector<1x16xi32> to vector<16xi32>
      %swap3A_173 = vector.shape_cast %add3A_166 : vector<16xi32> to vector<1x16xi32>
      tpu.vector_store %arg10[%swap3A_169, %swap3A_170], %swap3A_173 {strides = array<i32>} : memref<16x128xi32, #tpu.memory_space<vmem>>, vector<1x16xi32>,
    }
    %scan3A_53 = arith.constant 8 : i32
    %scan3A_54 = arith.constant 0 : i32
    %scan3A_55 = arith.constant 0 : i32
    %scan3A_56 = arith.constant 8 : i32
    %scan3A_57 = arith.addi %scan3A_55, %scan3A_56 : i32
    %scan3A_58 = arith.constant 1 : i32
    scf.for %scan3A_138 = %scan3A_55 to %scan3A_57 step %scan3A_58  : i32 {
      %mul3A_139 = arith.constant 16 : i32
      %mul3A_140 = arith.muli %scan3A_138, %mul3A_139 : i32
      %get3A = arith.constant 8 : i32
      %get3A_141 = arith.index_cast %get3A : i32 to index
      %get3A_142 = arith.index_cast %mul3A_140 : i32 to index
      %get3A_143 = tpu.vector_load %arg7[%get3A_141, %get3A_142] {strides = array<i32>} : memref<16x128xi32, #tpu.memory_space<vmem>>, vector<1x16xi32>,
      %get3A_144 = vector.shape_cast %get3A_143 : vector<1x16xi32> to vector<16xi32>
      %mul3A_145 = arith.constant 16 : i32
      %mul3A_146 = arith.muli %scan3A_138, %mul3A_145 : i32
      %get3A_147 = arith.constant 8 : i32
      %get3A_148 = arith.index_cast %get3A_147 : i32 to index
      %get3A_149 = arith.index_cast %mul3A_146 : i32 to index
      %get3A_150 = tpu.vector_load %arg8[%get3A_148, %get3A_149] {strides = array<i32>} : memref<16x128xi32, #tpu.memory_space<vmem>>, vector<1x16xi32>,
      %get3A_151 = vector.shape_cast %get3A_150 : vector<1x16xi32> to vector<16xi32>
      %shift_right_logical3A = arith.constant 7 : i32
      %shift_right_logical3A_152 = vector.broadcast %shift_right_logical3A : i32 to vector<16xi32>
      %shift_right_logical3A_153 = arith.shrui %get3A_151, %shift_right_logical3A_152 : vector<16xi32>
      %mul3A_154 = arith.constant 16384 : i32
      %mul3A_155 = vector.broadcast %mul3A_154 : i32 to vector<16xi32>
      %mul3A_156 = arith.muli %shift_right_logical3A_153, %mul3A_155 : vector<16xi32>
      %and3A = arith.constant 127 : i32
      %and3A_157 = vector.broadcast %and3A : i32 to vector<16xi32>
      %and3A_158 = arith.andi %get3A_151, %and3A_157 : vector<16xi32>
      %mul3A_159 = arith.constant 128 : i32
      %mul3A_160 = vector.broadcast %mul3A_159 : i32 to vector<16xi32>
      %mul3A_161 = arith.muli %and3A_158, %mul3A_160 : vector<16xi32>
      %add3A_162 = arith.addi %mul3A_156, %mul3A_161 : vector<16xi32>
      %and3A_163 = arith.constant 127 : i32
      %and3A_164 = vector.broadcast %and3A_163 : i32 to vector<16xi32>
      %and3A_165 = arith.andi %get3A_144, %and3A_164 : vector<16xi32>
      %add3A_166 = arith.addi %add3A_162, %and3A_165 : vector<16xi32>
      %mul3A_167 = arith.constant 16 : i32
      %mul3A_168 = arith.muli %scan3A_138, %mul3A_167 : i32
      %swap3A = arith.constant 8 : i32
      %swap3A_169 = arith.index_cast %swap3A : i32 to index
      %swap3A_170 = arith.index_cast %mul3A_168 : i32 to index
      %swap3A_171 = tpu.vector_load %arg10[%swap3A_169, %swap3A_170] {strides = array<i32>} : memref<16x128xi32, #tpu.memory_space<vmem>>, vector<1x16xi32>,
      %swap3A_172 = vector.shape_cast %swap3A_171 : vector<1x16xi32> to vector<16xi32>
      %swap3A_173 = vector.shape_cast %add3A_166 : vector<16xi32> to vector<1x16xi32>
      tpu.vector_store %arg10[%swap3A_169, %swap3A_170], %swap3A_173 {strides = array<i32>} : memref<16x128xi32, #tpu.memory_space<vmem>>, vector<1x16xi32>,
    }
    %scan3A_59 = arith.constant 8 : i32
    %scan3A_60 = arith.constant 0 : i32
    %scan3A_61 = arith.constant 0 : i32
    %scan3A_62 = arith.constant 8 : i32
    %scan3A_63 = arith.addi %scan3A_61, %scan3A_62 : i32
    %scan3A_64 = arith.constant 1 : i32
    scf.for %scan3A_138 = %scan3A_61 to %scan3A_63 step %scan3A_64  : i32 {
      %mul3A_139 = arith.constant 16 : i32
      %mul3A_140 = arith.muli %scan3A_138, %mul3A_139 : i32
      %get3A = arith.constant 9 : i32
      %get3A_141 = arith.index_cast %get3A : i32 to index
      %get3A_142 = arith.index_cast %mul3A_140 : i32 to index
      %get3A_143 = tpu.vector_load %arg7[%get3A_141, %get3A_142] {strides = array<i32>} : memref<16x128xi32, #tpu.memory_space<vmem>>, vector<1x16xi32>,
      %get3A_144 = vector.shape_cast %get3A_143 : vector<1x16xi32> to vector<16xi32>
      %mul3A_145 = arith.constant 16 : i32
      %mul3A_146 = arith.muli %scan3A_138, %mul3A_145 : i32
      %get3A_147 = arith.constant 9 : i32
      %get3A_148 = arith.index_cast %get3A_147 : i32 to index
      %get3A_149 = arith.index_cast %mul3A_146 : i32 to index
      %get3A_150 = tpu.vector_load %arg8[%get3A_148, %get3A_149] {strides = array<i32>} : memref<16x128xi32, #tpu.memory_space<vmem>>, vector<1x16xi32>,
      %get3A_151 = vector.shape_cast %get3A_150 : vector<1x16xi32> to vector<16xi32>
      %shift_right_logical3A = arith.constant 7 : i32
      %shift_right_logical3A_152 = vector.broadcast %shift_right_logical3A : i32 to vector<16xi32>
      %shift_right_logical3A_153 = arith.shrui %get3A_151, %shift_right_logical3A_152 : vector<16xi32>
      %mul3A_154 = arith.constant 16384 : i32
      %mul3A_155 = vector.broadcast %mul3A_154 : i32 to vector<16xi32>
      %mul3A_156 = arith.muli %shift_right_logical3A_153, %mul3A_155 : vector<16xi32>
      %and3A = arith.constant 127 : i32
      %and3A_157 = vector.broadcast %and3A : i32 to vector<16xi32>
      %and3A_158 = arith.andi %get3A_151, %and3A_157 : vector<16xi32>
      %mul3A_159 = arith.constant 128 : i32
      %mul3A_160 = vector.broadcast %mul3A_159 : i32 to vector<16xi32>
      %mul3A_161 = arith.muli %and3A_158, %mul3A_160 : vector<16xi32>
      %add3A_162 = arith.addi %mul3A_156, %mul3A_161 : vector<16xi32>
      %and3A_163 = arith.constant 127 : i32
      %and3A_164 = vector.broadcast %and3A_163 : i32 to vector<16xi32>
      %and3A_165 = arith.andi %get3A_144, %and3A_164 : vector<16xi32>
      %add3A_166 = arith.addi %add3A_162, %and3A_165 : vector<16xi32>
      %mul3A_167 = arith.constant 16 : i32
      %mul3A_168 = arith.muli %scan3A_138, %mul3A_167 : i32
      %swap3A = arith.constant 9 : i32
      %swap3A_169 = arith.index_cast %swap3A : i32 to index
      %swap3A_170 = arith.index_cast %mul3A_168 : i32 to index
      %swap3A_171 = tpu.vector_load %arg10[%swap3A_169, %swap3A_170] {strides = array<i32>} : memref<16x128xi32, #tpu.memory_space<vmem>>, vector<1x16xi32>,
      %swap3A_172 = vector.shape_cast %swap3A_171 : vector<1x16xi32> to vector<16xi32>
      %swap3A_173 = vector.shape_cast %add3A_166 : vector<16xi32> to vector<1x16xi32>
      tpu.vector_store %arg10[%swap3A_169, %swap3A_170], %swap3A_173 {strides = array<i32>} : memref<16x128xi32, #tpu.memory_space<vmem>>, vector<1x16xi32>,
    }
    %scan3A_65 = arith.constant 8 : i32
    %scan3A_66 = arith.constant 0 : i32
    %scan3A_67 = arith.constant 0 : i32
    %scan3A_68 = arith.constant 8 : i32
    %scan3A_69 = arith.addi %scan3A_67, %scan3A_68 : i32
    %scan3A_70 = arith.constant 1 : i32
    scf.for %scan3A_138 = %scan3A_67 to %scan3A_69 step %scan3A_70  : i32 {
      %mul3A_139 = arith.constant 16 : i32
      %mul3A_140 = arith.muli %scan3A_138, %mul3A_139 : i32
      %get3A = arith.constant 10 : i32
      %get3A_141 = arith.index_cast %get3A : i32 to index
      %get3A_142 = arith.index_cast %mul3A_140 : i32 to index
      %get3A_143 = tpu.vector_load %arg7[%get3A_141, %get3A_142] {strides = array<i32>} : memref<16x128xi32, #tpu.memory_space<vmem>>, vector<1x16xi32>,
      %get3A_144 = vector.shape_cast %get3A_143 : vector<1x16xi32> to vector<16xi32>
      %mul3A_145 = arith.constant 16 : i32
      %mul3A_146 = arith.muli %scan3A_138, %mul3A_145 : i32
      %get3A_147 = arith.constant 10 : i32
      %get3A_148 = arith.index_cast %get3A_147 : i32 to index
      %get3A_149 = arith.index_cast %mul3A_146 : i32 to index
      %get3A_150 = tpu.vector_load %arg8[%get3A_148, %get3A_149] {strides = array<i32>} : memref<16x128xi32, #tpu.memory_space<vmem>>, vector<1x16xi32>,
      %get3A_151 = vector.shape_cast %get3A_150 : vector<1x16xi32> to vector<16xi32>
      %shift_right_logical3A = arith.constant 7 : i32
      %shift_right_logical3A_152 = vector.broadcast %shift_right_logical3A : i32 to vector<16xi32>
      %shift_right_logical3A_153 = arith.shrui %get3A_151, %shift_right_logical3A_152 : vector<16xi32>
      %mul3A_154 = arith.constant 16384 : i32
      %mul3A_155 = vector.broadcast %mul3A_154 : i32 to vector<16xi32>
      %mul3A_156 = arith.muli %shift_right_logical3A_153, %mul3A_155 : vector<16xi32>
      %and3A = arith.constant 127 : i32
      %and3A_157 = vector.broadcast %and3A : i32 to vector<16xi32>
      %and3A_158 = arith.andi %get3A_151, %and3A_157 : vector<16xi32>
      %mul3A_159 = arith.constant 128 : i32
      %mul3A_160 = vector.broadcast %mul3A_159 : i32 to vector<16xi32>
      %mul3A_161 = arith.muli %and3A_158, %mul3A_160 : vector<16xi32>
      %add3A_162 = arith.addi %mul3A_156, %mul3A_161 : vector<16xi32>
      %and3A_163 = arith.constant 127 : i32
      %and3A_164 = vector.broadcast %and3A_163 : i32 to vector<16xi32>
      %and3A_165 = arith.andi %get3A_144, %and3A_164 : vector<16xi32>
      %add3A_166 = arith.addi %add3A_162, %and3A_165 : vector<16xi32>
      %mul3A_167 = arith.constant 16 : i32
      %mul3A_168 = arith.muli %scan3A_138, %mul3A_167 : i32
      %swap3A = arith.constant 10 : i32
      %swap3A_169 = arith.index_cast %swap3A : i32 to index
      %swap3A_170 = arith.index_cast %mul3A_168 : i32 to index
      %swap3A_171 = tpu.vector_load %arg10[%swap3A_169, %swap3A_170] {strides = array<i32>} : memref<16x128xi32, #tpu.memory_space<vmem>>, vector<1x16xi32>,
      %swap3A_172 = vector.shape_cast %swap3A_171 : vector<1x16xi32> to vector<16xi32>
      %swap3A_173 = vector.shape_cast %add3A_166 : vector<16xi32> to vector<1x16xi32>
      tpu.vector_store %arg10[%swap3A_169, %swap3A_170], %swap3A_173 {strides = array<i32>} : memref<16x128xi32, #tpu.memory_space<vmem>>, vector<1x16xi32>,
    }
    %scan3A_71 = arith.constant 8 : i32
    %scan3A_72 = arith.constant 0 : i32
    %scan3A_73 = arith.constant 0 : i32
    %scan3A_74 = arith.constant 8 : i32
    %scan3A_75 = arith.addi %scan3A_73, %scan3A_74 : i32
    %scan3A_76 = arith.constant 1 : i32
    scf.for %scan3A_138 = %scan3A_73 to %scan3A_75 step %scan3A_76  : i32 {
      %mul3A_139 = arith.constant 16 : i32
      %mul3A_140 = arith.muli %scan3A_138, %mul3A_139 : i32
      %get3A = arith.constant 11 : i32
      %get3A_141 = arith.index_cast %get3A : i32 to index
      %get3A_142 = arith.index_cast %mul3A_140 : i32 to index
      %get3A_143 = tpu.vector_load %arg7[%get3A_141, %get3A_142] {strides = array<i32>} : memref<16x128xi32, #tpu.memory_space<vmem>>, vector<1x16xi32>,
      %get3A_144 = vector.shape_cast %get3A_143 : vector<1x16xi32> to vector<16xi32>
      %mul3A_145 = arith.constant 16 : i32
      %mul3A_146 = arith.muli %scan3A_138, %mul3A_145 : i32
      %get3A_147 = arith.constant 11 : i32
      %get3A_148 = arith.index_cast %get3A_147 : i32 to index
      %get3A_149 = arith.index_cast %mul3A_146 : i32 to index
      %get3A_150 = tpu.vector_load %arg8[%get3A_148, %get3A_149] {strides = array<i32>} : memref<16x128xi32, #tpu.memory_space<vmem>>, vector<1x16xi32>,
      %get3A_151 = vector.shape_cast %get3A_150 : vector<1x16xi32> to vector<16xi32>
      %shift_right_logical3A = arith.constant 7 : i32
      %shift_right_logical3A_152 = vector.broadcast %shift_right_logical3A : i32 to vector<16xi32>
      %shift_right_logical3A_153 = arith.shrui %get3A_151, %shift_right_logical3A_152 : vector<16xi32>
      %mul3A_154 = arith.constant 16384 : i32
      %mul3A_155 = vector.broadcast %mul3A_154 : i32 to vector<16xi32>
      %mul3A_156 = arith.muli %shift_right_logical3A_153, %mul3A_155 : vector<16xi32>
      %and3A = arith.constant 127 : i32
      %and3A_157 = vector.broadcast %and3A : i32 to vector<16xi32>
      %and3A_158 = arith.andi %get3A_151, %and3A_157 : vector<16xi32>
      %mul3A_159 = arith.constant 128 : i32
      %mul3A_160 = vector.broadcast %mul3A_159 : i32 to vector<16xi32>
      %mul3A_161 = arith.muli %and3A_158, %mul3A_160 : vector<16xi32>
      %add3A_162 = arith.addi %mul3A_156, %mul3A_161 : vector<16xi32>
      %and3A_163 = arith.constant 127 : i32
      %and3A_164 = vector.broadcast %and3A_163 : i32 to vector<16xi32>
      %and3A_165 = arith.andi %get3A_144, %and3A_164 : vector<16xi32>
      %add3A_166 = arith.addi %add3A_162, %and3A_165 : vector<16xi32>
      %mul3A_167 = arith.constant 16 : i32
      %mul3A_168 = arith.muli %scan3A_138, %mul3A_167 : i32
      %swap3A = arith.constant 11 : i32
      %swap3A_169 = arith.index_cast %swap3A : i32 to index
      %swap3A_170 = arith.index_cast %mul3A_168 : i32 to index
      %swap3A_171 = tpu.vector_load %arg10[%swap3A_169, %swap3A_170] {strides = array<i32>} : memref<16x128xi32, #tpu.memory_space<vmem>>, vector<1x16xi32>,
      %swap3A_172 = vector.shape_cast %swap3A_171 : vector<1x16xi32> to vector<16xi32>
      %swap3A_173 = vector.shape_cast %add3A_166 : vector<16xi32> to vector<1x16xi32>
      tpu.vector_store %arg10[%swap3A_169, %swap3A_170], %swap3A_173 {strides = array<i32>} : memref<16x128xi32, #tpu.memory_space<vmem>>, vector<1x16xi32>,
    }
    %scan3A_77 = arith.constant 8 : i32
    %scan3A_78 = arith.constant 0 : i32
    %scan3A_79 = arith.constant 0 : i32
    %scan3A_80 = arith.constant 8 : i32
    %scan3A_81 = arith.addi %scan3A_79, %scan3A_80 : i32
    %scan3A_82 = arith.constant 1 : i32
    scf.for %scan3A_138 = %scan3A_79 to %scan3A_81 step %scan3A_82  : i32 {
      %mul3A_139 = arith.constant 16 : i32
      %mul3A_140 = arith.muli %scan3A_138, %mul3A_139 : i32
      %get3A = arith.constant 12 : i32
      %get3A_141 = arith.index_cast %get3A : i32 to index
      %get3A_142 = arith.index_cast %mul3A_140 : i32 to index
      %get3A_143 = tpu.vector_load %arg7[%get3A_141, %get3A_142] {strides = array<i32>} : memref<16x128xi32, #tpu.memory_space<vmem>>, vector<1x16xi32>,
      %get3A_144 = vector.shape_cast %get3A_143 : vector<1x16xi32> to vector<16xi32>
      %mul3A_145 = arith.constant 16 : i32
      %mul3A_146 = arith.muli %scan3A_138, %mul3A_145 : i32
      %get3A_147 = arith.constant 12 : i32
      %get3A_148 = arith.index_cast %get3A_147 : i32 to index
      %get3A_149 = arith.index_cast %mul3A_146 : i32 to index
      %get3A_150 = tpu.vector_load %arg8[%get3A_148, %get3A_149] {strides = array<i32>} : memref<16x128xi32, #tpu.memory_space<vmem>>, vector<1x16xi32>,
      %get3A_151 = vector.shape_cast %get3A_150 : vector<1x16xi32> to vector<16xi32>
      %shift_right_logical3A = arith.constant 7 : i32
      %shift_right_logical3A_152 = vector.broadcast %shift_right_logical3A : i32 to vector<16xi32>
      %shift_right_logical3A_153 = arith.shrui %get3A_151, %shift_right_logical3A_152 : vector<16xi32>
      %mul3A_154 = arith.constant 16384 : i32
      %mul3A_155 = vector.broadcast %mul3A_154 : i32 to vector<16xi32>
      %mul3A_156 = arith.muli %shift_right_logical3A_153, %mul3A_155 : vector<16xi32>
      %and3A = arith.constant 127 : i32
      %and3A_157 = vector.broadcast %and3A : i32 to vector<16xi32>
      %and3A_158 = arith.andi %get3A_151, %and3A_157 : vector<16xi32>
      %mul3A_159 = arith.constant 128 : i32
      %mul3A_160 = vector.broadcast %mul3A_159 : i32 to vector<16xi32>
      %mul3A_161 = arith.muli %and3A_158, %mul3A_160 : vector<16xi32>
      %add3A_162 = arith.addi %mul3A_156, %mul3A_161 : vector<16xi32>
      %and3A_163 = arith.constant 127 : i32
      %and3A_164 = vector.broadcast %and3A_163 : i32 to vector<16xi32>
      %and3A_165 = arith.andi %get3A_144, %and3A_164 : vector<16xi32>
      %add3A_166 = arith.addi %add3A_162, %and3A_165 : vector<16xi32>
      %mul3A_167 = arith.constant 16 : i32
      %mul3A_168 = arith.muli %scan3A_138, %mul3A_167 : i32
      %swap3A = arith.constant 12 : i32
      %swap3A_169 = arith.index_cast %swap3A : i32 to index
      %swap3A_170 = arith.index_cast %mul3A_168 : i32 to index
      %swap3A_171 = tpu.vector_load %arg10[%swap3A_169, %swap3A_170] {strides = array<i32>} : memref<16x128xi32, #tpu.memory_space<vmem>>, vector<1x16xi32>,
      %swap3A_172 = vector.shape_cast %swap3A_171 : vector<1x16xi32> to vector<16xi32>
      %swap3A_173 = vector.shape_cast %add3A_166 : vector<16xi32> to vector<1x16xi32>
      tpu.vector_store %arg10[%swap3A_169, %swap3A_170], %swap3A_173 {strides = array<i32>} : memref<16x128xi32, #tpu.memory_space<vmem>>, vector<1x16xi32>,
    }
    %scan3A_83 = arith.constant 8 : i32
    %scan3A_84 = arith.constant 0 : i32
    %scan3A_85 = arith.constant 0 : i32
    %scan3A_86 = arith.constant 8 : i32
    %scan3A_87 = arith.addi %scan3A_85, %scan3A_86 : i32
    %scan3A_88 = arith.constant 1 : i32
    scf.for %scan3A_138 = %scan3A_85 to %scan3A_87 step %scan3A_88  : i32 {
      %mul3A_139 = arith.constant 16 : i32
      %mul3A_140 = arith.muli %scan3A_138, %mul3A_139 : i32
      %get3A = arith.constant 13 : i32
      %get3A_141 = arith.index_cast %get3A : i32 to index
      %get3A_142 = arith.index_cast %mul3A_140 : i32 to index
      %get3A_143 = tpu.vector_load %arg7[%get3A_141, %get3A_142] {strides = array<i32>} : memref<16x128xi32, #tpu.memory_space<vmem>>, vector<1x16xi32>,
      %get3A_144 = vector.shape_cast %get3A_143 : vector<1x16xi32> to vector<16xi32>
      %mul3A_145 = arith.constant 16 : i32
      %mul3A_146 = arith.muli %scan3A_138, %mul3A_145 : i32
      %get3A_147 = arith.constant 13 : i32
      %get3A_148 = arith.index_cast %get3A_147 : i32 to index
      %get3A_149 = arith.index_cast %mul3A_146 : i32 to index
      %get3A_150 = tpu.vector_load %arg8[%get3A_148, %get3A_149] {strides = array<i32>} : memref<16x128xi32, #tpu.memory_space<vmem>>, vector<1x16xi32>,
      %get3A_151 = vector.shape_cast %get3A_150 : vector<1x16xi32> to vector<16xi32>
      %shift_right_logical3A = arith.constant 7 : i32
      %shift_right_logical3A_152 = vector.broadcast %shift_right_logical3A : i32 to vector<16xi32>
      %shift_right_logical3A_153 = arith.shrui %get3A_151, %shift_right_logical3A_152 : vector<16xi32>
      %mul3A_154 = arith.constant 16384 : i32
      %mul3A_155 = vector.broadcast %mul3A_154 : i32 to vector<16xi32>
      %mul3A_156 = arith.muli %shift_right_logical3A_153, %mul3A_155 : vector<16xi32>
      %and3A = arith.constant 127 : i32
      %and3A_157 = vector.broadcast %and3A : i32 to vector<16xi32>
      %and3A_158 = arith.andi %get3A_151, %and3A_157 : vector<16xi32>
      %mul3A_159 = arith.constant 128 : i32
      %mul3A_160 = vector.broadcast %mul3A_159 : i32 to vector<16xi32>
      %mul3A_161 = arith.muli %and3A_158, %mul3A_160 : vector<16xi32>
      %add3A_162 = arith.addi %mul3A_156, %mul3A_161 : vector<16xi32>
      %and3A_163 = arith.constant 127 : i32
      %and3A_164 = vector.broadcast %and3A_163 : i32 to vector<16xi32>
      %and3A_165 = arith.andi %get3A_144, %and3A_164 : vector<16xi32>
      %add3A_166 = arith.addi %add3A_162, %and3A_165 : vector<16xi32>
      %mul3A_167 = arith.constant 16 : i32
      %mul3A_168 = arith.muli %scan3A_138, %mul3A_167 : i32
      %swap3A = arith.constant 13 : i32
      %swap3A_169 = arith.index_cast %swap3A : i32 to index
      %swap3A_170 = arith.index_cast %mul3A_168 : i32 to index
      %swap3A_171 = tpu.vector_load %arg10[%swap3A_169, %swap3A_170] {strides = array<i32>} : memref<16x128xi32, #tpu.memory_space<vmem>>, vector<1x16xi32>,
      %swap3A_172 = vector.shape_cast %swap3A_171 : vector<1x16xi32> to vector<16xi32>
      %swap3A_173 = vector.shape_cast %add3A_166 : vector<16xi32> to vector<1x16xi32>
      tpu.vector_store %arg10[%swap3A_169, %swap3A_170], %swap3A_173 {strides = array<i32>} : memref<16x128xi32, #tpu.memory_space<vmem>>, vector<1x16xi32>,
    }
    %scan3A_89 = arith.constant 8 : i32
    %scan3A_90 = arith.constant 0 : i32
    %scan3A_91 = arith.constant 0 : i32
    %scan3A_92 = arith.constant 8 : i32
    %scan3A_93 = arith.addi %scan3A_91, %scan3A_92 : i32
    %scan3A_94 = arith.constant 1 : i32
    scf.for %scan3A_138 = %scan3A_91 to %scan3A_93 step %scan3A_94  : i32 {
      %mul3A_139 = arith.constant 16 : i32
      %mul3A_140 = arith.muli %scan3A_138, %mul3A_139 : i32
      %get3A = arith.constant 14 : i32
      %get3A_141 = arith.index_cast %get3A : i32 to index
      %get3A_142 = arith.index_cast %mul3A_140 : i32 to index
      %get3A_143 = tpu.vector_load %arg7[%get3A_141, %get3A_142] {strides = array<i32>} : memref<16x128xi32, #tpu.memory_space<vmem>>, vector<1x16xi32>,
      %get3A_144 = vector.shape_cast %get3A_143 : vector<1x16xi32> to vector<16xi32>
      %mul3A_145 = arith.constant 16 : i32
      %mul3A_146 = arith.muli %scan3A_138, %mul3A_145 : i32
      %get3A_147 = arith.constant 14 : i32
      %get3A_148 = arith.index_cast %get3A_147 : i32 to index
      %get3A_149 = arith.index_cast %mul3A_146 : i32 to index
      %get3A_150 = tpu.vector_load %arg8[%get3A_148, %get3A_149] {strides = array<i32>} : memref<16x128xi32, #tpu.memory_space<vmem>>, vector<1x16xi32>,
      %get3A_151 = vector.shape_cast %get3A_150 : vector<1x16xi32> to vector<16xi32>
      %shift_right_logical3A = arith.constant 7 : i32
      %shift_right_logical3A_152 = vector.broadcast %shift_right_logical3A : i32 to vector<16xi32>
      %shift_right_logical3A_153 = arith.shrui %get3A_151, %shift_right_logical3A_152 : vector<16xi32>
      %mul3A_154 = arith.constant 16384 : i32
      %mul3A_155 = vector.broadcast %mul3A_154 : i32 to vector<16xi32>
      %mul3A_156 = arith.muli %shift_right_logical3A_153, %mul3A_155 : vector<16xi32>
      %and3A = arith.constant 127 : i32
      %and3A_157 = vector.broadcast %and3A : i32 to vector<16xi32>
      %and3A_158 = arith.andi %get3A_151, %and3A_157 : vector<16xi32>
      %mul3A_159 = arith.constant 128 : i32
      %mul3A_160 = vector.broadcast %mul3A_159 : i32 to vector<16xi32>
      %mul3A_161 = arith.muli %and3A_158, %mul3A_160 : vector<16xi32>
      %add3A_162 = arith.addi %mul3A_156, %mul3A_161 : vector<16xi32>
      %and3A_163 = arith.constant 127 : i32
      %and3A_164 = vector.broadcast %and3A_163 : i32 to vector<16xi32>
      %and3A_165 = arith.andi %get3A_144, %and3A_164 : vector<16xi32>
      %add3A_166 = arith.addi %add3A_162, %and3A_165 : vector<16xi32>
      %mul3A_167 = arith.constant 16 : i32
      %mul3A_168 = arith.muli %scan3A_138, %mul3A_167 : i32
      %swap3A = arith.constant 14 : i32
      %swap3A_169 = arith.index_cast %swap3A : i32 to index
      %swap3A_170 = arith.index_cast %mul3A_168 : i32 to index
      %swap3A_171 = tpu.vector_load %arg10[%swap3A_169, %swap3A_170] {strides = array<i32>} : memref<16x128xi32, #tpu.memory_space<vmem>>, vector<1x16xi32>,
      %swap3A_172 = vector.shape_cast %swap3A_171 : vector<1x16xi32> to vector<16xi32>
      %swap3A_173 = vector.shape_cast %add3A_166 : vector<16xi32> to vector<1x16xi32>
      tpu.vector_store %arg10[%swap3A_169, %swap3A_170], %swap3A_173 {strides = array<i32>} : memref<16x128xi32, #tpu.memory_space<vmem>>, vector<1x16xi32>,
    }
    %scan3A_95 = arith.constant 8 : i32
    %scan3A_96 = arith.constant 0 : i32
    %scan3A_97 = arith.constant 0 : i32
    %scan3A_98 = arith.constant 8 : i32
    %scan3A_99 = arith.addi %scan3A_97, %scan3A_98 : i32
    %scan3A_100 = arith.constant 1 : i32
    scf.for %scan3A_138 = %scan3A_97 to %scan3A_99 step %scan3A_100  : i32 {
      %mul3A_139 = arith.constant 16 : i32
      %mul3A_140 = arith.muli %scan3A_138, %mul3A_139 : i32
      %get3A = arith.constant 15 : i32
      %get3A_141 = arith.index_cast %get3A : i32 to index
      %get3A_142 = arith.index_cast %mul3A_140 : i32 to index
      %get3A_143 = tpu.vector_load %arg7[%get3A_141, %get3A_142] {strides = array<i32>} : memref<16x128xi32, #tpu.memory_space<vmem>>, vector<1x16xi32>,
      %get3A_144 = vector.shape_cast %get3A_143 : vector<1x16xi32> to vector<16xi32>
      %mul3A_145 = arith.constant 16 : i32
      %mul3A_146 = arith.muli %scan3A_138, %mul3A_145 : i32
      %get3A_147 = arith.constant 15 : i32
      %get3A_148 = arith.index_cast %get3A_147 : i32 to index
      %get3A_149 = arith.index_cast %mul3A_146 : i32 to index
      %get3A_150 = tpu.vector_load %arg8[%get3A_148, %get3A_149] {strides = array<i32>} : memref<16x128xi32, #tpu.memory_space<vmem>>, vector<1x16xi32>,
      %get3A_151 = vector.shape_cast %get3A_150 : vector<1x16xi32> to vector<16xi32>
      %shift_right_logical3A = arith.constant 7 : i32
      %shift_right_logical3A_152 = vector.broadcast %shift_right_logical3A : i32 to vector<16xi32>
      %shift_right_logical3A_153 = arith.shrui %get3A_151, %shift_right_logical3A_152 : vector<16xi32>
      %mul3A_154 = arith.constant 16384 : i32
      %mul3A_155 = vector.broadcast %mul3A_154 : i32 to vector<16xi32>
      %mul3A_156 = arith.muli %shift_right_logical3A_153, %mul3A_155 : vector<16xi32>
      %and3A = arith.constant 127 : i32
      %and3A_157 = vector.broadcast %and3A : i32 to vector<16xi32>
      %and3A_158 = arith.andi %get3A_151, %and3A_157 : vector<16xi32>
      %mul3A_159 = arith.constant 128 : i32
      %mul3A_160 = vector.broadcast %mul3A_159 : i32 to vector<16xi32>
      %mul3A_161 = arith.muli %and3A_158, %mul3A_160 : vector<16xi32>
      %add3A_162 = arith.addi %mul3A_156, %mul3A_161 : vector<16xi32>
      %and3A_163 = arith.constant 127 : i32
      %and3A_164 = vector.broadcast %and3A_163 : i32 to vector<16xi32>
      %and3A_165 = arith.andi %get3A_144, %and3A_164 : vector<16xi32>
      %add3A_166 = arith.addi %add3A_162, %and3A_165 : vector<16xi32>
      %mul3A_167 = arith.constant 16 : i32
      %mul3A_168 = arith.muli %scan3A_138, %mul3A_167 : i32
      %swap3A = arith.constant 15 : i32
      %swap3A_169 = arith.index_cast %swap3A : i32 to index
      %swap3A_170 = arith.index_cast %mul3A_168 : i32 to index
      %swap3A_171 = tpu.vector_load %arg10[%swap3A_169, %swap3A_170] {strides = array<i32>} : memref<16x128xi32, #tpu.memory_space<vmem>>, vector<1x16xi32>,
      %swap3A_172 = vector.shape_cast %swap3A_171 : vector<1x16xi32> to vector<16xi32>
      %swap3A_173 = vector.shape_cast %add3A_166 : vector<16xi32> to vector<1x16xi32>
      tpu.vector_store %arg10[%swap3A_169, %swap3A_170], %swap3A_173 {strides = array<i32>} : memref<16x128xi32, #tpu.memory_space<vmem>>, vector<1x16xi32>,
    }
    %scan3A_101 = arith.constant 8 : i32
    %run_scoped3A = arith.constant 0 : i32
    %run_scoped3A_102 = arith.constant 0 : i32
    "tpu.region"() ({
      %run_scoped3A_138 = tpu.sem_alloc : memref<!tpu.dma_semaphore, #tpu.memory_space<semaphore_mem>>
      %dma_start3A = arith.constant 0 : i32
      %dma_start3A_139 = tpu.memref_slice %arg9[%run_scoped3A, %dma_start3A] : memref<16x128xf32, #tpu.memory_space<vmem>> -> memref<1x128xf32, #tpu.memory_space<vmem>>
      %dma_start3A_140 = tpu.memref_squeeze %dma_start3A_139 : memref<1x128xf32, #tpu.memory_space<vmem>> -> memref<128xf32, #tpu.memory_space<vmem>>
      %dma_start3A_141 = arith.constant 0 : i32
      %dma_start3A_142 = tpu.memref_slice %arg10[%run_scoped3A_102, %dma_start3A_141] : memref<16x128xi32, #tpu.memory_space<vmem>> -> memref<1x128xi32, #tpu.memory_space<vmem>>
      %dma_start3A_143 = tpu.memref_squeeze %dma_start3A_142 : memref<1x128xi32, #tpu.memory_space<vmem>> -> memref<128xi32, #tpu.memory_space<vmem>>
      %dma_start3A_144 = arith.constant 0 : i32
      %dma_start3A_145 = tpu.memref_slice %arg11[%dma_start3A_144] : memref<524288xf32, #tpu.memory_space<vmem_shared>> -> memref<524288xf32, #tpu.memory_space<vmem_shared>>
      tpu.enqueue_indirect_dma source(%dma_start3A_140 : memref<128xf32, #tpu.memory_space<vmem>>) target(%dma_start3A_145 : memref<524288xf32, #tpu.memory_space<vmem_shared>>) offsets(%dma_start3A_143 : memref<128xi32, #tpu.memory_space<vmem>>) semaphore(%run_scoped3A_138 : memref<!tpu.dma_semaphore, #tpu.memory_space<semaphore_mem>>) {add = true}
      %dma_wait3A = arith.constant 0 : i32
      %dma_wait3A_146 = tpu.memref_slice %arg9[%run_scoped3A, %dma_wait3A] : memref<16x128xf32, #tpu.memory_space<vmem>> -> memref<1x128xf32, #tpu.memory_space<vmem>>
      %dma_wait3A_147 = tpu.memref_squeeze %dma_wait3A_146 : memref<1x128xf32, #tpu.memory_space<vmem>> -> memref<128xf32, #tpu.memory_space<vmem>>
      %dma_wait3A_148 = arith.constant 0 : i32
      %dma_wait3A_149 = tpu.memref_slice %arg10[%run_scoped3A_102, %dma_wait3A_148] : memref<16x128xi32, #tpu.memory_space<vmem>> -> memref<1x128xi32, #tpu.memory_space<vmem>>
      %dma_wait3A_150 = tpu.memref_squeeze %dma_wait3A_149 : memref<1x128xi32, #tpu.memory_space<vmem>> -> memref<128xi32, #tpu.memory_space<vmem>>
      %dma_wait3A_151 = arith.constant 0 : i32
      %dma_wait3A_152 = tpu.memref_slice %arg11[%dma_wait3A_151] : memref<524288xf32, #tpu.memory_space<vmem_shared>> -> memref<524288xf32, #tpu.memory_space<vmem_shared>>
      tpu.wait_indirect_dma semaphore(%run_scoped3A_138 : memref<!tpu.dma_semaphore, #tpu.memory_space<semaphore_mem>>) src(%dma_wait3A_147 : memref<128xf32, #tpu.memory_space<vmem>>) dst(%dma_wait3A_152 : memref<524288xf32, #tpu.memory_space<vmem_shared>>)
      tpu.yield
    }) : () -> ()
    %run_scoped3A_103 = arith.constant 1 : i32
    %run_scoped3A_104 = arith.constant 1 : i32
    "tpu.region"() ({
      %run_scoped3A_138 = tpu.sem_alloc : memref<!tpu.dma_semaphore, #tpu.memory_space<semaphore_mem>>
      %dma_start3A = arith.constant 0 : i32
      %dma_start3A_139 = tpu.memref_slice %arg9[%run_scoped3A_103, %dma_start3A] : memref<16x128xf32, #tpu.memory_space<vmem>> -> memref<1x128xf32, #tpu.memory_space<vmem>>
      %dma_start3A_140 = tpu.memref_squeeze %dma_start3A_139 : memref<1x128xf32, #tpu.memory_space<vmem>> -> memref<128xf32, #tpu.memory_space<vmem>>
      %dma_start3A_141 = arith.constant 0 : i32
      %dma_start3A_142 = tpu.memref_slice %arg10[%run_scoped3A_104, %dma_start3A_141] : memref<16x128xi32, #tpu.memory_space<vmem>> -> memref<1x128xi32, #tpu.memory_space<vmem>>
      %dma_start3A_143 = tpu.memref_squeeze %dma_start3A_142 : memref<1x128xi32, #tpu.memory_space<vmem>> -> memref<128xi32, #tpu.memory_space<vmem>>
      %dma_start3A_144 = arith.constant 0 : i32
      %dma_start3A_145 = tpu.memref_slice %arg11[%dma_start3A_144] : memref<524288xf32, #tpu.memory_space<vmem_shared>> -> memref<524288xf32, #tpu.memory_space<vmem_shared>>
      tpu.enqueue_indirect_dma source(%dma_start3A_140 : memref<128xf32, #tpu.memory_space<vmem>>) target(%dma_start3A_145 : memref<524288xf32, #tpu.memory_space<vmem_shared>>) offsets(%dma_start3A_143 : memref<128xi32, #tpu.memory_space<vmem>>) semaphore(%run_scoped3A_138 : memref<!tpu.dma_semaphore, #tpu.memory_space<semaphore_mem>>) {add = true}
      %dma_wait3A = arith.constant 0 : i32
      %dma_wait3A_146 = tpu.memref_slice %arg9[%run_scoped3A_103, %dma_wait3A] : memref<16x128xf32, #tpu.memory_space<vmem>> -> memref<1x128xf32, #tpu.memory_space<vmem>>
      %dma_wait3A_147 = tpu.memref_squeeze %dma_wait3A_146 : memref<1x128xf32, #tpu.memory_space<vmem>> -> memref<128xf32, #tpu.memory_space<vmem>>
      %dma_wait3A_148 = arith.constant 0 : i32
      %dma_wait3A_149 = tpu.memref_slice %arg10[%run_scoped3A_104, %dma_wait3A_148] : memref<16x128xi32, #tpu.memory_space<vmem>> -> memref<1x128xi32, #tpu.memory_space<vmem>>
      %dma_wait3A_150 = tpu.memref_squeeze %dma_wait3A_149 : memref<1x128xi32, #tpu.memory_space<vmem>> -> memref<128xi32, #tpu.memory_space<vmem>>
      %dma_wait3A_151 = arith.constant 0 : i32
      %dma_wait3A_152 = tpu.memref_slice %arg11[%dma_wait3A_151] : memref<524288xf32, #tpu.memory_space<vmem_shared>> -> memref<524288xf32, #tpu.memory_space<vmem_shared>>
      tpu.wait_indirect_dma semaphore(%run_scoped3A_138 : memref<!tpu.dma_semaphore, #tpu.memory_space<semaphore_mem>>) src(%dma_wait3A_147 : memref<128xf32, #tpu.memory_space<vmem>>) dst(%dma_wait3A_152 : memref<524288xf32, #tpu.memory_space<vmem_shared>>)
      tpu.yield
    }) : () -> ()
    %run_scoped3A_105 = arith.constant 2 : i32
    %run_scoped3A_106 = arith.constant 2 : i32
    "tpu.region"() ({
      %run_scoped3A_138 = tpu.sem_alloc : memref<!tpu.dma_semaphore, #tpu.memory_space<semaphore_mem>>
      %dma_start3A = arith.constant 0 : i32
      %dma_start3A_139 = tpu.memref_slice %arg9[%run_scoped3A_105, %dma_start3A] : memref<16x128xf32, #tpu.memory_space<vmem>> -> memref<1x128xf32, #tpu.memory_space<vmem>>
      %dma_start3A_140 = tpu.memref_squeeze %dma_start3A_139 : memref<1x128xf32, #tpu.memory_space<vmem>> -> memref<128xf32, #tpu.memory_space<vmem>>
      %dma_start3A_141 = arith.constant 0 : i32
      %dma_start3A_142 = tpu.memref_slice %arg10[%run_scoped3A_106, %dma_start3A_141] : memref<16x128xi32, #tpu.memory_space<vmem>> -> memref<1x128xi32, #tpu.memory_space<vmem>>
      %dma_start3A_143 = tpu.memref_squeeze %dma_start3A_142 : memref<1x128xi32, #tpu.memory_space<vmem>> -> memref<128xi32, #tpu.memory_space<vmem>>
      %dma_start3A_144 = arith.constant 0 : i32
      %dma_start3A_145 = tpu.memref_slice %arg11[%dma_start3A_144] : memref<524288xf32, #tpu.memory_space<vmem_shared>> -> memref<524288xf32, #tpu.memory_space<vmem_shared>>
      tpu.enqueue_indirect_dma source(%dma_start3A_140 : memref<128xf32, #tpu.memory_space<vmem>>) target(%dma_start3A_145 : memref<524288xf32, #tpu.memory_space<vmem_shared>>) offsets(%dma_start3A_143 : memref<128xi32, #tpu.memory_space<vmem>>) semaphore(%run_scoped3A_138 : memref<!tpu.dma_semaphore, #tpu.memory_space<semaphore_mem>>) {add = true}
      %dma_wait3A = arith.constant 0 : i32
      %dma_wait3A_146 = tpu.memref_slice %arg9[%run_scoped3A_105, %dma_wait3A] : memref<16x128xf32, #tpu.memory_space<vmem>> -> memref<1x128xf32, #tpu.memory_space<vmem>>
      %dma_wait3A_147 = tpu.memref_squeeze %dma_wait3A_146 : memref<1x128xf32, #tpu.memory_space<vmem>> -> memref<128xf32, #tpu.memory_space<vmem>>
      %dma_wait3A_148 = arith.constant 0 : i32
      %dma_wait3A_149 = tpu.memref_slice %arg10[%run_scoped3A_106, %dma_wait3A_148] : memref<16x128xi32, #tpu.memory_space<vmem>> -> memref<1x128xi32, #tpu.memory_space<vmem>>
      %dma_wait3A_150 = tpu.memref_squeeze %dma_wait3A_149 : memref<1x128xi32, #tpu.memory_space<vmem>> -> memref<128xi32, #tpu.memory_space<vmem>>
      %dma_wait3A_151 = arith.constant 0 : i32
      %dma_wait3A_152 = tpu.memref_slice %arg11[%dma_wait3A_151] : memref<524288xf32, #tpu.memory_space<vmem_shared>> -> memref<524288xf32, #tpu.memory_space<vmem_shared>>
      tpu.wait_indirect_dma semaphore(%run_scoped3A_138 : memref<!tpu.dma_semaphore, #tpu.memory_space<semaphore_mem>>) src(%dma_wait3A_147 : memref<128xf32, #tpu.memory_space<vmem>>) dst(%dma_wait3A_152 : memref<524288xf32, #tpu.memory_space<vmem_shared>>)
      tpu.yield
    }) : () -> ()
    %run_scoped3A_107 = arith.constant 3 : i32
    %run_scoped3A_108 = arith.constant 3 : i32
    "tpu.region"() ({
      %run_scoped3A_138 = tpu.sem_alloc : memref<!tpu.dma_semaphore, #tpu.memory_space<semaphore_mem>>
      %dma_start3A = arith.constant 0 : i32
      %dma_start3A_139 = tpu.memref_slice %arg9[%run_scoped3A_107, %dma_start3A] : memref<16x128xf32, #tpu.memory_space<vmem>> -> memref<1x128xf32, #tpu.memory_space<vmem>>
      %dma_start3A_140 = tpu.memref_squeeze %dma_start3A_139 : memref<1x128xf32, #tpu.memory_space<vmem>> -> memref<128xf32, #tpu.memory_space<vmem>>
      %dma_start3A_141 = arith.constant 0 : i32
      %dma_start3A_142 = tpu.memref_slice %arg10[%run_scoped3A_108, %dma_start3A_141] : memref<16x128xi32, #tpu.memory_space<vmem>> -> memref<1x128xi32, #tpu.memory_space<vmem>>
      %dma_start3A_143 = tpu.memref_squeeze %dma_start3A_142 : memref<1x128xi32, #tpu.memory_space<vmem>> -> memref<128xi32, #tpu.memory_space<vmem>>
      %dma_start3A_144 = arith.constant 0 : i32
      %dma_start3A_145 = tpu.memref_slice %arg11[%dma_start3A_144] : memref<524288xf32, #tpu.memory_space<vmem_shared>> -> memref<524288xf32, #tpu.memory_space<vmem_shared>>
      tpu.enqueue_indirect_dma source(%dma_start3A_140 : memref<128xf32, #tpu.memory_space<vmem>>) target(%dma_start3A_145 : memref<524288xf32, #tpu.memory_space<vmem_shared>>) offsets(%dma_start3A_143 : memref<128xi32, #tpu.memory_space<vmem>>) semaphore(%run_scoped3A_138 : memref<!tpu.dma_semaphore, #tpu.memory_space<semaphore_mem>>) {add = true}
      %dma_wait3A = arith.constant 0 : i32
      %dma_wait3A_146 = tpu.memref_slice %arg9[%run_scoped3A_107, %dma_wait3A] : memref<16x128xf32, #tpu.memory_space<vmem>> -> memref<1x128xf32, #tpu.memory_space<vmem>>
      %dma_wait3A_147 = tpu.memref_squeeze %dma_wait3A_146 : memref<1x128xf32, #tpu.memory_space<vmem>> -> memref<128xf32, #tpu.memory_space<vmem>>
      %dma_wait3A_148 = arith.constant 0 : i32
      %dma_wait3A_149 = tpu.memref_slice %arg10[%run_scoped3A_108, %dma_wait3A_148] : memref<16x128xi32, #tpu.memory_space<vmem>> -> memref<1x128xi32, #tpu.memory_space<vmem>>
      %dma_wait3A_150 = tpu.memref_squeeze %dma_wait3A_149 : memref<1x128xi32, #tpu.memory_space<vmem>> -> memref<128xi32, #tpu.memory_space<vmem>>
      %dma_wait3A_151 = arith.constant 0 : i32
      %dma_wait3A_152 = tpu.memref_slice %arg11[%dma_wait3A_151] : memref<524288xf32, #tpu.memory_space<vmem_shared>> -> memref<524288xf32, #tpu.memory_space<vmem_shared>>
      tpu.wait_indirect_dma semaphore(%run_scoped3A_138 : memref<!tpu.dma_semaphore, #tpu.memory_space<semaphore_mem>>) src(%dma_wait3A_147 : memref<128xf32, #tpu.memory_space<vmem>>) dst(%dma_wait3A_152 : memref<524288xf32, #tpu.memory_space<vmem_shared>>)
      tpu.yield
    }) : () -> ()
    %run_scoped3A_109 = arith.constant 4 : i32
    %run_scoped3A_110 = arith.constant 4 : i32
    "tpu.region"() ({
      %run_scoped3A_138 = tpu.sem_alloc : memref<!tpu.dma_semaphore, #tpu.memory_space<semaphore_mem>>
      %dma_start3A = arith.constant 0 : i32
      %dma_start3A_139 = tpu.memref_slice %arg9[%run_scoped3A_109, %dma_start3A] : memref<16x128xf32, #tpu.memory_space<vmem>> -> memref<1x128xf32, #tpu.memory_space<vmem>>
      %dma_start3A_140 = tpu.memref_squeeze %dma_start3A_139 : memref<1x128xf32, #tpu.memory_space<vmem>> -> memref<128xf32, #tpu.memory_space<vmem>>
      %dma_start3A_141 = arith.constant 0 : i32
      %dma_start3A_142 = tpu.memref_slice %arg10[%run_scoped3A_110, %dma_start3A_141] : memref<16x128xi32, #tpu.memory_space<vmem>> -> memref<1x128xi32, #tpu.memory_space<vmem>>
      %dma_start3A_143 = tpu.memref_squeeze %dma_start3A_142 : memref<1x128xi32, #tpu.memory_space<vmem>> -> memref<128xi32, #tpu.memory_space<vmem>>
      %dma_start3A_144 = arith.constant 0 : i32
      %dma_start3A_145 = tpu.memref_slice %arg11[%dma_start3A_144] : memref<524288xf32, #tpu.memory_space<vmem_shared>> -> memref<524288xf32, #tpu.memory_space<vmem_shared>>
      tpu.enqueue_indirect_dma source(%dma_start3A_140 : memref<128xf32, #tpu.memory_space<vmem>>) target(%dma_start3A_145 : memref<524288xf32, #tpu.memory_space<vmem_shared>>) offsets(%dma_start3A_143 : memref<128xi32, #tpu.memory_space<vmem>>) semaphore(%run_scoped3A_138 : memref<!tpu.dma_semaphore, #tpu.memory_space<semaphore_mem>>) {add = true}
      %dma_wait3A = arith.constant 0 : i32
      %dma_wait3A_146 = tpu.memref_slice %arg9[%run_scoped3A_109, %dma_wait3A] : memref<16x128xf32, #tpu.memory_space<vmem>> -> memref<1x128xf32, #tpu.memory_space<vmem>>
      %dma_wait3A_147 = tpu.memref_squeeze %dma_wait3A_146 : memref<1x128xf32, #tpu.memory_space<vmem>> -> memref<128xf32, #tpu.memory_space<vmem>>
      %dma_wait3A_148 = arith.constant 0 : i32
      %dma_wait3A_149 = tpu.memref_slice %arg10[%run_scoped3A_110, %dma_wait3A_148] : memref<16x128xi32, #tpu.memory_space<vmem>> -> memref<1x128xi32, #tpu.memory_space<vmem>>
      %dma_wait3A_150 = tpu.memref_squeeze %dma_wait3A_149 : memref<1x128xi32, #tpu.memory_space<vmem>> -> memref<128xi32, #tpu.memory_space<vmem>>
      %dma_wait3A_151 = arith.constant 0 : i32
      %dma_wait3A_152 = tpu.memref_slice %arg11[%dma_wait3A_151] : memref<524288xf32, #tpu.memory_space<vmem_shared>> -> memref<524288xf32, #tpu.memory_space<vmem_shared>>
      tpu.wait_indirect_dma semaphore(%run_scoped3A_138 : memref<!tpu.dma_semaphore, #tpu.memory_space<semaphore_mem>>) src(%dma_wait3A_147 : memref<128xf32, #tpu.memory_space<vmem>>) dst(%dma_wait3A_152 : memref<524288xf32, #tpu.memory_space<vmem_shared>>)
      tpu.yield
    }) : () -> ()
    %run_scoped3A_111 = arith.constant 5 : i32
    %run_scoped3A_112 = arith.constant 5 : i32
    "tpu.region"() ({
      %run_scoped3A_138 = tpu.sem_alloc : memref<!tpu.dma_semaphore, #tpu.memory_space<semaphore_mem>>
      %dma_start3A = arith.constant 0 : i32
      %dma_start3A_139 = tpu.memref_slice %arg9[%run_scoped3A_111, %dma_start3A] : memref<16x128xf32, #tpu.memory_space<vmem>> -> memref<1x128xf32, #tpu.memory_space<vmem>>
      %dma_start3A_140 = tpu.memref_squeeze %dma_start3A_139 : memref<1x128xf32, #tpu.memory_space<vmem>> -> memref<128xf32, #tpu.memory_space<vmem>>
      %dma_start3A_141 = arith.constant 0 : i32
      %dma_start3A_142 = tpu.memref_slice %arg10[%run_scoped3A_112, %dma_start3A_141] : memref<16x128xi32, #tpu.memory_space<vmem>> -> memref<1x128xi32, #tpu.memory_space<vmem>>
      %dma_start3A_143 = tpu.memref_squeeze %dma_start3A_142 : memref<1x128xi32, #tpu.memory_space<vmem>> -> memref<128xi32, #tpu.memory_space<vmem>>
      %dma_start3A_144 = arith.constant 0 : i32
      %dma_start3A_145 = tpu.memref_slice %arg11[%dma_start3A_144] : memref<524288xf32, #tpu.memory_space<vmem_shared>> -> memref<524288xf32, #tpu.memory_space<vmem_shared>>
      tpu.enqueue_indirect_dma source(%dma_start3A_140 : memref<128xf32, #tpu.memory_space<vmem>>) target(%dma_start3A_145 : memref<524288xf32, #tpu.memory_space<vmem_shared>>) offsets(%dma_start3A_143 : memref<128xi32, #tpu.memory_space<vmem>>) semaphore(%run_scoped3A_138 : memref<!tpu.dma_semaphore, #tpu.memory_space<semaphore_mem>>) {add = true}
      %dma_wait3A = arith.constant 0 : i32
      %dma_wait3A_146 = tpu.memref_slice %arg9[%run_scoped3A_111, %dma_wait3A] : memref<16x128xf32, #tpu.memory_space<vmem>> -> memref<1x128xf32, #tpu.memory_space<vmem>>
      %dma_wait3A_147 = tpu.memref_squeeze %dma_wait3A_146 : memref<1x128xf32, #tpu.memory_space<vmem>> -> memref<128xf32, #tpu.memory_space<vmem>>
      %dma_wait3A_148 = arith.constant 0 : i32
      %dma_wait3A_149 = tpu.memref_slice %arg10[%run_scoped3A_112, %dma_wait3A_148] : memref<16x128xi32, #tpu.memory_space<vmem>> -> memref<1x128xi32, #tpu.memory_space<vmem>>
      %dma_wait3A_150 = tpu.memref_squeeze %dma_wait3A_149 : memref<1x128xi32, #tpu.memory_space<vmem>> -> memref<128xi32, #tpu.memory_space<vmem>>
      %dma_wait3A_151 = arith.constant 0 : i32
      %dma_wait3A_152 = tpu.memref_slice %arg11[%dma_wait3A_151] : memref<524288xf32, #tpu.memory_space<vmem_shared>> -> memref<524288xf32, #tpu.memory_space<vmem_shared>>
      tpu.wait_indirect_dma semaphore(%run_scoped3A_138 : memref<!tpu.dma_semaphore, #tpu.memory_space<semaphore_mem>>) src(%dma_wait3A_147 : memref<128xf32, #tpu.memory_space<vmem>>) dst(%dma_wait3A_152 : memref<524288xf32, #tpu.memory_space<vmem_shared>>)
      tpu.yield
    }) : () -> ()
    %run_scoped3A_113 = arith.constant 6 : i32
    %run_scoped3A_114 = arith.constant 6 : i32
    "tpu.region"() ({
      %run_scoped3A_138 = tpu.sem_alloc : memref<!tpu.dma_semaphore, #tpu.memory_space<semaphore_mem>>
      %dma_start3A = arith.constant 0 : i32
      %dma_start3A_139 = tpu.memref_slice %arg9[%run_scoped3A_113, %dma_start3A] : memref<16x128xf32, #tpu.memory_space<vmem>> -> memref<1x128xf32, #tpu.memory_space<vmem>>
      %dma_start3A_140 = tpu.memref_squeeze %dma_start3A_139 : memref<1x128xf32, #tpu.memory_space<vmem>> -> memref<128xf32, #tpu.memory_space<vmem>>
      %dma_start3A_141 = arith.constant 0 : i32
      %dma_start3A_142 = tpu.memref_slice %arg10[%run_scoped3A_114, %dma_start3A_141] : memref<16x128xi32, #tpu.memory_space<vmem>> -> memref<1x128xi32, #tpu.memory_space<vmem>>
      %dma_start3A_143 = tpu.memref_squeeze %dma_start3A_142 : memref<1x128xi32, #tpu.memory_space<vmem>> -> memref<128xi32, #tpu.memory_space<vmem>>
      %dma_start3A_144 = arith.constant 0 : i32
      %dma_start3A_145 = tpu.memref_slice %arg11[%dma_start3A_144] : memref<524288xf32, #tpu.memory_space<vmem_shared>> -> memref<524288xf32, #tpu.memory_space<vmem_shared>>
      tpu.enqueue_indirect_dma source(%dma_start3A_140 : memref<128xf32, #tpu.memory_space<vmem>>) target(%dma_start3A_145 : memref<524288xf32, #tpu.memory_space<vmem_shared>>) offsets(%dma_start3A_143 : memref<128xi32, #tpu.memory_space<vmem>>) semaphore(%run_scoped3A_138 : memref<!tpu.dma_semaphore, #tpu.memory_space<semaphore_mem>>) {add = true}
      %dma_wait3A = arith.constant 0 : i32
      %dma_wait3A_146 = tpu.memref_slice %arg9[%run_scoped3A_113, %dma_wait3A] : memref<16x128xf32, #tpu.memory_space<vmem>> -> memref<1x128xf32, #tpu.memory_space<vmem>>
      %dma_wait3A_147 = tpu.memref_squeeze %dma_wait3A_146 : memref<1x128xf32, #tpu.memory_space<vmem>> -> memref<128xf32, #tpu.memory_space<vmem>>
      %dma_wait3A_148 = arith.constant 0 : i32
      %dma_wait3A_149 = tpu.memref_slice %arg10[%run_scoped3A_114, %dma_wait3A_148] : memref<16x128xi32, #tpu.memory_space<vmem>> -> memref<1x128xi32, #tpu.memory_space<vmem>>
      %dma_wait3A_150 = tpu.memref_squeeze %dma_wait3A_149 : memref<1x128xi32, #tpu.memory_space<vmem>> -> memref<128xi32, #tpu.memory_space<vmem>>
      %dma_wait3A_151 = arith.constant 0 : i32
      %dma_wait3A_152 = tpu.memref_slice %arg11[%dma_wait3A_151] : memref<524288xf32, #tpu.memory_space<vmem_shared>> -> memref<524288xf32, #tpu.memory_space<vmem_shared>>
      tpu.wait_indirect_dma semaphore(%run_scoped3A_138 : memref<!tpu.dma_semaphore, #tpu.memory_space<semaphore_mem>>) src(%dma_wait3A_147 : memref<128xf32, #tpu.memory_space<vmem>>) dst(%dma_wait3A_152 : memref<524288xf32, #tpu.memory_space<vmem_shared>>)
      tpu.yield
    }) : () -> ()
    %run_scoped3A_115 = arith.constant 7 : i32
    %run_scoped3A_116 = arith.constant 7 : i32
    "tpu.region"() ({
      %run_scoped3A_138 = tpu.sem_alloc : memref<!tpu.dma_semaphore, #tpu.memory_space<semaphore_mem>>
      %dma_start3A = arith.constant 0 : i32
      %dma_start3A_139 = tpu.memref_slice %arg9[%run_scoped3A_115, %dma_start3A] : memref<16x128xf32, #tpu.memory_space<vmem>> -> memref<1x128xf32, #tpu.memory_space<vmem>>
      %dma_start3A_140 = tpu.memref_squeeze %dma_start3A_139 : memref<1x128xf32, #tpu.memory_space<vmem>> -> memref<128xf32, #tpu.memory_space<vmem>>
      %dma_start3A_141 = arith.constant 0 : i32
      %dma_start3A_142 = tpu.memref_slice %arg10[%run_scoped3A_116, %dma_start3A_141] : memref<16x128xi32, #tpu.memory_space<vmem>> -> memref<1x128xi32, #tpu.memory_space<vmem>>
      %dma_start3A_143 = tpu.memref_squeeze %dma_start3A_142 : memref<1x128xi32, #tpu.memory_space<vmem>> -> memref<128xi32, #tpu.memory_space<vmem>>
      %dma_start3A_144 = arith.constant 0 : i32
      %dma_start3A_145 = tpu.memref_slice %arg11[%dma_start3A_144] : memref<524288xf32, #tpu.memory_space<vmem_shared>> -> memref<524288xf32, #tpu.memory_space<vmem_shared>>
      tpu.enqueue_indirect_dma source(%dma_start3A_140 : memref<128xf32, #tpu.memory_space<vmem>>) target(%dma_start3A_145 : memref<524288xf32, #tpu.memory_space<vmem_shared>>) offsets(%dma_start3A_143 : memref<128xi32, #tpu.memory_space<vmem>>) semaphore(%run_scoped3A_138 : memref<!tpu.dma_semaphore, #tpu.memory_space<semaphore_mem>>) {add = true}
      %dma_wait3A = arith.constant 0 : i32
      %dma_wait3A_146 = tpu.memref_slice %arg9[%run_scoped3A_115, %dma_wait3A] : memref<16x128xf32, #tpu.memory_space<vmem>> -> memref<1x128xf32, #tpu.memory_space<vmem>>
      %dma_wait3A_147 = tpu.memref_squeeze %dma_wait3A_146 : memref<1x128xf32, #tpu.memory_space<vmem>> -> memref<128xf32, #tpu.memory_space<vmem>>
      %dma_wait3A_148 = arith.constant 0 : i32
      %dma_wait3A_149 = tpu.memref_slice %arg10[%run_scoped3A_116, %dma_wait3A_148] : memref<16x128xi32, #tpu.memory_space<vmem>> -> memref<1x128xi32, #tpu.memory_space<vmem>>
      %dma_wait3A_150 = tpu.memref_squeeze %dma_wait3A_149 : memref<1x128xi32, #tpu.memory_space<vmem>> -> memref<128xi32, #tpu.memory_space<vmem>>
      %dma_wait3A_151 = arith.constant 0 : i32
      %dma_wait3A_152 = tpu.memref_slice %arg11[%dma_wait3A_151] : memref<524288xf32, #tpu.memory_space<vmem_shared>> -> memref<524288xf32, #tpu.memory_space<vmem_shared>>
      tpu.wait_indirect_dma semaphore(%run_scoped3A_138 : memref<!tpu.dma_semaphore, #tpu.memory_space<semaphore_mem>>) src(%dma_wait3A_147 : memref<128xf32, #tpu.memory_space<vmem>>) dst(%dma_wait3A_152 : memref<524288xf32, #tpu.memory_space<vmem_shared>>)
      tpu.yield
    }) : () -> ()
    %run_scoped3A_117 = arith.constant 8 : i32
    %run_scoped3A_118 = arith.constant 8 : i32
    "tpu.region"() ({
      %run_scoped3A_138 = tpu.sem_alloc : memref<!tpu.dma_semaphore, #tpu.memory_space<semaphore_mem>>
      %dma_start3A = arith.constant 0 : i32
      %dma_start3A_139 = tpu.memref_slice %arg9[%run_scoped3A_117, %dma_start3A] : memref<16x128xf32, #tpu.memory_space<vmem>> -> memref<1x128xf32, #tpu.memory_space<vmem>>
      %dma_start3A_140 = tpu.memref_squeeze %dma_start3A_139 : memref<1x128xf32, #tpu.memory_space<vmem>> -> memref<128xf32, #tpu.memory_space<vmem>>
      %dma_start3A_141 = arith.constant 0 : i32
      %dma_start3A_142 = tpu.memref_slice %arg10[%run_scoped3A_118, %dma_start3A_141] : memref<16x128xi32, #tpu.memory_space<vmem>> -> memref<1x128xi32, #tpu.memory_space<vmem>>
      %dma_start3A_143 = tpu.memref_squeeze %dma_start3A_142 : memref<1x128xi32, #tpu.memory_space<vmem>> -> memref<128xi32, #tpu.memory_space<vmem>>
      %dma_start3A_144 = arith.constant 0 : i32
      %dma_start3A_145 = tpu.memref_slice %arg11[%dma_start3A_144] : memref<524288xf32, #tpu.memory_space<vmem_shared>> -> memref<524288xf32, #tpu.memory_space<vmem_shared>>
      tpu.enqueue_indirect_dma source(%dma_start3A_140 : memref<128xf32, #tpu.memory_space<vmem>>) target(%dma_start3A_145 : memref<524288xf32, #tpu.memory_space<vmem_shared>>) offsets(%dma_start3A_143 : memref<128xi32, #tpu.memory_space<vmem>>) semaphore(%run_scoped3A_138 : memref<!tpu.dma_semaphore, #tpu.memory_space<semaphore_mem>>) {add = true}
      %dma_wait3A = arith.constant 0 : i32
      %dma_wait3A_146 = tpu.memref_slice %arg9[%run_scoped3A_117, %dma_wait3A] : memref<16x128xf32, #tpu.memory_space<vmem>> -> memref<1x128xf32, #tpu.memory_space<vmem>>
      %dma_wait3A_147 = tpu.memref_squeeze %dma_wait3A_146 : memref<1x128xf32, #tpu.memory_space<vmem>> -> memref<128xf32, #tpu.memory_space<vmem>>
      %dma_wait3A_148 = arith.constant 0 : i32
      %dma_wait3A_149 = tpu.memref_slice %arg10[%run_scoped3A_118, %dma_wait3A_148] : memref<16x128xi32, #tpu.memory_space<vmem>> -> memref<1x128xi32, #tpu.memory_space<vmem>>
      %dma_wait3A_150 = tpu.memref_squeeze %dma_wait3A_149 : memref<1x128xi32, #tpu.memory_space<vmem>> -> memref<128xi32, #tpu.memory_space<vmem>>
      %dma_wait3A_151 = arith.constant 0 : i32
      %dma_wait3A_152 = tpu.memref_slice %arg11[%dma_wait3A_151] : memref<524288xf32, #tpu.memory_space<vmem_shared>> -> memref<524288xf32, #tpu.memory_space<vmem_shared>>
      tpu.wait_indirect_dma semaphore(%run_scoped3A_138 : memref<!tpu.dma_semaphore, #tpu.memory_space<semaphore_mem>>) src(%dma_wait3A_147 : memref<128xf32, #tpu.memory_space<vmem>>) dst(%dma_wait3A_152 : memref<524288xf32, #tpu.memory_space<vmem_shared>>)
      tpu.yield
    }) : () -> ()
    %run_scoped3A_119 = arith.constant 9 : i32
    %run_scoped3A_120 = arith.constant 9 : i32
    "tpu.region"() ({
      %run_scoped3A_138 = tpu.sem_alloc : memref<!tpu.dma_semaphore, #tpu.memory_space<semaphore_mem>>
      %dma_start3A = arith.constant 0 : i32
      %dma_start3A_139 = tpu.memref_slice %arg9[%run_scoped3A_119, %dma_start3A] : memref<16x128xf32, #tpu.memory_space<vmem>> -> memref<1x128xf32, #tpu.memory_space<vmem>>
      %dma_start3A_140 = tpu.memref_squeeze %dma_start3A_139 : memref<1x128xf32, #tpu.memory_space<vmem>> -> memref<128xf32, #tpu.memory_space<vmem>>
      %dma_start3A_141 = arith.constant 0 : i32
      %dma_start3A_142 = tpu.memref_slice %arg10[%run_scoped3A_120, %dma_start3A_141] : memref<16x128xi32, #tpu.memory_space<vmem>> -> memref<1x128xi32, #tpu.memory_space<vmem>>
      %dma_start3A_143 = tpu.memref_squeeze %dma_start3A_142 : memref<1x128xi32, #tpu.memory_space<vmem>> -> memref<128xi32, #tpu.memory_space<vmem>>
      %dma_start3A_144 = arith.constant 0 : i32
      %dma_start3A_145 = tpu.memref_slice %arg11[%dma_start3A_144] : memref<524288xf32, #tpu.memory_space<vmem_shared>> -> memref<524288xf32, #tpu.memory_space<vmem_shared>>
      tpu.enqueue_indirect_dma source(%dma_start3A_140 : memref<128xf32, #tpu.memory_space<vmem>>) target(%dma_start3A_145 : memref<524288xf32, #tpu.memory_space<vmem_shared>>) offsets(%dma_start3A_143 : memref<128xi32, #tpu.memory_space<vmem>>) semaphore(%run_scoped3A_138 : memref<!tpu.dma_semaphore, #tpu.memory_space<semaphore_mem>>) {add = true}
      %dma_wait3A = arith.constant 0 : i32
      %dma_wait3A_146 = tpu.memref_slice %arg9[%run_scoped3A_119, %dma_wait3A] : memref<16x128xf32, #tpu.memory_space<vmem>> -> memref<1x128xf32, #tpu.memory_space<vmem>>
      %dma_wait3A_147 = tpu.memref_squeeze %dma_wait3A_146 : memref<1x128xf32, #tpu.memory_space<vmem>> -> memref<128xf32, #tpu.memory_space<vmem>>
      %dma_wait3A_148 = arith.constant 0 : i32
      %dma_wait3A_149 = tpu.memref_slice %arg10[%run_scoped3A_120, %dma_wait3A_148] : memref<16x128xi32, #tpu.memory_space<vmem>> -> memref<1x128xi32, #tpu.memory_space<vmem>>
      %dma_wait3A_150 = tpu.memref_squeeze %dma_wait3A_149 : memref<1x128xi32, #tpu.memory_space<vmem>> -> memref<128xi32, #tpu.memory_space<vmem>>
      %dma_wait3A_151 = arith.constant 0 : i32
      %dma_wait3A_152 = tpu.memref_slice %arg11[%dma_wait3A_151] : memref<524288xf32, #tpu.memory_space<vmem_shared>> -> memref<524288xf32, #tpu.memory_space<vmem_shared>>
      tpu.wait_indirect_dma semaphore(%run_scoped3A_138 : memref<!tpu.dma_semaphore, #tpu.memory_space<semaphore_mem>>) src(%dma_wait3A_147 : memref<128xf32, #tpu.memory_space<vmem>>) dst(%dma_wait3A_152 : memref<524288xf32, #tpu.memory_space<vmem_shared>>)
      tpu.yield
    }) : () -> ()
    %run_scoped3A_121 = arith.constant 10 : i32
    %run_scoped3A_122 = arith.constant 10 : i32
    "tpu.region"() ({
      %run_scoped3A_138 = tpu.sem_alloc : memref<!tpu.dma_semaphore, #tpu.memory_space<semaphore_mem>>
      %dma_start3A = arith.constant 0 : i32
      %dma_start3A_139 = tpu.memref_slice %arg9[%run_scoped3A_121, %dma_start3A] : memref<16x128xf32, #tpu.memory_space<vmem>> -> memref<1x128xf32, #tpu.memory_space<vmem>>
      %dma_start3A_140 = tpu.memref_squeeze %dma_start3A_139 : memref<1x128xf32, #tpu.memory_space<vmem>> -> memref<128xf32, #tpu.memory_space<vmem>>
      %dma_start3A_141 = arith.constant 0 : i32
      %dma_start3A_142 = tpu.memref_slice %arg10[%run_scoped3A_122, %dma_start3A_141] : memref<16x128xi32, #tpu.memory_space<vmem>> -> memref<1x128xi32, #tpu.memory_space<vmem>>
      %dma_start3A_143 = tpu.memref_squeeze %dma_start3A_142 : memref<1x128xi32, #tpu.memory_space<vmem>> -> memref<128xi32, #tpu.memory_space<vmem>>
      %dma_start3A_144 = arith.constant 0 : i32
      %dma_start3A_145 = tpu.memref_slice %arg11[%dma_start3A_144] : memref<524288xf32, #tpu.memory_space<vmem_shared>> -> memref<524288xf32, #tpu.memory_space<vmem_shared>>
      tpu.enqueue_indirect_dma source(%dma_start3A_140 : memref<128xf32, #tpu.memory_space<vmem>>) target(%dma_start3A_145 : memref<524288xf32, #tpu.memory_space<vmem_shared>>) offsets(%dma_start3A_143 : memref<128xi32, #tpu.memory_space<vmem>>) semaphore(%run_scoped3A_138 : memref<!tpu.dma_semaphore, #tpu.memory_space<semaphore_mem>>) {add = true}
      %dma_wait3A = arith.constant 0 : i32
      %dma_wait3A_146 = tpu.memref_slice %arg9[%run_scoped3A_121, %dma_wait3A] : memref<16x128xf32, #tpu.memory_space<vmem>> -> memref<1x128xf32, #tpu.memory_space<vmem>>
      %dma_wait3A_147 = tpu.memref_squeeze %dma_wait3A_146 : memref<1x128xf32, #tpu.memory_space<vmem>> -> memref<128xf32, #tpu.memory_space<vmem>>
      %dma_wait3A_148 = arith.constant 0 : i32
      %dma_wait3A_149 = tpu.memref_slice %arg10[%run_scoped3A_122, %dma_wait3A_148] : memref<16x128xi32, #tpu.memory_space<vmem>> -> memref<1x128xi32, #tpu.memory_space<vmem>>
      %dma_wait3A_150 = tpu.memref_squeeze %dma_wait3A_149 : memref<1x128xi32, #tpu.memory_space<vmem>> -> memref<128xi32, #tpu.memory_space<vmem>>
      %dma_wait3A_151 = arith.constant 0 : i32
      %dma_wait3A_152 = tpu.memref_slice %arg11[%dma_wait3A_151] : memref<524288xf32, #tpu.memory_space<vmem_shared>> -> memref<524288xf32, #tpu.memory_space<vmem_shared>>
      tpu.wait_indirect_dma semaphore(%run_scoped3A_138 : memref<!tpu.dma_semaphore, #tpu.memory_space<semaphore_mem>>) src(%dma_wait3A_147 : memref<128xf32, #tpu.memory_space<vmem>>) dst(%dma_wait3A_152 : memref<524288xf32, #tpu.memory_space<vmem_shared>>)
      tpu.yield
    }) : () -> ()
    %run_scoped3A_123 = arith.constant 11 : i32
    %run_scoped3A_124 = arith.constant 11 : i32
    "tpu.region"() ({
      %run_scoped3A_138 = tpu.sem_alloc : memref<!tpu.dma_semaphore, #tpu.memory_space<semaphore_mem>>
      %dma_start3A = arith.constant 0 : i32
      %dma_start3A_139 = tpu.memref_slice %arg9[%run_scoped3A_123, %dma_start3A] : memref<16x128xf32, #tpu.memory_space<vmem>> -> memref<1x128xf32, #tpu.memory_space<vmem>>
      %dma_start3A_140 = tpu.memref_squeeze %dma_start3A_139 : memref<1x128xf32, #tpu.memory_space<vmem>> -> memref<128xf32, #tpu.memory_space<vmem>>
      %dma_start3A_141 = arith.constant 0 : i32
      %dma_start3A_142 = tpu.memref_slice %arg10[%run_scoped3A_124, %dma_start3A_141] : memref<16x128xi32, #tpu.memory_space<vmem>> -> memref<1x128xi32, #tpu.memory_space<vmem>>
      %dma_start3A_143 = tpu.memref_squeeze %dma_start3A_142 : memref<1x128xi32, #tpu.memory_space<vmem>> -> memref<128xi32, #tpu.memory_space<vmem>>
      %dma_start3A_144 = arith.constant 0 : i32
      %dma_start3A_145 = tpu.memref_slice %arg11[%dma_start3A_144] : memref<524288xf32, #tpu.memory_space<vmem_shared>> -> memref<524288xf32, #tpu.memory_space<vmem_shared>>
      tpu.enqueue_indirect_dma source(%dma_start3A_140 : memref<128xf32, #tpu.memory_space<vmem>>) target(%dma_start3A_145 : memref<524288xf32, #tpu.memory_space<vmem_shared>>) offsets(%dma_start3A_143 : memref<128xi32, #tpu.memory_space<vmem>>) semaphore(%run_scoped3A_138 : memref<!tpu.dma_semaphore, #tpu.memory_space<semaphore_mem>>) {add = true}
      %dma_wait3A = arith.constant 0 : i32
      %dma_wait3A_146 = tpu.memref_slice %arg9[%run_scoped3A_123, %dma_wait3A] : memref<16x128xf32, #tpu.memory_space<vmem>> -> memref<1x128xf32, #tpu.memory_space<vmem>>
      %dma_wait3A_147 = tpu.memref_squeeze %dma_wait3A_146 : memref<1x128xf32, #tpu.memory_space<vmem>> -> memref<128xf32, #tpu.memory_space<vmem>>
      %dma_wait3A_148 = arith.constant 0 : i32
      %dma_wait3A_149 = tpu.memref_slice %arg10[%run_scoped3A_124, %dma_wait3A_148] : memref<16x128xi32, #tpu.memory_space<vmem>> -> memref<1x128xi32, #tpu.memory_space<vmem>>
      %dma_wait3A_150 = tpu.memref_squeeze %dma_wait3A_149 : memref<1x128xi32, #tpu.memory_space<vmem>> -> memref<128xi32, #tpu.memory_space<vmem>>
      %dma_wait3A_151 = arith.constant 0 : i32
      %dma_wait3A_152 = tpu.memref_slice %arg11[%dma_wait3A_151] : memref<524288xf32, #tpu.memory_space<vmem_shared>> -> memref<524288xf32, #tpu.memory_space<vmem_shared>>
      tpu.wait_indirect_dma semaphore(%run_scoped3A_138 : memref<!tpu.dma_semaphore, #tpu.memory_space<semaphore_mem>>) src(%dma_wait3A_147 : memref<128xf32, #tpu.memory_space<vmem>>) dst(%dma_wait3A_152 : memref<524288xf32, #tpu.memory_space<vmem_shared>>)
      tpu.yield
    }) : () -> ()
    %run_scoped3A_125 = arith.constant 12 : i32
    %run_scoped3A_126 = arith.constant 12 : i32
    "tpu.region"() ({
      %run_scoped3A_138 = tpu.sem_alloc : memref<!tpu.dma_semaphore, #tpu.memory_space<semaphore_mem>>
      %dma_start3A = arith.constant 0 : i32
      %dma_start3A_139 = tpu.memref_slice %arg9[%run_scoped3A_125, %dma_start3A] : memref<16x128xf32, #tpu.memory_space<vmem>> -> memref<1x128xf32, #tpu.memory_space<vmem>>
      %dma_start3A_140 = tpu.memref_squeeze %dma_start3A_139 : memref<1x128xf32, #tpu.memory_space<vmem>> -> memref<128xf32, #tpu.memory_space<vmem>>
      %dma_start3A_141 = arith.constant 0 : i32
      %dma_start3A_142 = tpu.memref_slice %arg10[%run_scoped3A_126, %dma_start3A_141] : memref<16x128xi32, #tpu.memory_space<vmem>> -> memref<1x128xi32, #tpu.memory_space<vmem>>
      %dma_start3A_143 = tpu.memref_squeeze %dma_start3A_142 : memref<1x128xi32, #tpu.memory_space<vmem>> -> memref<128xi32, #tpu.memory_space<vmem>>
      %dma_start3A_144 = arith.constant 0 : i32
      %dma_start3A_145 = tpu.memref_slice %arg11[%dma_start3A_144] : memref<524288xf32, #tpu.memory_space<vmem_shared>> -> memref<524288xf32, #tpu.memory_space<vmem_shared>>
      tpu.enqueue_indirect_dma source(%dma_start3A_140 : memref<128xf32, #tpu.memory_space<vmem>>) target(%dma_start3A_145 : memref<524288xf32, #tpu.memory_space<vmem_shared>>) offsets(%dma_start3A_143 : memref<128xi32, #tpu.memory_space<vmem>>) semaphore(%run_scoped3A_138 : memref<!tpu.dma_semaphore, #tpu.memory_space<semaphore_mem>>) {add = true}
      %dma_wait3A = arith.constant 0 : i32
      %dma_wait3A_146 = tpu.memref_slice %arg9[%run_scoped3A_125, %dma_wait3A] : memref<16x128xf32, #tpu.memory_space<vmem>> -> memref<1x128xf32, #tpu.memory_space<vmem>>
      %dma_wait3A_147 = tpu.memref_squeeze %dma_wait3A_146 : memref<1x128xf32, #tpu.memory_space<vmem>> -> memref<128xf32, #tpu.memory_space<vmem>>
      %dma_wait3A_148 = arith.constant 0 : i32
      %dma_wait3A_149 = tpu.memref_slice %arg10[%run_scoped3A_126, %dma_wait3A_148] : memref<16x128xi32, #tpu.memory_space<vmem>> -> memref<1x128xi32, #tpu.memory_space<vmem>>
      %dma_wait3A_150 = tpu.memref_squeeze %dma_wait3A_149 : memref<1x128xi32, #tpu.memory_space<vmem>> -> memref<128xi32, #tpu.memory_space<vmem>>
      %dma_wait3A_151 = arith.constant 0 : i32
      %dma_wait3A_152 = tpu.memref_slice %arg11[%dma_wait3A_151] : memref<524288xf32, #tpu.memory_space<vmem_shared>> -> memref<524288xf32, #tpu.memory_space<vmem_shared>>
      tpu.wait_indirect_dma semaphore(%run_scoped3A_138 : memref<!tpu.dma_semaphore, #tpu.memory_space<semaphore_mem>>) src(%dma_wait3A_147 : memref<128xf32, #tpu.memory_space<vmem>>) dst(%dma_wait3A_152 : memref<524288xf32, #tpu.memory_space<vmem_shared>>)
      tpu.yield
    }) : () -> ()
    %run_scoped3A_127 = arith.constant 13 : i32
    %run_scoped3A_128 = arith.constant 13 : i32
    "tpu.region"() ({
      %run_scoped3A_138 = tpu.sem_alloc : memref<!tpu.dma_semaphore, #tpu.memory_space<semaphore_mem>>
      %dma_start3A = arith.constant 0 : i32
      %dma_start3A_139 = tpu.memref_slice %arg9[%run_scoped3A_127, %dma_start3A] : memref<16x128xf32, #tpu.memory_space<vmem>> -> memref<1x128xf32, #tpu.memory_space<vmem>>
      %dma_start3A_140 = tpu.memref_squeeze %dma_start3A_139 : memref<1x128xf32, #tpu.memory_space<vmem>> -> memref<128xf32, #tpu.memory_space<vmem>>
      %dma_start3A_141 = arith.constant 0 : i32
      %dma_start3A_142 = tpu.memref_slice %arg10[%run_scoped3A_128, %dma_start3A_141] : memref<16x128xi32, #tpu.memory_space<vmem>> -> memref<1x128xi32, #tpu.memory_space<vmem>>
      %dma_start3A_143 = tpu.memref_squeeze %dma_start3A_142 : memref<1x128xi32, #tpu.memory_space<vmem>> -> memref<128xi32, #tpu.memory_space<vmem>>
      %dma_start3A_144 = arith.constant 0 : i32
      %dma_start3A_145 = tpu.memref_slice %arg11[%dma_start3A_144] : memref<524288xf32, #tpu.memory_space<vmem_shared>> -> memref<524288xf32, #tpu.memory_space<vmem_shared>>
      tpu.enqueue_indirect_dma source(%dma_start3A_140 : memref<128xf32, #tpu.memory_space<vmem>>) target(%dma_start3A_145 : memref<524288xf32, #tpu.memory_space<vmem_shared>>) offsets(%dma_start3A_143 : memref<128xi32, #tpu.memory_space<vmem>>) semaphore(%run_scoped3A_138 : memref<!tpu.dma_semaphore, #tpu.memory_space<semaphore_mem>>) {add = true}
      %dma_wait3A = arith.constant 0 : i32
      %dma_wait3A_146 = tpu.memref_slice %arg9[%run_scoped3A_127, %dma_wait3A] : memref<16x128xf32, #tpu.memory_space<vmem>> -> memref<1x128xf32, #tpu.memory_space<vmem>>
      %dma_wait3A_147 = tpu.memref_squeeze %dma_wait3A_146 : memref<1x128xf32, #tpu.memory_space<vmem>> -> memref<128xf32, #tpu.memory_space<vmem>>
      %dma_wait3A_148 = arith.constant 0 : i32
      %dma_wait3A_149 = tpu.memref_slice %arg10[%run_scoped3A_128, %dma_wait3A_148] : memref<16x128xi32, #tpu.memory_space<vmem>> -> memref<1x128xi32, #tpu.memory_space<vmem>>
      %dma_wait3A_150 = tpu.memref_squeeze %dma_wait3A_149 : memref<1x128xi32, #tpu.memory_space<vmem>> -> memref<128xi32, #tpu.memory_space<vmem>>
      %dma_wait3A_151 = arith.constant 0 : i32
      %dma_wait3A_152 = tpu.memref_slice %arg11[%dma_wait3A_151] : memref<524288xf32, #tpu.memory_space<vmem_shared>> -> memref<524288xf32, #tpu.memory_space<vmem_shared>>
      tpu.wait_indirect_dma semaphore(%run_scoped3A_138 : memref<!tpu.dma_semaphore, #tpu.memory_space<semaphore_mem>>) src(%dma_wait3A_147 : memref<128xf32, #tpu.memory_space<vmem>>) dst(%dma_wait3A_152 : memref<524288xf32, #tpu.memory_space<vmem_shared>>)
      tpu.yield
    }) : () -> ()
    %run_scoped3A_129 = arith.constant 14 : i32
    %run_scoped3A_130 = arith.constant 14 : i32
    "tpu.region"() ({
      %run_scoped3A_138 = tpu.sem_alloc : memref<!tpu.dma_semaphore, #tpu.memory_space<semaphore_mem>>
      %dma_start3A = arith.constant 0 : i32
      %dma_start3A_139 = tpu.memref_slice %arg9[%run_scoped3A_129, %dma_start3A] : memref<16x128xf32, #tpu.memory_space<vmem>> -> memref<1x128xf32, #tpu.memory_space<vmem>>
      %dma_start3A_140 = tpu.memref_squeeze %dma_start3A_139 : memref<1x128xf32, #tpu.memory_space<vmem>> -> memref<128xf32, #tpu.memory_space<vmem>>
      %dma_start3A_141 = arith.constant 0 : i32
      %dma_start3A_142 = tpu.memref_slice %arg10[%run_scoped3A_130, %dma_start3A_141] : memref<16x128xi32, #tpu.memory_space<vmem>> -> memref<1x128xi32, #tpu.memory_space<vmem>>
      %dma_start3A_143 = tpu.memref_squeeze %dma_start3A_142 : memref<1x128xi32, #tpu.memory_space<vmem>> -> memref<128xi32, #tpu.memory_space<vmem>>
      %dma_start3A_144 = arith.constant 0 : i32
      %dma_start3A_145 = tpu.memref_slice %arg11[%dma_start3A_144] : memref<524288xf32, #tpu.memory_space<vmem_shared>> -> memref<524288xf32, #tpu.memory_space<vmem_shared>>
      tpu.enqueue_indirect_dma source(%dma_start3A_140 : memref<128xf32, #tpu.memory_space<vmem>>) target(%dma_start3A_145 : memref<524288xf32, #tpu.memory_space<vmem_shared>>) offsets(%dma_start3A_143 : memref<128xi32, #tpu.memory_space<vmem>>) semaphore(%run_scoped3A_138 : memref<!tpu.dma_semaphore, #tpu.memory_space<semaphore_mem>>) {add = true}
      %dma_wait3A = arith.constant 0 : i32
      %dma_wait3A_146 = tpu.memref_slice %arg9[%run_scoped3A_129, %dma_wait3A] : memref<16x128xf32, #tpu.memory_space<vmem>> -> memref<1x128xf32, #tpu.memory_space<vmem>>
      %dma_wait3A_147 = tpu.memref_squeeze %dma_wait3A_146 : memref<1x128xf32, #tpu.memory_space<vmem>> -> memref<128xf32, #tpu.memory_space<vmem>>
      %dma_wait3A_148 = arith.constant 0 : i32
      %dma_wait3A_149 = tpu.memref_slice %arg10[%run_scoped3A_130, %dma_wait3A_148] : memref<16x128xi32, #tpu.memory_space<vmem>> -> memref<1x128xi32, #tpu.memory_space<vmem>>
      %dma_wait3A_150 = tpu.memref_squeeze %dma_wait3A_149 : memref<1x128xi32, #tpu.memory_space<vmem>> -> memref<128xi32, #tpu.memory_space<vmem>>
      %dma_wait3A_151 = arith.constant 0 : i32
      %dma_wait3A_152 = tpu.memref_slice %arg11[%dma_wait3A_151] : memref<524288xf32, #tpu.memory_space<vmem_shared>> -> memref<524288xf32, #tpu.memory_space<vmem_shared>>
      tpu.wait_indirect_dma semaphore(%run_scoped3A_138 : memref<!tpu.dma_semaphore, #tpu.memory_space<semaphore_mem>>) src(%dma_wait3A_147 : memref<128xf32, #tpu.memory_space<vmem>>) dst(%dma_wait3A_152 : memref<524288xf32, #tpu.memory_space<vmem_shared>>)
      tpu.yield
    }) : () -> ()
    %run_scoped3A_131 = arith.constant 15 : i32
    %run_scoped3A_132 = arith.constant 15 : i32
    "tpu.region"() ({
      %run_scoped3A_138 = tpu.sem_alloc : memref<!tpu.dma_semaphore, #tpu.memory_space<semaphore_mem>>
      %dma_start3A = arith.constant 0 : i32
      %dma_start3A_139 = tpu.memref_slice %arg9[%run_scoped3A_131, %dma_start3A] : memref<16x128xf32, #tpu.memory_space<vmem>> -> memref<1x128xf32, #tpu.memory_space<vmem>>
      %dma_start3A_140 = tpu.memref_squeeze %dma_start3A_139 : memref<1x128xf32, #tpu.memory_space<vmem>> -> memref<128xf32, #tpu.memory_space<vmem>>
      %dma_start3A_141 = arith.constant 0 : i32
      %dma_start3A_142 = tpu.memref_slice %arg10[%run_scoped3A_132, %dma_start3A_141] : memref<16x128xi32, #tpu.memory_space<vmem>> -> memref<1x128xi32, #tpu.memory_space<vmem>>
      %dma_start3A_143 = tpu.memref_squeeze %dma_start3A_142 : memref<1x128xi32, #tpu.memory_space<vmem>> -> memref<128xi32, #tpu.memory_space<vmem>>
      %dma_start3A_144 = arith.constant 0 : i32
      %dma_start3A_145 = tpu.memref_slice %arg11[%dma_start3A_144] : memref<524288xf32, #tpu.memory_space<vmem_shared>> -> memref<524288xf32, #tpu.memory_space<vmem_shared>>
      tpu.enqueue_indirect_dma source(%dma_start3A_140 : memref<128xf32, #tpu.memory_space<vmem>>) target(%dma_start3A_145 : memref<524288xf32, #tpu.memory_space<vmem_shared>>) offsets(%dma_start3A_143 : memref<128xi32, #tpu.memory_space<vmem>>) semaphore(%run_scoped3A_138 : memref<!tpu.dma_semaphore, #tpu.memory_space<semaphore_mem>>) {add = true}
      %dma_wait3A = arith.constant 0 : i32
      %dma_wait3A_146 = tpu.memref_slice %arg9[%run_scoped3A_131, %dma_wait3A] : memref<16x128xf32, #tpu.memory_space<vmem>> -> memref<1x128xf32, #tpu.memory_space<vmem>>
      %dma_wait3A_147 = tpu.memref_squeeze %dma_wait3A_146 : memref<1x128xf32, #tpu.memory_space<vmem>> -> memref<128xf32, #tpu.memory_space<vmem>>
      %dma_wait3A_148 = arith.constant 0 : i32
      %dma_wait3A_149 = tpu.memref_slice %arg10[%run_scoped3A_132, %dma_wait3A_148] : memref<16x128xi32, #tpu.memory_space<vmem>> -> memref<1x128xi32, #tpu.memory_space<vmem>>
      %dma_wait3A_150 = tpu.memref_squeeze %dma_wait3A_149 : memref<1x128xi32, #tpu.memory_space<vmem>> -> memref<128xi32, #tpu.memory_space<vmem>>
      %dma_wait3A_151 = arith.constant 0 : i32
      %dma_wait3A_152 = tpu.memref_slice %arg11[%dma_wait3A_151] : memref<524288xf32, #tpu.memory_space<vmem_shared>> -> memref<524288xf32, #tpu.memory_space<vmem_shared>>
      tpu.wait_indirect_dma semaphore(%run_scoped3A_138 : memref<!tpu.dma_semaphore, #tpu.memory_space<semaphore_mem>>) src(%dma_wait3A_147 : memref<128xf32, #tpu.memory_space<vmem>>) dst(%dma_wait3A_152 : memref<524288xf32, #tpu.memory_space<vmem_shared>>)
      tpu.yield
    }) : () -> ()
    %barrier3A_133 = arith.constant 0 : index
    tpu.barrier barrier_id(%barrier3A_133)
    %mul3A_134 = arith.constant 32768 : i32
    %mul3A_135 = arith.muli %arg1, %mul3A_134 : i32
    %mul3A_136 = arith.constant 32768 : i32
    %mul3A_137 = arith.muli %arg1, %mul3A_136 : i32
    "tpu.region"() ({
      %run_scoped3A_138 = tpu.sem_alloc : memref<!tpu.dma_semaphore, #tpu.memory_space<semaphore_mem>>
      %dma_start3A = tpu.memref_slice %arg6[%arg0, %mul3A_137] : memref<2x524288xf32, #tpu.memory_space<hbm>> -> memref<1x32768xf32, #tpu.memory_space<hbm>>
      %dma_start3A_139 = tpu.memref_squeeze %dma_start3A : memref<1x32768xf32, #tpu.memory_space<hbm>> -> memref<32768xf32, #tpu.memory_space<hbm>>
      %dma_start3A_140 = tpu.memref_slice %arg11[%mul3A_135] : memref<524288xf32, #tpu.memory_space<vmem_shared>> -> memref<32768xf32, #tpu.memory_space<vmem_shared>>
      tpu.enqueue_dma source(%dma_start3A_140 : memref<32768xf32, #tpu.memory_space<vmem_shared>>) target(%dma_start3A_139 : memref<32768xf32, #tpu.memory_space<hbm>>) target_semaphore(%run_scoped3A_138 : memref<!tpu.dma_semaphore, #tpu.memory_space<semaphore_mem>>)
      %dma_wait3A = tpu.memref_slice %arg6[%arg0, %mul3A_137] : memref<2x524288xf32, #tpu.memory_space<hbm>> -> memref<1x32768xf32, #tpu.memory_space<hbm>>
      %dma_wait3A_141 = tpu.memref_squeeze %dma_wait3A : memref<1x32768xf32, #tpu.memory_space<hbm>> -> memref<32768xf32, #tpu.memory_space<hbm>>
      %dma_wait3A_142 = tpu.memref_slice %arg11[%mul3A_135] : memref<524288xf32, #tpu.memory_space<vmem_shared>> -> memref<32768xf32, #tpu.memory_space<vmem_shared>>
      tpu.wait_dma2 semaphore(%run_scoped3A_138 : memref<!tpu.dma_semaphore, #tpu.memory_space<semaphore_mem>>) src(%dma_wait3A_142 : memref<32768xf32, #tpu.memory_space<vmem_shared>>) dst(%dma_wait3A_141 : memref<32768xf32, #tpu.memory_space<hbm>>)
      tpu.yield
    }) : () -> ()
    return
  }
}

module attributes {stable_mosaic.version = 14 : i64} {
  func.func @_tc_body(%arg0: i32, %arg1: memref<128x7680xf32, #tpu.memory_space<vmem>>, %arg2: memref<2x1x128x128xf32, #tpu.memory_space<vmem>>, %arg3: memref<128x256xf32, #tpu.memory_space<vmem>>, %arg4: memref<32xf32, #tpu.memory_space<vmem>>, %arg5: memref<32x32xf32, #tpu.memory_space<vmem>>, %arg6: memref<32xf32, #tpu.memory_space<vmem>>, %arg7: memref<256x64xf32, #tpu.memory_space<vmem>>, %arg8: memref<64xf32, #tpu.memory_space<vmem>>, %arg9: memref<64x128xf32, #tpu.memory_space<vmem>>, %arg10: memref<16xf32, #tpu.memory_space<vmem>>, %arg11: memref<16x16xf32, #tpu.memory_space<vmem>>, %arg12: memref<16xf32, #tpu.memory_space<vmem>>, %arg13: memref<128x32xf32, #tpu.memory_space<vmem>>, %arg14: memref<32xf32, #tpu.memory_space<vmem>>, %arg15: memref<32x32x32xf32, #tpu.memory_space<vmem>>, %arg16: memref<32xf32, #tpu.memory_space<vmem>>, %arg17: memref<128x32xf32, #tpu.memory_space<vmem>>, %arg18: memref<1xf32, #tpu.memory_space<vmem>>, %arg19: memref<1x4x1xf32, #tpu.memory_space<vmem>>) attributes {dimension_semantics = [#tpu.dimension_semantics<arbitrary>], iteration_bounds = array<i64: 32>, scalar_prefetch = 0 : i64, scratch_operands = 0 : i64, tpu.core_type = #tpu.core_type<tc>, window_params = [{transform_indices = @transform_0, window_bounds = array<i64: 128, 7680>}, {transform_indices = @transform_1, window_bounds = array<i64: 2, 1, 128, 128>}, {pipeline_mode = #tpu.pipeline_mode<synchronous>, transform_indices = @transform_2, window_bounds = array<i64: 128, 256>}, {pipeline_mode = #tpu.pipeline_mode<synchronous>, transform_indices = @transform_3, window_bounds = array<i64: 32>}, {pipeline_mode = #tpu.pipeline_mode<synchronous>, transform_indices = @transform_4, window_bounds = array<i64: 32, 32>}, {pipeline_mode = #tpu.pipeline_mode<synchronous>, transform_indices = @transform_5, window_bounds = array<i64: 32>}, {pipeline_mode = #tpu.pipeline_mode<synchronous>, transform_indices = @transform_6, window_bounds = array<i64: 256, 64>}, {pipeline_mode = #tpu.pipeline_mode<synchronous>, transform_indices = @transform_7, window_bounds = array<i64: 64>}, {pipeline_mode = #tpu.pipeline_mode<synchronous>, transform_indices = @transform_8, window_bounds = array<i64: 64, 128>}, {pipeline_mode = #tpu.pipeline_mode<synchronous>, transform_indices = @transform_9, window_bounds = array<i64: 16>}, {pipeline_mode = #tpu.pipeline_mode<synchronous>, transform_indices = @transform_10, window_bounds = array<i64: 16, 16>}, {pipeline_mode = #tpu.pipeline_mode<synchronous>, transform_indices = @transform_11, window_bounds = array<i64: 16>}, {pipeline_mode = #tpu.pipeline_mode<synchronous>, transform_indices = @transform_12, window_bounds = array<i64: 128, 32>}, {pipeline_mode = #tpu.pipeline_mode<synchronous>, transform_indices = @transform_13, window_bounds = array<i64: 32>}, {pipeline_mode = #tpu.pipeline_mode<synchronous>, transform_indices = @transform_14, window_bounds = array<i64: 32, 32, 32>}, {pipeline_mode = #tpu.pipeline_mode<synchronous>, transform_indices = @transform_15, window_bounds = array<i64: 32>}, {pipeline_mode = #tpu.pipeline_mode<synchronous>, transform_indices = @transform_16, window_bounds = array<i64: 128, 32>}, {pipeline_mode = #tpu.pipeline_mode<synchronous>, transform_indices = @transform_17, window_bounds = array<i64: 1>}, {transform_indices = @transform_18, window_bounds = array<i64: 1, 4, 1>}]} {
    %iota3A = tpu.iota {dimensions = array<i32: 0>} : vector<128x128xi32>
    %iota3A_0 = tpu.iota {dimensions = array<i32: 1>} : vector<128x128xi32>
    %get3A = arith.constant 0 : index
    %get3A_1 = arith.constant 0 : index
    %get3A_2 = arith.constant 0 : index
    %get3A_3 = arith.constant 0 : index
    %get3A_4 = vector.load %arg2[%get3A, %get3A_1, %get3A_2, %get3A_3] : memref<2x1x128x128xf32, #tpu.memory_space<vmem>>, vector<1x1x128x128xf32>
    %get3A_5 = vector.shape_cast %get3A_4 : vector<1x1x128x128xf32> to vector<128x128xf32>
    %get3A_6 = arith.constant 1 : index
    %get3A_7 = arith.constant 0 : index
    %get3A_8 = arith.constant 0 : index
    %get3A_9 = arith.constant 0 : index
    %get3A_10 = vector.load %arg2[%get3A_6, %get3A_7, %get3A_8, %get3A_9] : memref<2x1x128x128xf32, #tpu.memory_space<vmem>>, vector<1x1x128x128xf32>
    %get3A_11 = vector.shape_cast %get3A_10 : vector<1x1x128x128xf32> to vector<128x128xf32>
    %add3A = arith.addf %get3A_5, %get3A_11 : vector<128x128xf32>
    %eq3A = arith.cmpi eq, %iota3A, %iota3A_0 : vector<128x128xi32>
    %jit3A = arith.constant 1.000000e+00 : f32
    %jit3A_12 = arith.constant 0.000000e+00 : f32
    %broadcast_in_dim3A = vector.broadcast %jit3A : f32 to vector<128x128xf32>
    %broadcast_in_dim3A_13 = vector.broadcast %jit3A_12 : f32 to vector<128x128xf32>
    %select_n3A = arith.select %eq3A, %broadcast_in_dim3A, %broadcast_in_dim3A_13 : vector<128x128xi1>, vector<128x128xf32>
    %add3A_14 = arith.addf %add3A, %select_n3A : vector<128x128xf32>
    %get3A_15 = arith.constant 0 : index
    %get3A_16 = arith.constant 0 : index
    %get3A_17 = vector.load %arg1[%get3A_15, %get3A_16] : memref<128x7680xf32, #tpu.memory_space<vmem>>, vector<128x7680xf32>
    %reshape3A = vector.shape_cast %get3A_17 : vector<128x7680xf32> to vector<128x60x128xf32>
    %transpose3A = tpu.transpose %reshape3A, [1, 0, 2] : vector<128x60x128xf32> -> vector<60x128x128xf32>
    %reshape3A_18 = vector.shape_cast %transpose3A : vector<60x128x128xf32> to vector<7680x128xf32>
    %get3A_19 = arith.constant 0 : index
    %get3A_20 = arith.constant 0 : index
    %get3A_21 = vector.load %arg3[%get3A_19, %get3A_20] : memref<128x256xf32, #tpu.memory_space<vmem>>, vector<128x256xf32>
    %dot_general3A = arith.constant dense<0.000000e+00> : vector<7680x256xf32>
    %dot_general3A_22 = tpu.matmul %reshape3A_18, %get3A_21, %dot_general3A {dimension_numbers = #tpu.dot_dimension_numbers<[1], [0], [0], [1], [0, 0, 1, 1], [], []>, transpose_lhs_hint = false} : vector<7680x128xf32>, vector<128x256xf32>, vector<7680x256xf32> -> vector<7680x256xf32>
    %slice3A = vector.extract_strided_slice %dot_general3A_22 {offsets = [0, 0], sizes = [6784, 32], strides = [1, 1]} : vector<7680x256xf32> to vector<6784x32xf32>
    %slice3A_23 = vector.extract_strided_slice %dot_general3A_22 {offsets = [128, 32], sizes = [6784, 32], strides = [1, 1]} : vector<7680x256xf32> to vector<6784x32xf32>
    %add3A_24 = arith.addf %slice3A, %slice3A_23 : vector<6784x32xf32>
    %slice3A_25 = vector.extract_strided_slice %dot_general3A_22 {offsets = [256, 64], sizes = [6784, 32], strides = [1, 1]} : vector<7680x256xf32> to vector<6784x32xf32>
    %add3A_26 = arith.addf %add3A_24, %slice3A_25 : vector<6784x32xf32>
    %slice3A_27 = vector.extract_strided_slice %dot_general3A_22 {offsets = [384, 96], sizes = [6784, 32], strides = [1, 1]} : vector<7680x256xf32> to vector<6784x32xf32>
    %add3A_28 = arith.addf %add3A_26, %slice3A_27 : vector<6784x32xf32>
    %slice3A_29 = vector.extract_strided_slice %dot_general3A_22 {offsets = [512, 128], sizes = [6784, 32], strides = [1, 1]} : vector<7680x256xf32> to vector<6784x32xf32>
    %add3A_30 = arith.addf %add3A_28, %slice3A_29 : vector<6784x32xf32>
    %slice3A_31 = vector.extract_strided_slice %dot_general3A_22 {offsets = [640, 160], sizes = [6784, 32], strides = [1, 1]} : vector<7680x256xf32> to vector<6784x32xf32>
    %add3A_32 = arith.addf %add3A_30, %slice3A_31 : vector<6784x32xf32>
    %slice3A_33 = vector.extract_strided_slice %dot_general3A_22 {offsets = [768, 192], sizes = [6784, 32], strides = [1, 1]} : vector<7680x256xf32> to vector<6784x32xf32>
    %add3A_34 = arith.addf %add3A_32, %slice3A_33 : vector<6784x32xf32>
    %slice3A_35 = vector.extract_strided_slice %dot_general3A_22 {offsets = [896, 224], sizes = [6784, 32], strides = [1, 1]} : vector<7680x256xf32> to vector<6784x32xf32>
    %add3A_36 = arith.addf %add3A_34, %slice3A_35 : vector<6784x32xf32>
    %get3A_37 = arith.constant 0 : index
    %get3A_38 = vector.load %arg4[%get3A_37] : memref<32xf32, #tpu.memory_space<vmem>>, vector<32xf32>
    %broadcast_in_dim3A_39 = vector.shape_cast %get3A_38 : vector<32xf32> to vector<1x32xf32>
    %add3A_40 = vector.broadcast %broadcast_in_dim3A_39 : vector<1x32xf32> to vector<6784x32xf32>
    %add3A_41 = arith.addf %add3A_36, %add3A_40 : vector<6784x32xf32>
    %max3A = arith.constant 0.000000e+00 : f32
    %max3A_42 = vector.broadcast %max3A : f32 to vector<6784x32xf32>
    %max3A_43 = arith.maximumf %add3A_41, %max3A_42 : vector<6784x32xf32>
    %reshape3A_44 = vector.shape_cast %max3A_43 : vector<6784x32xf32> to vector<53x128x32xf32>
    %get3A_45 = arith.constant 0 : index
    %get3A_46 = arith.constant 0 : index
    %get3A_47 = vector.load %arg5[%get3A_45, %get3A_46] : memref<32x32xf32, #tpu.memory_space<vmem>>, vector<32x32xf32>
    %get3A_48 = arith.constant 0 : index
    %get3A_49 = vector.load %arg6[%get3A_48] : memref<32xf32, #tpu.memory_space<vmem>>, vector<32xf32>
    %slice3A_50 = vector.extract_strided_slice %reshape3A_44 {offsets = [0, 0, 0], sizes = [1, 128, 32], strides = [1, 1, 1]} : vector<53x128x32xf32> to vector<1x128x32xf32>
    %squeeze3A = vector.shape_cast %slice3A_50 : vector<1x128x32xf32> to vector<128x32xf32>
    %dot_general3A_51 = arith.constant dense<0.000000e+00> : vector<128x32xf32>
    %dot_general3A_52 = tpu.matmul %add3A_14, %squeeze3A, %dot_general3A_51 {dimension_numbers = #tpu.dot_dimension_numbers<[1], [0], [0], [1], [0, 0, 1, 1], [], []>, precision = #tpu.contract_precision<fp32>, transpose_lhs_hint = false} : vector<128x128xf32>, vector<128x32xf32>, vector<128x32xf32> -> vector<128x32xf32>
    %slice3A_53 = vector.extract_strided_slice %reshape3A_44 {offsets = [1, 0, 0], sizes = [1, 128, 32], strides = [1, 1, 1]} : vector<53x128x32xf32> to vector<1x128x32xf32>
    %squeeze3A_54 = vector.shape_cast %slice3A_53 : vector<1x128x32xf32> to vector<128x32xf32>
    %dot_general3A_55 = arith.constant dense<0.000000e+00> : vector<128x32xf32>
    %dot_general3A_56 = tpu.matmul %add3A_14, %squeeze3A_54, %dot_general3A_55 {dimension_numbers = #tpu.dot_dimension_numbers<[1], [0], [0], [1], [0, 0, 1, 1], [], []>, precision = #tpu.contract_precision<fp32>, transpose_lhs_hint = false} : vector<128x128xf32>, vector<128x32xf32>, vector<128x32xf32> -> vector<128x32xf32>
    %slice3A_57 = vector.extract_strided_slice %reshape3A_44 {offsets = [2, 0, 0], sizes = [1, 128, 32], strides = [1, 1, 1]} : vector<53x128x32xf32> to vector<1x128x32xf32>
    %squeeze3A_58 = vector.shape_cast %slice3A_57 : vector<1x128x32xf32> to vector<128x32xf32>
    %dot_general3A_59 = arith.constant dense<0.000000e+00> : vector<128x32xf32>
    %dot_general3A_60 = tpu.matmul %add3A_14, %squeeze3A_58, %dot_general3A_59 {dimension_numbers = #tpu.dot_dimension_numbers<[1], [0], [0], [1], [0, 0, 1, 1], [], []>, precision = #tpu.contract_precision<fp32>, transpose_lhs_hint = false} : vector<128x128xf32>, vector<128x32xf32>, vector<128x32xf32> -> vector<128x32xf32>
    %slice3A_61 = vector.extract_strided_slice %reshape3A_44 {offsets = [3, 0, 0], sizes = [1, 128, 32], strides = [1, 1, 1]} : vector<53x128x32xf32> to vector<1x128x32xf32>
    %squeeze3A_62 = vector.shape_cast %slice3A_61 : vector<1x128x32xf32> to vector<128x32xf32>
    %dot_general3A_63 = arith.constant dense<0.000000e+00> : vector<128x32xf32>
    %dot_general3A_64 = tpu.matmul %add3A_14, %squeeze3A_62, %dot_general3A_63 {dimension_numbers = #tpu.dot_dimension_numbers<[1], [0], [0], [1], [0, 0, 1, 1], [], []>, precision = #tpu.contract_precision<fp32>, transpose_lhs_hint = false} : vector<128x128xf32>, vector<128x32xf32>, vector<128x32xf32> -> vector<128x32xf32>
    %slice3A_65 = vector.extract_strided_slice %reshape3A_44 {offsets = [4, 0, 0], sizes = [1, 128, 32], strides = [1, 1, 1]} : vector<53x128x32xf32> to vector<1x128x32xf32>
    %squeeze3A_66 = vector.shape_cast %slice3A_65 : vector<1x128x32xf32> to vector<128x32xf32>
    %dot_general3A_67 = arith.constant dense<0.000000e+00> : vector<128x32xf32>
    %dot_general3A_68 = tpu.matmul %add3A_14, %squeeze3A_66, %dot_general3A_67 {dimension_numbers = #tpu.dot_dimension_numbers<[1], [0], [0], [1], [0, 0, 1, 1], [], []>, precision = #tpu.contract_precision<fp32>, transpose_lhs_hint = false} : vector<128x128xf32>, vector<128x32xf32>, vector<128x32xf32> -> vector<128x32xf32>
    %slice3A_69 = vector.extract_strided_slice %reshape3A_44 {offsets = [5, 0, 0], sizes = [1, 128, 32], strides = [1, 1, 1]} : vector<53x128x32xf32> to vector<1x128x32xf32>
    %squeeze3A_70 = vector.shape_cast %slice3A_69 : vector<1x128x32xf32> to vector<128x32xf32>
    %dot_general3A_71 = arith.constant dense<0.000000e+00> : vector<128x32xf32>
    %dot_general3A_72 = tpu.matmul %add3A_14, %squeeze3A_70, %dot_general3A_71 {dimension_numbers = #tpu.dot_dimension_numbers<[1], [0], [0], [1], [0, 0, 1, 1], [], []>, precision = #tpu.contract_precision<fp32>, transpose_lhs_hint = false} : vector<128x128xf32>, vector<128x32xf32>, vector<128x32xf32> -> vector<128x32xf32>
    %slice3A_73 = vector.extract_strided_slice %reshape3A_44 {offsets = [6, 0, 0], sizes = [1, 128, 32], strides = [1, 1, 1]} : vector<53x128x32xf32> to vector<1x128x32xf32>
    %squeeze3A_74 = vector.shape_cast %slice3A_73 : vector<1x128x32xf32> to vector<128x32xf32>
    %dot_general3A_75 = arith.constant dense<0.000000e+00> : vector<128x32xf32>
    %dot_general3A_76 = tpu.matmul %add3A_14, %squeeze3A_74, %dot_general3A_75 {dimension_numbers = #tpu.dot_dimension_numbers<[1], [0], [0], [1], [0, 0, 1, 1], [], []>, precision = #tpu.contract_precision<fp32>, transpose_lhs_hint = false} : vector<128x128xf32>, vector<128x32xf32>, vector<128x32xf32> -> vector<128x32xf32>
    %slice3A_77 = vector.extract_strided_slice %reshape3A_44 {offsets = [7, 0, 0], sizes = [1, 128, 32], strides = [1, 1, 1]} : vector<53x128x32xf32> to vector<1x128x32xf32>
    %squeeze3A_78 = vector.shape_cast %slice3A_77 : vector<1x128x32xf32> to vector<128x32xf32>
    %dot_general3A_79 = arith.constant dense<0.000000e+00> : vector<128x32xf32>
    %dot_general3A_80 = tpu.matmul %add3A_14, %squeeze3A_78, %dot_general3A_79 {dimension_numbers = #tpu.dot_dimension_numbers<[1], [0], [0], [1], [0, 0, 1, 1], [], []>, precision = #tpu.contract_precision<fp32>, transpose_lhs_hint = false} : vector<128x128xf32>, vector<128x32xf32>, vector<128x32xf32> -> vector<128x32xf32>
    %slice3A_81 = vector.extract_strided_slice %reshape3A_44 {offsets = [8, 0, 0], sizes = [1, 128, 32], strides = [1, 1, 1]} : vector<53x128x32xf32> to vector<1x128x32xf32>
    %squeeze3A_82 = vector.shape_cast %slice3A_81 : vector<1x128x32xf32> to vector<128x32xf32>
    %dot_general3A_83 = arith.constant dense<0.000000e+00> : vector<128x32xf32>
    %dot_general3A_84 = tpu.matmul %add3A_14, %squeeze3A_82, %dot_general3A_83 {dimension_numbers = #tpu.dot_dimension_numbers<[1], [0], [0], [1], [0, 0, 1, 1], [], []>, precision = #tpu.contract_precision<fp32>, transpose_lhs_hint = false} : vector<128x128xf32>, vector<128x32xf32>, vector<128x32xf32> -> vector<128x32xf32>
    %slice3A_85 = vector.extract_strided_slice %reshape3A_44 {offsets = [9, 0, 0], sizes = [1, 128, 32], strides = [1, 1, 1]} : vector<53x128x32xf32> to vector<1x128x32xf32>
    %squeeze3A_86 = vector.shape_cast %slice3A_85 : vector<1x128x32xf32> to vector<128x32xf32>
    %dot_general3A_87 = arith.constant dense<0.000000e+00> : vector<128x32xf32>
    %dot_general3A_88 = tpu.matmul %add3A_14, %squeeze3A_86, %dot_general3A_87 {dimension_numbers = #tpu.dot_dimension_numbers<[1], [0], [0], [1], [0, 0, 1, 1], [], []>, precision = #tpu.contract_precision<fp32>, transpose_lhs_hint = false} : vector<128x128xf32>, vector<128x32xf32>, vector<128x32xf32> -> vector<128x32xf32>
    %slice3A_89 = vector.extract_strided_slice %reshape3A_44 {offsets = [10, 0, 0], sizes = [1, 128, 32], strides = [1, 1, 1]} : vector<53x128x32xf32> to vector<1x128x32xf32>
    %squeeze3A_90 = vector.shape_cast %slice3A_89 : vector<1x128x32xf32> to vector<128x32xf32>
    %dot_general3A_91 = arith.constant dense<0.000000e+00> : vector<128x32xf32>
    %dot_general3A_92 = tpu.matmul %add3A_14, %squeeze3A_90, %dot_general3A_91 {dimension_numbers = #tpu.dot_dimension_numbers<[1], [0], [0], [1], [0, 0, 1, 1], [], []>, precision = #tpu.contract_precision<fp32>, transpose_lhs_hint = false} : vector<128x128xf32>, vector<128x32xf32>, vector<128x32xf32> -> vector<128x32xf32>
    %slice3A_93 = vector.extract_strided_slice %reshape3A_44 {offsets = [11, 0, 0], sizes = [1, 128, 32], strides = [1, 1, 1]} : vector<53x128x32xf32> to vector<1x128x32xf32>
    %squeeze3A_94 = vector.shape_cast %slice3A_93 : vector<1x128x32xf32> to vector<128x32xf32>
    %dot_general3A_95 = arith.constant dense<0.000000e+00> : vector<128x32xf32>
    %dot_general3A_96 = tpu.matmul %add3A_14, %squeeze3A_94, %dot_general3A_95 {dimension_numbers = #tpu.dot_dimension_numbers<[1], [0], [0], [1], [0, 0, 1, 1], [], []>, precision = #tpu.contract_precision<fp32>, transpose_lhs_hint = false} : vector<128x128xf32>, vector<128x32xf32>, vector<128x32xf32> -> vector<128x32xf32>
    %slice3A_97 = vector.extract_strided_slice %reshape3A_44 {offsets = [12, 0, 0], sizes = [1, 128, 32], strides = [1, 1, 1]} : vector<53x128x32xf32> to vector<1x128x32xf32>
    %squeeze3A_98 = vector.shape_cast %slice3A_97 : vector<1x128x32xf32> to vector<128x32xf32>
    %dot_general3A_99 = arith.constant dense<0.000000e+00> : vector<128x32xf32>
    %dot_general3A_100 = tpu.matmul %add3A_14, %squeeze3A_98, %dot_general3A_99 {dimension_numbers = #tpu.dot_dimension_numbers<[1], [0], [0], [1], [0, 0, 1, 1], [], []>, precision = #tpu.contract_precision<fp32>, transpose_lhs_hint = false} : vector<128x128xf32>, vector<128x32xf32>, vector<128x32xf32> -> vector<128x32xf32>
    %slice3A_101 = vector.extract_strided_slice %reshape3A_44 {offsets = [13, 0, 0], sizes = [1, 128, 32], strides = [1, 1, 1]} : vector<53x128x32xf32> to vector<1x128x32xf32>
    %squeeze3A_102 = vector.shape_cast %slice3A_101 : vector<1x128x32xf32> to vector<128x32xf32>
    %dot_general3A_103 = arith.constant dense<0.000000e+00> : vector<128x32xf32>
    %dot_general3A_104 = tpu.matmul %add3A_14, %squeeze3A_102, %dot_general3A_103 {dimension_numbers = #tpu.dot_dimension_numbers<[1], [0], [0], [1], [0, 0, 1, 1], [], []>, precision = #tpu.contract_precision<fp32>, transpose_lhs_hint = false} : vector<128x128xf32>, vector<128x32xf32>, vector<128x32xf32> -> vector<128x32xf32>
    %slice3A_105 = vector.extract_strided_slice %reshape3A_44 {offsets = [14, 0, 0], sizes = [1, 128, 32], strides = [1, 1, 1]} : vector<53x128x32xf32> to vector<1x128x32xf32>
    %squeeze3A_106 = vector.shape_cast %slice3A_105 : vector<1x128x32xf32> to vector<128x32xf32>
    %dot_general3A_107 = arith.constant dense<0.000000e+00> : vector<128x32xf32>
    %dot_general3A_108 = tpu.matmul %add3A_14, %squeeze3A_106, %dot_general3A_107 {dimension_numbers = #tpu.dot_dimension_numbers<[1], [0], [0], [1], [0, 0, 1, 1], [], []>, precision = #tpu.contract_precision<fp32>, transpose_lhs_hint = false} : vector<128x128xf32>, vector<128x32xf32>, vector<128x32xf32> -> vector<128x32xf32>
    %slice3A_109 = vector.extract_strided_slice %reshape3A_44 {offsets = [15, 0, 0], sizes = [1, 128, 32], strides = [1, 1, 1]} : vector<53x128x32xf32> to vector<1x128x32xf32>
    %squeeze3A_110 = vector.shape_cast %slice3A_109 : vector<1x128x32xf32> to vector<128x32xf32>
    %dot_general3A_111 = arith.constant dense<0.000000e+00> : vector<128x32xf32>
    %dot_general3A_112 = tpu.matmul %add3A_14, %squeeze3A_110, %dot_general3A_111 {dimension_numbers = #tpu.dot_dimension_numbers<[1], [0], [0], [1], [0, 0, 1, 1], [], []>, precision = #tpu.contract_precision<fp32>, transpose_lhs_hint = false} : vector<128x128xf32>, vector<128x32xf32>, vector<128x32xf32> -> vector<128x32xf32>
    %slice3A_113 = vector.extract_strided_slice %reshape3A_44 {offsets = [16, 0, 0], sizes = [1, 128, 32], strides = [1, 1, 1]} : vector<53x128x32xf32> to vector<1x128x32xf32>
    %squeeze3A_114 = vector.shape_cast %slice3A_113 : vector<1x128x32xf32> to vector<128x32xf32>
    %dot_general3A_115 = arith.constant dense<0.000000e+00> : vector<128x32xf32>
    %dot_general3A_116 = tpu.matmul %add3A_14, %squeeze3A_114, %dot_general3A_115 {dimension_numbers = #tpu.dot_dimension_numbers<[1], [0], [0], [1], [0, 0, 1, 1], [], []>, precision = #tpu.contract_precision<fp32>, transpose_lhs_hint = false} : vector<128x128xf32>, vector<128x32xf32>, vector<128x32xf32> -> vector<128x32xf32>
    %slice3A_117 = vector.extract_strided_slice %reshape3A_44 {offsets = [17, 0, 0], sizes = [1, 128, 32], strides = [1, 1, 1]} : vector<53x128x32xf32> to vector<1x128x32xf32>
    %squeeze3A_118 = vector.shape_cast %slice3A_117 : vector<1x128x32xf32> to vector<128x32xf32>
    %dot_general3A_119 = arith.constant dense<0.000000e+00> : vector<128x32xf32>
    %dot_general3A_120 = tpu.matmul %add3A_14, %squeeze3A_118, %dot_general3A_119 {dimension_numbers = #tpu.dot_dimension_numbers<[1], [0], [0], [1], [0, 0, 1, 1], [], []>, precision = #tpu.contract_precision<fp32>, transpose_lhs_hint = false} : vector<128x128xf32>, vector<128x32xf32>, vector<128x32xf32> -> vector<128x32xf32>
    %slice3A_121 = vector.extract_strided_slice %reshape3A_44 {offsets = [18, 0, 0], sizes = [1, 128, 32], strides = [1, 1, 1]} : vector<53x128x32xf32> to vector<1x128x32xf32>
    %squeeze3A_122 = vector.shape_cast %slice3A_121 : vector<1x128x32xf32> to vector<128x32xf32>
    %dot_general3A_123 = arith.constant dense<0.000000e+00> : vector<128x32xf32>
    %dot_general3A_124 = tpu.matmul %add3A_14, %squeeze3A_122, %dot_general3A_123 {dimension_numbers = #tpu.dot_dimension_numbers<[1], [0], [0], [1], [0, 0, 1, 1], [], []>, precision = #tpu.contract_precision<fp32>, transpose_lhs_hint = false} : vector<128x128xf32>, vector<128x32xf32>, vector<128x32xf32> -> vector<128x32xf32>
    %slice3A_125 = vector.extract_strided_slice %reshape3A_44 {offsets = [19, 0, 0], sizes = [1, 128, 32], strides = [1, 1, 1]} : vector<53x128x32xf32> to vector<1x128x32xf32>
    %squeeze3A_126 = vector.shape_cast %slice3A_125 : vector<1x128x32xf32> to vector<128x32xf32>
    %dot_general3A_127 = arith.constant dense<0.000000e+00> : vector<128x32xf32>
    %dot_general3A_128 = tpu.matmul %add3A_14, %squeeze3A_126, %dot_general3A_127 {dimension_numbers = #tpu.dot_dimension_numbers<[1], [0], [0], [1], [0, 0, 1, 1], [], []>, precision = #tpu.contract_precision<fp32>, transpose_lhs_hint = false} : vector<128x128xf32>, vector<128x32xf32>, vector<128x32xf32> -> vector<128x32xf32>
    %slice3A_129 = vector.extract_strided_slice %reshape3A_44 {offsets = [20, 0, 0], sizes = [1, 128, 32], strides = [1, 1, 1]} : vector<53x128x32xf32> to vector<1x128x32xf32>
    %squeeze3A_130 = vector.shape_cast %slice3A_129 : vector<1x128x32xf32> to vector<128x32xf32>
    %dot_general3A_131 = arith.constant dense<0.000000e+00> : vector<128x32xf32>
    %dot_general3A_132 = tpu.matmul %add3A_14, %squeeze3A_130, %dot_general3A_131 {dimension_numbers = #tpu.dot_dimension_numbers<[1], [0], [0], [1], [0, 0, 1, 1], [], []>, precision = #tpu.contract_precision<fp32>, transpose_lhs_hint = false} : vector<128x128xf32>, vector<128x32xf32>, vector<128x32xf32> -> vector<128x32xf32>
    %slice3A_133 = vector.extract_strided_slice %reshape3A_44 {offsets = [21, 0, 0], sizes = [1, 128, 32], strides = [1, 1, 1]} : vector<53x128x32xf32> to vector<1x128x32xf32>
    %squeeze3A_134 = vector.shape_cast %slice3A_133 : vector<1x128x32xf32> to vector<128x32xf32>
    %dot_general3A_135 = arith.constant dense<0.000000e+00> : vector<128x32xf32>
    %dot_general3A_136 = tpu.matmul %add3A_14, %squeeze3A_134, %dot_general3A_135 {dimension_numbers = #tpu.dot_dimension_numbers<[1], [0], [0], [1], [0, 0, 1, 1], [], []>, precision = #tpu.contract_precision<fp32>, transpose_lhs_hint = false} : vector<128x128xf32>, vector<128x32xf32>, vector<128x32xf32> -> vector<128x32xf32>
    %slice3A_137 = vector.extract_strided_slice %reshape3A_44 {offsets = [22, 0, 0], sizes = [1, 128, 32], strides = [1, 1, 1]} : vector<53x128x32xf32> to vector<1x128x32xf32>
    %squeeze3A_138 = vector.shape_cast %slice3A_137 : vector<1x128x32xf32> to vector<128x32xf32>
    %dot_general3A_139 = arith.constant dense<0.000000e+00> : vector<128x32xf32>
    %dot_general3A_140 = tpu.matmul %add3A_14, %squeeze3A_138, %dot_general3A_139 {dimension_numbers = #tpu.dot_dimension_numbers<[1], [0], [0], [1], [0, 0, 1, 1], [], []>, precision = #tpu.contract_precision<fp32>, transpose_lhs_hint = false} : vector<128x128xf32>, vector<128x32xf32>, vector<128x32xf32> -> vector<128x32xf32>
    %slice3A_141 = vector.extract_strided_slice %reshape3A_44 {offsets = [23, 0, 0], sizes = [1, 128, 32], strides = [1, 1, 1]} : vector<53x128x32xf32> to vector<1x128x32xf32>
    %squeeze3A_142 = vector.shape_cast %slice3A_141 : vector<1x128x32xf32> to vector<128x32xf32>
    %dot_general3A_143 = arith.constant dense<0.000000e+00> : vector<128x32xf32>
    %dot_general3A_144 = tpu.matmul %add3A_14, %squeeze3A_142, %dot_general3A_143 {dimension_numbers = #tpu.dot_dimension_numbers<[1], [0], [0], [1], [0, 0, 1, 1], [], []>, precision = #tpu.contract_precision<fp32>, transpose_lhs_hint = false} : vector<128x128xf32>, vector<128x32xf32>, vector<128x32xf32> -> vector<128x32xf32>
    %slice3A_145 = vector.extract_strided_slice %reshape3A_44 {offsets = [24, 0, 0], sizes = [1, 128, 32], strides = [1, 1, 1]} : vector<53x128x32xf32> to vector<1x128x32xf32>
    %squeeze3A_146 = vector.shape_cast %slice3A_145 : vector<1x128x32xf32> to vector<128x32xf32>
    %dot_general3A_147 = arith.constant dense<0.000000e+00> : vector<128x32xf32>
    %dot_general3A_148 = tpu.matmul %add3A_14, %squeeze3A_146, %dot_general3A_147 {dimension_numbers = #tpu.dot_dimension_numbers<[1], [0], [0], [1], [0, 0, 1, 1], [], []>, precision = #tpu.contract_precision<fp32>, transpose_lhs_hint = false} : vector<128x128xf32>, vector<128x32xf32>, vector<128x32xf32> -> vector<128x32xf32>
    %slice3A_149 = vector.extract_strided_slice %reshape3A_44 {offsets = [25, 0, 0], sizes = [1, 128, 32], strides = [1, 1, 1]} : vector<53x128x32xf32> to vector<1x128x32xf32>
    %squeeze3A_150 = vector.shape_cast %slice3A_149 : vector<1x128x32xf32> to vector<128x32xf32>
    %dot_general3A_151 = arith.constant dense<0.000000e+00> : vector<128x32xf32>
    %dot_general3A_152 = tpu.matmul %add3A_14, %squeeze3A_150, %dot_general3A_151 {dimension_numbers = #tpu.dot_dimension_numbers<[1], [0], [0], [1], [0, 0, 1, 1], [], []>, precision = #tpu.contract_precision<fp32>, transpose_lhs_hint = false} : vector<128x128xf32>, vector<128x32xf32>, vector<128x32xf32> -> vector<128x32xf32>
    %slice3A_153 = vector.extract_strided_slice %reshape3A_44 {offsets = [26, 0, 0], sizes = [1, 128, 32], strides = [1, 1, 1]} : vector<53x128x32xf32> to vector<1x128x32xf32>
    %squeeze3A_154 = vector.shape_cast %slice3A_153 : vector<1x128x32xf32> to vector<128x32xf32>
    %dot_general3A_155 = arith.constant dense<0.000000e+00> : vector<128x32xf32>
    %dot_general3A_156 = tpu.matmul %add3A_14, %squeeze3A_154, %dot_general3A_155 {dimension_numbers = #tpu.dot_dimension_numbers<[1], [0], [0], [1], [0, 0, 1, 1], [], []>, precision = #tpu.contract_precision<fp32>, transpose_lhs_hint = false} : vector<128x128xf32>, vector<128x32xf32>, vector<128x32xf32> -> vector<128x32xf32>
    %slice3A_157 = vector.extract_strided_slice %reshape3A_44 {offsets = [27, 0, 0], sizes = [1, 128, 32], strides = [1, 1, 1]} : vector<53x128x32xf32> to vector<1x128x32xf32>
    %squeeze3A_158 = vector.shape_cast %slice3A_157 : vector<1x128x32xf32> to vector<128x32xf32>
    %dot_general3A_159 = arith.constant dense<0.000000e+00> : vector<128x32xf32>
    %dot_general3A_160 = tpu.matmul %add3A_14, %squeeze3A_158, %dot_general3A_159 {dimension_numbers = #tpu.dot_dimension_numbers<[1], [0], [0], [1], [0, 0, 1, 1], [], []>, precision = #tpu.contract_precision<fp32>, transpose_lhs_hint = false} : vector<128x128xf32>, vector<128x32xf32>, vector<128x32xf32> -> vector<128x32xf32>
    %slice3A_161 = vector.extract_strided_slice %reshape3A_44 {offsets = [28, 0, 0], sizes = [1, 128, 32], strides = [1, 1, 1]} : vector<53x128x32xf32> to vector<1x128x32xf32>
    %squeeze3A_162 = vector.shape_cast %slice3A_161 : vector<1x128x32xf32> to vector<128x32xf32>
    %dot_general3A_163 = arith.constant dense<0.000000e+00> : vector<128x32xf32>
    %dot_general3A_164 = tpu.matmul %add3A_14, %squeeze3A_162, %dot_general3A_163 {dimension_numbers = #tpu.dot_dimension_numbers<[1], [0], [0], [1], [0, 0, 1, 1], [], []>, precision = #tpu.contract_precision<fp32>, transpose_lhs_hint = false} : vector<128x128xf32>, vector<128x32xf32>, vector<128x32xf32> -> vector<128x32xf32>
    %slice3A_165 = vector.extract_strided_slice %reshape3A_44 {offsets = [29, 0, 0], sizes = [1, 128, 32], strides = [1, 1, 1]} : vector<53x128x32xf32> to vector<1x128x32xf32>
    %squeeze3A_166 = vector.shape_cast %slice3A_165 : vector<1x128x32xf32> to vector<128x32xf32>
    %dot_general3A_167 = arith.constant dense<0.000000e+00> : vector<128x32xf32>
    %dot_general3A_168 = tpu.matmul %add3A_14, %squeeze3A_166, %dot_general3A_167 {dimension_numbers = #tpu.dot_dimension_numbers<[1], [0], [0], [1], [0, 0, 1, 1], [], []>, precision = #tpu.contract_precision<fp32>, transpose_lhs_hint = false} : vector<128x128xf32>, vector<128x32xf32>, vector<128x32xf32> -> vector<128x32xf32>
    %slice3A_169 = vector.extract_strided_slice %reshape3A_44 {offsets = [30, 0, 0], sizes = [1, 128, 32], strides = [1, 1, 1]} : vector<53x128x32xf32> to vector<1x128x32xf32>
    %squeeze3A_170 = vector.shape_cast %slice3A_169 : vector<1x128x32xf32> to vector<128x32xf32>
    %dot_general3A_171 = arith.constant dense<0.000000e+00> : vector<128x32xf32>
    %dot_general3A_172 = tpu.matmul %add3A_14, %squeeze3A_170, %dot_general3A_171 {dimension_numbers = #tpu.dot_dimension_numbers<[1], [0], [0], [1], [0, 0, 1, 1], [], []>, precision = #tpu.contract_precision<fp32>, transpose_lhs_hint = false} : vector<128x128xf32>, vector<128x32xf32>, vector<128x32xf32> -> vector<128x32xf32>
    %slice3A_173 = vector.extract_strided_slice %reshape3A_44 {offsets = [31, 0, 0], sizes = [1, 128, 32], strides = [1, 1, 1]} : vector<53x128x32xf32> to vector<1x128x32xf32>
    %squeeze3A_174 = vector.shape_cast %slice3A_173 : vector<1x128x32xf32> to vector<128x32xf32>
    %dot_general3A_175 = arith.constant dense<0.000000e+00> : vector<128x32xf32>
    %dot_general3A_176 = tpu.matmul %add3A_14, %squeeze3A_174, %dot_general3A_175 {dimension_numbers = #tpu.dot_dimension_numbers<[1], [0], [0], [1], [0, 0, 1, 1], [], []>, precision = #tpu.contract_precision<fp32>, transpose_lhs_hint = false} : vector<128x128xf32>, vector<128x32xf32>, vector<128x32xf32> -> vector<128x32xf32>
    %slice3A_177 = vector.extract_strided_slice %reshape3A_44 {offsets = [32, 0, 0], sizes = [1, 128, 32], strides = [1, 1, 1]} : vector<53x128x32xf32> to vector<1x128x32xf32>
    %squeeze3A_178 = vector.shape_cast %slice3A_177 : vector<1x128x32xf32> to vector<128x32xf32>
    %dot_general3A_179 = arith.constant dense<0.000000e+00> : vector<128x32xf32>
    %dot_general3A_180 = tpu.matmul %add3A_14, %squeeze3A_178, %dot_general3A_179 {dimension_numbers = #tpu.dot_dimension_numbers<[1], [0], [0], [1], [0, 0, 1, 1], [], []>, precision = #tpu.contract_precision<fp32>, transpose_lhs_hint = false} : vector<128x128xf32>, vector<128x32xf32>, vector<128x32xf32> -> vector<128x32xf32>
    %slice3A_181 = vector.extract_strided_slice %reshape3A_44 {offsets = [33, 0, 0], sizes = [1, 128, 32], strides = [1, 1, 1]} : vector<53x128x32xf32> to vector<1x128x32xf32>
    %squeeze3A_182 = vector.shape_cast %slice3A_181 : vector<1x128x32xf32> to vector<128x32xf32>
    %dot_general3A_183 = arith.constant dense<0.000000e+00> : vector<128x32xf32>
    %dot_general3A_184 = tpu.matmul %add3A_14, %squeeze3A_182, %dot_general3A_183 {dimension_numbers = #tpu.dot_dimension_numbers<[1], [0], [0], [1], [0, 0, 1, 1], [], []>, precision = #tpu.contract_precision<fp32>, transpose_lhs_hint = false} : vector<128x128xf32>, vector<128x32xf32>, vector<128x32xf32> -> vector<128x32xf32>
    %slice3A_185 = vector.extract_strided_slice %reshape3A_44 {offsets = [34, 0, 0], sizes = [1, 128, 32], strides = [1, 1, 1]} : vector<53x128x32xf32> to vector<1x128x32xf32>
    %squeeze3A_186 = vector.shape_cast %slice3A_185 : vector<1x128x32xf32> to vector<128x32xf32>
    %dot_general3A_187 = arith.constant dense<0.000000e+00> : vector<128x32xf32>
    %dot_general3A_188 = tpu.matmul %add3A_14, %squeeze3A_186, %dot_general3A_187 {dimension_numbers = #tpu.dot_dimension_numbers<[1], [0], [0], [1], [0, 0, 1, 1], [], []>, precision = #tpu.contract_precision<fp32>, transpose_lhs_hint = false} : vector<128x128xf32>, vector<128x32xf32>, vector<128x32xf32> -> vector<128x32xf32>
    %slice3A_189 = vector.extract_strided_slice %reshape3A_44 {offsets = [35, 0, 0], sizes = [1, 128, 32], strides = [1, 1, 1]} : vector<53x128x32xf32> to vector<1x128x32xf32>
    %squeeze3A_190 = vector.shape_cast %slice3A_189 : vector<1x128x32xf32> to vector<128x32xf32>
    %dot_general3A_191 = arith.constant dense<0.000000e+00> : vector<128x32xf32>
    %dot_general3A_192 = tpu.matmul %add3A_14, %squeeze3A_190, %dot_general3A_191 {dimension_numbers = #tpu.dot_dimension_numbers<[1], [0], [0], [1], [0, 0, 1, 1], [], []>, precision = #tpu.contract_precision<fp32>, transpose_lhs_hint = false} : vector<128x128xf32>, vector<128x32xf32>, vector<128x32xf32> -> vector<128x32xf32>
    %slice3A_193 = vector.extract_strided_slice %reshape3A_44 {offsets = [36, 0, 0], sizes = [1, 128, 32], strides = [1, 1, 1]} : vector<53x128x32xf32> to vector<1x128x32xf32>
    %squeeze3A_194 = vector.shape_cast %slice3A_193 : vector<1x128x32xf32> to vector<128x32xf32>
    %dot_general3A_195 = arith.constant dense<0.000000e+00> : vector<128x32xf32>
    %dot_general3A_196 = tpu.matmul %add3A_14, %squeeze3A_194, %dot_general3A_195 {dimension_numbers = #tpu.dot_dimension_numbers<[1], [0], [0], [1], [0, 0, 1, 1], [], []>, precision = #tpu.contract_precision<fp32>, transpose_lhs_hint = false} : vector<128x128xf32>, vector<128x32xf32>, vector<128x32xf32> -> vector<128x32xf32>
    %slice3A_197 = vector.extract_strided_slice %reshape3A_44 {offsets = [37, 0, 0], sizes = [1, 128, 32], strides = [1, 1, 1]} : vector<53x128x32xf32> to vector<1x128x32xf32>
    %squeeze3A_198 = vector.shape_cast %slice3A_197 : vector<1x128x32xf32> to vector<128x32xf32>
    %dot_general3A_199 = arith.constant dense<0.000000e+00> : vector<128x32xf32>
    %dot_general3A_200 = tpu.matmul %add3A_14, %squeeze3A_198, %dot_general3A_199 {dimension_numbers = #tpu.dot_dimension_numbers<[1], [0], [0], [1], [0, 0, 1, 1], [], []>, precision = #tpu.contract_precision<fp32>, transpose_lhs_hint = false} : vector<128x128xf32>, vector<128x32xf32>, vector<128x32xf32> -> vector<128x32xf32>
    %slice3A_201 = vector.extract_strided_slice %reshape3A_44 {offsets = [38, 0, 0], sizes = [1, 128, 32], strides = [1, 1, 1]} : vector<53x128x32xf32> to vector<1x128x32xf32>
    %squeeze3A_202 = vector.shape_cast %slice3A_201 : vector<1x128x32xf32> to vector<128x32xf32>
    %dot_general3A_203 = arith.constant dense<0.000000e+00> : vector<128x32xf32>
    %dot_general3A_204 = tpu.matmul %add3A_14, %squeeze3A_202, %dot_general3A_203 {dimension_numbers = #tpu.dot_dimension_numbers<[1], [0], [0], [1], [0, 0, 1, 1], [], []>, precision = #tpu.contract_precision<fp32>, transpose_lhs_hint = false} : vector<128x128xf32>, vector<128x32xf32>, vector<128x32xf32> -> vector<128x32xf32>
    %slice3A_205 = vector.extract_strided_slice %reshape3A_44 {offsets = [39, 0, 0], sizes = [1, 128, 32], strides = [1, 1, 1]} : vector<53x128x32xf32> to vector<1x128x32xf32>
    %squeeze3A_206 = vector.shape_cast %slice3A_205 : vector<1x128x32xf32> to vector<128x32xf32>
    %dot_general3A_207 = arith.constant dense<0.000000e+00> : vector<128x32xf32>
    %dot_general3A_208 = tpu.matmul %add3A_14, %squeeze3A_206, %dot_general3A_207 {dimension_numbers = #tpu.dot_dimension_numbers<[1], [0], [0], [1], [0, 0, 1, 1], [], []>, precision = #tpu.contract_precision<fp32>, transpose_lhs_hint = false} : vector<128x128xf32>, vector<128x32xf32>, vector<128x32xf32> -> vector<128x32xf32>
    %slice3A_209 = vector.extract_strided_slice %reshape3A_44 {offsets = [40, 0, 0], sizes = [1, 128, 32], strides = [1, 1, 1]} : vector<53x128x32xf32> to vector<1x128x32xf32>
    %squeeze3A_210 = vector.shape_cast %slice3A_209 : vector<1x128x32xf32> to vector<128x32xf32>
    %dot_general3A_211 = arith.constant dense<0.000000e+00> : vector<128x32xf32>
    %dot_general3A_212 = tpu.matmul %add3A_14, %squeeze3A_210, %dot_general3A_211 {dimension_numbers = #tpu.dot_dimension_numbers<[1], [0], [0], [1], [0, 0, 1, 1], [], []>, precision = #tpu.contract_precision<fp32>, transpose_lhs_hint = false} : vector<128x128xf32>, vector<128x32xf32>, vector<128x32xf32> -> vector<128x32xf32>
    %slice3A_213 = vector.extract_strided_slice %reshape3A_44 {offsets = [41, 0, 0], sizes = [1, 128, 32], strides = [1, 1, 1]} : vector<53x128x32xf32> to vector<1x128x32xf32>
    %squeeze3A_214 = vector.shape_cast %slice3A_213 : vector<1x128x32xf32> to vector<128x32xf32>
    %dot_general3A_215 = arith.constant dense<0.000000e+00> : vector<128x32xf32>
    %dot_general3A_216 = tpu.matmul %add3A_14, %squeeze3A_214, %dot_general3A_215 {dimension_numbers = #tpu.dot_dimension_numbers<[1], [0], [0], [1], [0, 0, 1, 1], [], []>, precision = #tpu.contract_precision<fp32>, transpose_lhs_hint = false} : vector<128x128xf32>, vector<128x32xf32>, vector<128x32xf32> -> vector<128x32xf32>
    %slice3A_217 = vector.extract_strided_slice %reshape3A_44 {offsets = [42, 0, 0], sizes = [1, 128, 32], strides = [1, 1, 1]} : vector<53x128x32xf32> to vector<1x128x32xf32>
    %squeeze3A_218 = vector.shape_cast %slice3A_217 : vector<1x128x32xf32> to vector<128x32xf32>
    %dot_general3A_219 = arith.constant dense<0.000000e+00> : vector<128x32xf32>
    %dot_general3A_220 = tpu.matmul %add3A_14, %squeeze3A_218, %dot_general3A_219 {dimension_numbers = #tpu.dot_dimension_numbers<[1], [0], [0], [1], [0, 0, 1, 1], [], []>, precision = #tpu.contract_precision<fp32>, transpose_lhs_hint = false} : vector<128x128xf32>, vector<128x32xf32>, vector<128x32xf32> -> vector<128x32xf32>
    %slice3A_221 = vector.extract_strided_slice %reshape3A_44 {offsets = [43, 0, 0], sizes = [1, 128, 32], strides = [1, 1, 1]} : vector<53x128x32xf32> to vector<1x128x32xf32>
    %squeeze3A_222 = vector.shape_cast %slice3A_221 : vector<1x128x32xf32> to vector<128x32xf32>
    %dot_general3A_223 = arith.constant dense<0.000000e+00> : vector<128x32xf32>
    %dot_general3A_224 = tpu.matmul %add3A_14, %squeeze3A_222, %dot_general3A_223 {dimension_numbers = #tpu.dot_dimension_numbers<[1], [0], [0], [1], [0, 0, 1, 1], [], []>, precision = #tpu.contract_precision<fp32>, transpose_lhs_hint = false} : vector<128x128xf32>, vector<128x32xf32>, vector<128x32xf32> -> vector<128x32xf32>
    %slice3A_225 = vector.extract_strided_slice %reshape3A_44 {offsets = [44, 0, 0], sizes = [1, 128, 32], strides = [1, 1, 1]} : vector<53x128x32xf32> to vector<1x128x32xf32>
    %squeeze3A_226 = vector.shape_cast %slice3A_225 : vector<1x128x32xf32> to vector<128x32xf32>
    %dot_general3A_227 = arith.constant dense<0.000000e+00> : vector<128x32xf32>
    %dot_general3A_228 = tpu.matmul %add3A_14, %squeeze3A_226, %dot_general3A_227 {dimension_numbers = #tpu.dot_dimension_numbers<[1], [0], [0], [1], [0, 0, 1, 1], [], []>, precision = #tpu.contract_precision<fp32>, transpose_lhs_hint = false} : vector<128x128xf32>, vector<128x32xf32>, vector<128x32xf32> -> vector<128x32xf32>
    %slice3A_229 = vector.extract_strided_slice %reshape3A_44 {offsets = [45, 0, 0], sizes = [1, 128, 32], strides = [1, 1, 1]} : vector<53x128x32xf32> to vector<1x128x32xf32>
    %squeeze3A_230 = vector.shape_cast %slice3A_229 : vector<1x128x32xf32> to vector<128x32xf32>
    %dot_general3A_231 = arith.constant dense<0.000000e+00> : vector<128x32xf32>
    %dot_general3A_232 = tpu.matmul %add3A_14, %squeeze3A_230, %dot_general3A_231 {dimension_numbers = #tpu.dot_dimension_numbers<[1], [0], [0], [1], [0, 0, 1, 1], [], []>, precision = #tpu.contract_precision<fp32>, transpose_lhs_hint = false} : vector<128x128xf32>, vector<128x32xf32>, vector<128x32xf32> -> vector<128x32xf32>
    %slice3A_233 = vector.extract_strided_slice %reshape3A_44 {offsets = [46, 0, 0], sizes = [1, 128, 32], strides = [1, 1, 1]} : vector<53x128x32xf32> to vector<1x128x32xf32>
    %squeeze3A_234 = vector.shape_cast %slice3A_233 : vector<1x128x32xf32> to vector<128x32xf32>
    %dot_general3A_235 = arith.constant dense<0.000000e+00> : vector<128x32xf32>
    %dot_general3A_236 = tpu.matmul %add3A_14, %squeeze3A_234, %dot_general3A_235 {dimension_numbers = #tpu.dot_dimension_numbers<[1], [0], [0], [1], [0, 0, 1, 1], [], []>, precision = #tpu.contract_precision<fp32>, transpose_lhs_hint = false} : vector<128x128xf32>, vector<128x32xf32>, vector<128x32xf32> -> vector<128x32xf32>
    %slice3A_237 = vector.extract_strided_slice %reshape3A_44 {offsets = [47, 0, 0], sizes = [1, 128, 32], strides = [1, 1, 1]} : vector<53x128x32xf32> to vector<1x128x32xf32>
    %squeeze3A_238 = vector.shape_cast %slice3A_237 : vector<1x128x32xf32> to vector<128x32xf32>
    %dot_general3A_239 = arith.constant dense<0.000000e+00> : vector<128x32xf32>
    %dot_general3A_240 = tpu.matmul %add3A_14, %squeeze3A_238, %dot_general3A_239 {dimension_numbers = #tpu.dot_dimension_numbers<[1], [0], [0], [1], [0, 0, 1, 1], [], []>, precision = #tpu.contract_precision<fp32>, transpose_lhs_hint = false} : vector<128x128xf32>, vector<128x32xf32>, vector<128x32xf32> -> vector<128x32xf32>
    %slice3A_241 = vector.extract_strided_slice %reshape3A_44 {offsets = [48, 0, 0], sizes = [1, 128, 32], strides = [1, 1, 1]} : vector<53x128x32xf32> to vector<1x128x32xf32>
    %squeeze3A_242 = vector.shape_cast %slice3A_241 : vector<1x128x32xf32> to vector<128x32xf32>
    %dot_general3A_243 = arith.constant dense<0.000000e+00> : vector<128x32xf32>
    %dot_general3A_244 = tpu.matmul %add3A_14, %squeeze3A_242, %dot_general3A_243 {dimension_numbers = #tpu.dot_dimension_numbers<[1], [0], [0], [1], [0, 0, 1, 1], [], []>, precision = #tpu.contract_precision<fp32>, transpose_lhs_hint = false} : vector<128x128xf32>, vector<128x32xf32>, vector<128x32xf32> -> vector<128x32xf32>
    %slice3A_245 = vector.extract_strided_slice %reshape3A_44 {offsets = [49, 0, 0], sizes = [1, 128, 32], strides = [1, 1, 1]} : vector<53x128x32xf32> to vector<1x128x32xf32>
    %squeeze3A_246 = vector.shape_cast %slice3A_245 : vector<1x128x32xf32> to vector<128x32xf32>
    %dot_general3A_247 = arith.constant dense<0.000000e+00> : vector<128x32xf32>
    %dot_general3A_248 = tpu.matmul %add3A_14, %squeeze3A_246, %dot_general3A_247 {dimension_numbers = #tpu.dot_dimension_numbers<[1], [0], [0], [1], [0, 0, 1, 1], [], []>, precision = #tpu.contract_precision<fp32>, transpose_lhs_hint = false} : vector<128x128xf32>, vector<128x32xf32>, vector<128x32xf32> -> vector<128x32xf32>
    %slice3A_249 = vector.extract_strided_slice %reshape3A_44 {offsets = [50, 0, 0], sizes = [1, 128, 32], strides = [1, 1, 1]} : vector<53x128x32xf32> to vector<1x128x32xf32>
    %squeeze3A_250 = vector.shape_cast %slice3A_249 : vector<1x128x32xf32> to vector<128x32xf32>
    %dot_general3A_251 = arith.constant dense<0.000000e+00> : vector<128x32xf32>
    %dot_general3A_252 = tpu.matmul %add3A_14, %squeeze3A_250, %dot_general3A_251 {dimension_numbers = #tpu.dot_dimension_numbers<[1], [0], [0], [1], [0, 0, 1, 1], [], []>, precision = #tpu.contract_precision<fp32>, transpose_lhs_hint = false} : vector<128x128xf32>, vector<128x32xf32>, vector<128x32xf32> -> vector<128x32xf32>
    %slice3A_253 = vector.extract_strided_slice %reshape3A_44 {offsets = [51, 0, 0], sizes = [1, 128, 32], strides = [1, 1, 1]} : vector<53x128x32xf32> to vector<1x128x32xf32>
    %squeeze3A_254 = vector.shape_cast %slice3A_253 : vector<1x128x32xf32> to vector<128x32xf32>
    %dot_general3A_255 = arith.constant dense<0.000000e+00> : vector<128x32xf32>
    %dot_general3A_256 = tpu.matmul %add3A_14, %squeeze3A_254, %dot_general3A_255 {dimension_numbers = #tpu.dot_dimension_numbers<[1], [0], [0], [1], [0, 0, 1, 1], [], []>, precision = #tpu.contract_precision<fp32>, transpose_lhs_hint = false} : vector<128x128xf32>, vector<128x32xf32>, vector<128x32xf32> -> vector<128x32xf32>
    %slice3A_257 = vector.extract_strided_slice %reshape3A_44 {offsets = [52, 0, 0], sizes = [1, 128, 32], strides = [1, 1, 1]} : vector<53x128x32xf32> to vector<1x128x32xf32>
    %squeeze3A_258 = vector.shape_cast %slice3A_257 : vector<1x128x32xf32> to vector<128x32xf32>
    %dot_general3A_259 = arith.constant dense<0.000000e+00> : vector<128x32xf32>
    %dot_general3A_260 = tpu.matmul %add3A_14, %squeeze3A_258, %dot_general3A_259 {dimension_numbers = #tpu.dot_dimension_numbers<[1], [0], [0], [1], [0, 0, 1, 1], [], []>, precision = #tpu.contract_precision<fp32>, transpose_lhs_hint = false} : vector<128x128xf32>, vector<128x32xf32>, vector<128x32xf32> -> vector<128x32xf32>
    %stack3A = vector.shape_cast %dot_general3A_52 : vector<128x32xf32> to vector<1x128x32xf32>
    %stack3A_261 = vector.shape_cast %dot_general3A_56 : vector<128x32xf32> to vector<1x128x32xf32>
    %stack3A_262 = vector.shape_cast %dot_general3A_60 : vector<128x32xf32> to vector<1x128x32xf32>
    %stack3A_263 = vector.shape_cast %dot_general3A_64 : vector<128x32xf32> to vector<1x128x32xf32>
    %stack3A_264 = vector.shape_cast %dot_general3A_68 : vector<128x32xf32> to vector<1x128x32xf32>
    %stack3A_265 = vector.shape_cast %dot_general3A_72 : vector<128x32xf32> to vector<1x128x32xf32>
    %stack3A_266 = vector.shape_cast %dot_general3A_76 : vector<128x32xf32> to vector<1x128x32xf32>
    %stack3A_267 = vector.shape_cast %dot_general3A_80 : vector<128x32xf32> to vector<1x128x32xf32>
    %stack3A_268 = vector.shape_cast %dot_general3A_84 : vector<128x32xf32> to vector<1x128x32xf32>
    %stack3A_269 = vector.shape_cast %dot_general3A_88 : vector<128x32xf32> to vector<1x128x32xf32>
    %stack3A_270 = vector.shape_cast %dot_general3A_92 : vector<128x32xf32> to vector<1x128x32xf32>
    %stack3A_271 = vector.shape_cast %dot_general3A_96 : vector<128x32xf32> to vector<1x128x32xf32>
    %stack3A_272 = vector.shape_cast %dot_general3A_100 : vector<128x32xf32> to vector<1x128x32xf32>
    %stack3A_273 = vector.shape_cast %dot_general3A_104 : vector<128x32xf32> to vector<1x128x32xf32>
    %stack3A_274 = vector.shape_cast %dot_general3A_108 : vector<128x32xf32> to vector<1x128x32xf32>
    %stack3A_275 = vector.shape_cast %dot_general3A_112 : vector<128x32xf32> to vector<1x128x32xf32>
    %stack3A_276 = vector.shape_cast %dot_general3A_116 : vector<128x32xf32> to vector<1x128x32xf32>
    %stack3A_277 = vector.shape_cast %dot_general3A_120 : vector<128x32xf32> to vector<1x128x32xf32>
    %stack3A_278 = vector.shape_cast %dot_general3A_124 : vector<128x32xf32> to vector<1x128x32xf32>
    %stack3A_279 = vector.shape_cast %dot_general3A_128 : vector<128x32xf32> to vector<1x128x32xf32>
    %stack3A_280 = vector.shape_cast %dot_general3A_132 : vector<128x32xf32> to vector<1x128x32xf32>
    %stack3A_281 = vector.shape_cast %dot_general3A_136 : vector<128x32xf32> to vector<1x128x32xf32>
    %stack3A_282 = vector.shape_cast %dot_general3A_140 : vector<128x32xf32> to vector<1x128x32xf32>
    %stack3A_283 = vector.shape_cast %dot_general3A_144 : vector<128x32xf32> to vector<1x128x32xf32>
    %stack3A_284 = vector.shape_cast %dot_general3A_148 : vector<128x32xf32> to vector<1x128x32xf32>
    %stack3A_285 = vector.shape_cast %dot_general3A_152 : vector<128x32xf32> to vector<1x128x32xf32>
    %stack3A_286 = vector.shape_cast %dot_general3A_156 : vector<128x32xf32> to vector<1x128x32xf32>
    %stack3A_287 = vector.shape_cast %dot_general3A_160 : vector<128x32xf32> to vector<1x128x32xf32>
    %stack3A_288 = vector.shape_cast %dot_general3A_164 : vector<128x32xf32> to vector<1x128x32xf32>
    %stack3A_289 = vector.shape_cast %dot_general3A_168 : vector<128x32xf32> to vector<1x128x32xf32>
    %stack3A_290 = vector.shape_cast %dot_general3A_172 : vector<128x32xf32> to vector<1x128x32xf32>
    %stack3A_291 = vector.shape_cast %dot_general3A_176 : vector<128x32xf32> to vector<1x128x32xf32>
    %stack3A_292 = vector.shape_cast %dot_general3A_180 : vector<128x32xf32> to vector<1x128x32xf32>
    %stack3A_293 = vector.shape_cast %dot_general3A_184 : vector<128x32xf32> to vector<1x128x32xf32>
    %stack3A_294 = vector.shape_cast %dot_general3A_188 : vector<128x32xf32> to vector<1x128x32xf32>
    %stack3A_295 = vector.shape_cast %dot_general3A_192 : vector<128x32xf32> to vector<1x128x32xf32>
    %stack3A_296 = vector.shape_cast %dot_general3A_196 : vector<128x32xf32> to vector<1x128x32xf32>
    %stack3A_297 = vector.shape_cast %dot_general3A_200 : vector<128x32xf32> to vector<1x128x32xf32>
    %stack3A_298 = vector.shape_cast %dot_general3A_204 : vector<128x32xf32> to vector<1x128x32xf32>
    %stack3A_299 = vector.shape_cast %dot_general3A_208 : vector<128x32xf32> to vector<1x128x32xf32>
    %stack3A_300 = vector.shape_cast %dot_general3A_212 : vector<128x32xf32> to vector<1x128x32xf32>
    %stack3A_301 = vector.shape_cast %dot_general3A_216 : vector<128x32xf32> to vector<1x128x32xf32>
    %stack3A_302 = vector.shape_cast %dot_general3A_220 : vector<128x32xf32> to vector<1x128x32xf32>
    %stack3A_303 = vector.shape_cast %dot_general3A_224 : vector<128x32xf32> to vector<1x128x32xf32>
    %stack3A_304 = vector.shape_cast %dot_general3A_228 : vector<128x32xf32> to vector<1x128x32xf32>
    %stack3A_305 = vector.shape_cast %dot_general3A_232 : vector<128x32xf32> to vector<1x128x32xf32>
    %stack3A_306 = vector.shape_cast %dot_general3A_236 : vector<128x32xf32> to vector<1x128x32xf32>
    %stack3A_307 = vector.shape_cast %dot_general3A_240 : vector<128x32xf32> to vector<1x128x32xf32>
    %stack3A_308 = vector.shape_cast %dot_general3A_244 : vector<128x32xf32> to vector<1x128x32xf32>
    %stack3A_309 = vector.shape_cast %dot_general3A_248 : vector<128x32xf32> to vector<1x128x32xf32>
    %stack3A_310 = vector.shape_cast %dot_general3A_252 : vector<128x32xf32> to vector<1x128x32xf32>
    %stack3A_311 = vector.shape_cast %dot_general3A_256 : vector<128x32xf32> to vector<1x128x32xf32>
    %stack3A_312 = vector.shape_cast %dot_general3A_260 : vector<128x32xf32> to vector<1x128x32xf32>
    %stack3A_313 = tpu.concatenate %stack3A, %stack3A_261, %stack3A_262, %stack3A_263, %stack3A_264, %stack3A_265, %stack3A_266, %stack3A_267, %stack3A_268, %stack3A_269, %stack3A_270, %stack3A_271, %stack3A_272, %stack3A_273, %stack3A_274, %stack3A_275, %stack3A_276, %stack3A_277, %stack3A_278, %stack3A_279, %stack3A_280, %stack3A_281, %stack3A_282, %stack3A_283, %stack3A_284, %stack3A_285, %stack3A_286, %stack3A_287, %stack3A_288, %stack3A_289, %stack3A_290, %stack3A_291, %stack3A_292, %stack3A_293, %stack3A_294, %stack3A_295, %stack3A_296, %stack3A_297, %stack3A_298, %stack3A_299, %stack3A_300, %stack3A_301, %stack3A_302, %stack3A_303, %stack3A_304, %stack3A_305, %stack3A_306, %stack3A_307, %stack3A_308, %stack3A_309, %stack3A_310, %stack3A_311, %stack3A_312 in 0 : vector<1x128x32xf32>, vector<1x128x32xf32>, vector<1x128x32xf32>, vector<1x128x32xf32>, vector<1x128x32xf32>, vector<1x128x32xf32>, vector<1x128x32xf32>, vector<1x128x32xf32>, vector<1x128x32xf32>, vector<1x128x32xf32>, vector<1x128x32xf32>, vector<1x128x32xf32>, vector<1x128x32xf32>, vector<1x128x32xf32>, vector<1x128x32xf32>, vector<1x128x32xf32>, vector<1x128x32xf32>, vector<1x128x32xf32>, vector<1x128x32xf32>, vector<1x128x32xf32>, vector<1x128x32xf32>, vector<1x128x32xf32>, vector<1x128x32xf32>, vector<1x128x32xf32>, vector<1x128x32xf32>, vector<1x128x32xf32>, vector<1x128x32xf32>, vector<1x128x32xf32>, vector<1x128x32xf32>, vector<1x128x32xf32>, vector<1x128x32xf32>, vector<1x128x32xf32>, vector<1x128x32xf32>, vector<1x128x32xf32>, vector<1x128x32xf32>, vector<1x128x32xf32>, vector<1x128x32xf32>, vector<1x128x32xf32>, vector<1x128x32xf32>, vector<1x128x32xf32>, vector<1x128x32xf32>, vector<1x128x32xf32>, vector<1x128x32xf32>, vector<1x128x32xf32>, vector<1x128x32xf32>, vector<1x128x32xf32>, vector<1x128x32xf32>, vector<1x128x32xf32>, vector<1x128x32xf32>, vector<1x128x32xf32>, vector<1x128x32xf32>, vector<1x128x32xf32>, vector<1x128x32xf32> -> vector<53x128x32xf32>
    %reshape3A_314 = vector.shape_cast %stack3A_313 : vector<53x128x32xf32> to vector<6784x32xf32>
    %dot_general3A_315 = arith.constant dense<0.000000e+00> : vector<6784x32xf32>
    %dot_general3A_316 = tpu.matmul %reshape3A_314, %get3A_47, %dot_general3A_315 {dimension_numbers = #tpu.dot_dimension_numbers<[1], [0], [0], [1], [0, 0, 1, 1], [], []>, transpose_lhs_hint = false} : vector<6784x32xf32>, vector<32x32xf32>, vector<6784x32xf32> -> vector<6784x32xf32>
    %broadcast_in_dim3A_317 = vector.shape_cast %get3A_49 : vector<32xf32> to vector<1x32xf32>
    %add3A_318 = vector.broadcast %broadcast_in_dim3A_317 : vector<1x32xf32> to vector<6784x32xf32>
    %add3A_319 = arith.addf %dot_general3A_316, %add3A_318 : vector<6784x32xf32>
    %max3A_320 = arith.constant 0.000000e+00 : f32
    %max3A_321 = vector.broadcast %max3A_320 : f32 to vector<6784x32xf32>
    %max3A_322 = arith.maximumf %add3A_319, %max3A_321 : vector<6784x32xf32>
    %slice3A_323 = vector.extract_strided_slice %max3A_322 {offsets = [0, 0], sizes = [5888, 32], strides = [1, 1]} : vector<6784x32xf32> to vector<5888x32xf32>
    %slice3A_324 = vector.extract_strided_slice %max3A_322 {offsets = [128, 0], sizes = [5888, 32], strides = [1, 1]} : vector<6784x32xf32> to vector<5888x32xf32>
    %slice3A_325 = vector.extract_strided_slice %max3A_322 {offsets = [256, 0], sizes = [5888, 32], strides = [1, 1]} : vector<6784x32xf32> to vector<5888x32xf32>
    %slice3A_326 = vector.extract_strided_slice %max3A_322 {offsets = [384, 0], sizes = [5888, 32], strides = [1, 1]} : vector<6784x32xf32> to vector<5888x32xf32>
    %slice3A_327 = vector.extract_strided_slice %max3A_322 {offsets = [512, 0], sizes = [5888, 32], strides = [1, 1]} : vector<6784x32xf32> to vector<5888x32xf32>
    %slice3A_328 = vector.extract_strided_slice %max3A_322 {offsets = [640, 0], sizes = [5888, 32], strides = [1, 1]} : vector<6784x32xf32> to vector<5888x32xf32>
    %slice3A_329 = vector.extract_strided_slice %max3A_322 {offsets = [768, 0], sizes = [5888, 32], strides = [1, 1]} : vector<6784x32xf32> to vector<5888x32xf32>
    %slice3A_330 = vector.extract_strided_slice %max3A_322 {offsets = [896, 0], sizes = [5888, 32], strides = [1, 1]} : vector<6784x32xf32> to vector<5888x32xf32>
    %concatenate3A = tpu.concatenate %slice3A_323, %slice3A_324, %slice3A_325, %slice3A_326, %slice3A_327, %slice3A_328, %slice3A_329, %slice3A_330 in 1 : vector<5888x32xf32>, vector<5888x32xf32>, vector<5888x32xf32>, vector<5888x32xf32>, vector<5888x32xf32>, vector<5888x32xf32>, vector<5888x32xf32>, vector<5888x32xf32> -> vector<5888x256xf32>
    %get3A_331 = arith.constant 0 : index
    %get3A_332 = arith.constant 0 : index
    %get3A_333 = vector.load %arg7[%get3A_331, %get3A_332] : memref<256x64xf32, #tpu.memory_space<vmem>>, vector<256x64xf32>
    %dot_general3A_334 = arith.constant dense<0.000000e+00> : vector<5888x64xf32>
    %dot_general3A_335 = tpu.matmul %concatenate3A, %get3A_333, %dot_general3A_334 {dimension_numbers = #tpu.dot_dimension_numbers<[1], [0], [0], [1], [0, 0, 1, 1], [], []>, transpose_lhs_hint = false} : vector<5888x256xf32>, vector<256x64xf32>, vector<5888x64xf32> -> vector<5888x64xf32>
    %get3A_336 = arith.constant 0 : index
    %get3A_337 = vector.load %arg8[%get3A_336] : memref<64xf32, #tpu.memory_space<vmem>>, vector<64xf32>
    %broadcast_in_dim3A_338 = vector.shape_cast %get3A_337 : vector<64xf32> to vector<1x64xf32>
    %add3A_339 = vector.broadcast %broadcast_in_dim3A_338 : vector<1x64xf32> to vector<5888x64xf32>
    %add3A_340 = arith.addf %dot_general3A_335, %add3A_339 : vector<5888x64xf32>
    %max3A_341 = arith.constant 0.000000e+00 : f32
    %max3A_342 = vector.broadcast %max3A_341 : f32 to vector<5888x64xf32>
    %max3A_343 = arith.maximumf %add3A_340, %max3A_342 : vector<5888x64xf32>
    %get3A_344 = arith.constant 0 : index
    %get3A_345 = arith.constant 0 : index
    %get3A_346 = vector.load %arg9[%get3A_344, %get3A_345] : memref<64x128xf32, #tpu.memory_space<vmem>>, vector<64x128xf32>
    %dot_general3A_347 = arith.constant dense<0.000000e+00> : vector<5888x128xf32>
    %dot_general3A_348 = tpu.matmul %max3A_343, %get3A_346, %dot_general3A_347 {dimension_numbers = #tpu.dot_dimension_numbers<[1], [0], [0], [1], [0, 0, 1, 1], [], []>, transpose_lhs_hint = false} : vector<5888x64xf32>, vector<64x128xf32>, vector<5888x128xf32> -> vector<5888x128xf32>
    %slice3A_349 = vector.extract_strided_slice %dot_general3A_348 {offsets = [0, 0], sizes = [4992, 16], strides = [1, 1]} : vector<5888x128xf32> to vector<4992x16xf32>
    %slice3A_350 = vector.extract_strided_slice %dot_general3A_348 {offsets = [128, 16], sizes = [4992, 16], strides = [1, 1]} : vector<5888x128xf32> to vector<4992x16xf32>
    %add3A_351 = arith.addf %slice3A_349, %slice3A_350 : vector<4992x16xf32>
    %slice3A_352 = vector.extract_strided_slice %dot_general3A_348 {offsets = [256, 32], sizes = [4992, 16], strides = [1, 1]} : vector<5888x128xf32> to vector<4992x16xf32>
    %add3A_353 = arith.addf %add3A_351, %slice3A_352 : vector<4992x16xf32>
    %slice3A_354 = vector.extract_strided_slice %dot_general3A_348 {offsets = [384, 48], sizes = [4992, 16], strides = [1, 1]} : vector<5888x128xf32> to vector<4992x16xf32>
    %add3A_355 = arith.addf %add3A_353, %slice3A_354 : vector<4992x16xf32>
    %slice3A_356 = vector.extract_strided_slice %dot_general3A_348 {offsets = [512, 64], sizes = [4992, 16], strides = [1, 1]} : vector<5888x128xf32> to vector<4992x16xf32>
    %add3A_357 = arith.addf %add3A_355, %slice3A_356 : vector<4992x16xf32>
    %slice3A_358 = vector.extract_strided_slice %dot_general3A_348 {offsets = [640, 80], sizes = [4992, 16], strides = [1, 1]} : vector<5888x128xf32> to vector<4992x16xf32>
    %add3A_359 = arith.addf %add3A_357, %slice3A_358 : vector<4992x16xf32>
    %slice3A_360 = vector.extract_strided_slice %dot_general3A_348 {offsets = [768, 96], sizes = [4992, 16], strides = [1, 1]} : vector<5888x128xf32> to vector<4992x16xf32>
    %add3A_361 = arith.addf %add3A_359, %slice3A_360 : vector<4992x16xf32>
    %slice3A_362 = vector.extract_strided_slice %dot_general3A_348 {offsets = [896, 112], sizes = [4992, 16], strides = [1, 1]} : vector<5888x128xf32> to vector<4992x16xf32>
    %add3A_363 = arith.addf %add3A_361, %slice3A_362 : vector<4992x16xf32>
    %get3A_364 = arith.constant 0 : index
    %get3A_365 = vector.load %arg10[%get3A_364] : memref<16xf32, #tpu.memory_space<vmem>>, vector<16xf32>
    %broadcast_in_dim3A_366 = vector.shape_cast %get3A_365 : vector<16xf32> to vector<1x16xf32>
    %add3A_367 = vector.broadcast %broadcast_in_dim3A_366 : vector<1x16xf32> to vector<4992x16xf32>
    %add3A_368 = arith.addf %add3A_363, %add3A_367 : vector<4992x16xf32>
    %max3A_369 = arith.constant 0.000000e+00 : f32
    %max3A_370 = vector.broadcast %max3A_369 : f32 to vector<4992x16xf32>
    %max3A_371 = arith.maximumf %add3A_368, %max3A_370 : vector<4992x16xf32>
    %reshape3A_372 = vector.shape_cast %max3A_371 : vector<4992x16xf32> to vector<39x128x16xf32>
    %get3A_373 = arith.constant 0 : index
    %get3A_374 = arith.constant 0 : index
    %get3A_375 = vector.load %arg11[%get3A_373, %get3A_374] : memref<16x16xf32, #tpu.memory_space<vmem>>, vector<16x16xf32>
    %get3A_376 = arith.constant 0 : index
    %get3A_377 = vector.load %arg12[%get3A_376] : memref<16xf32, #tpu.memory_space<vmem>>, vector<16xf32>
    %slice3A_378 = vector.extract_strided_slice %reshape3A_372 {offsets = [0, 0, 0], sizes = [1, 128, 16], strides = [1, 1, 1]} : vector<39x128x16xf32> to vector<1x128x16xf32>
    %squeeze3A_379 = vector.shape_cast %slice3A_378 : vector<1x128x16xf32> to vector<128x16xf32>
    %dot_general3A_380 = arith.constant dense<0.000000e+00> : vector<128x16xf32>
    %dot_general3A_381 = tpu.matmul %add3A_14, %squeeze3A_379, %dot_general3A_380 {dimension_numbers = #tpu.dot_dimension_numbers<[1], [0], [0], [1], [0, 0, 1, 1], [], []>, precision = #tpu.contract_precision<fp32>, transpose_lhs_hint = false} : vector<128x128xf32>, vector<128x16xf32>, vector<128x16xf32> -> vector<128x16xf32>
    %slice3A_382 = vector.extract_strided_slice %reshape3A_372 {offsets = [1, 0, 0], sizes = [1, 128, 16], strides = [1, 1, 1]} : vector<39x128x16xf32> to vector<1x128x16xf32>
    %squeeze3A_383 = vector.shape_cast %slice3A_382 : vector<1x128x16xf32> to vector<128x16xf32>
    %dot_general3A_384 = arith.constant dense<0.000000e+00> : vector<128x16xf32>
    %dot_general3A_385 = tpu.matmul %add3A_14, %squeeze3A_383, %dot_general3A_384 {dimension_numbers = #tpu.dot_dimension_numbers<[1], [0], [0], [1], [0, 0, 1, 1], [], []>, precision = #tpu.contract_precision<fp32>, transpose_lhs_hint = false} : vector<128x128xf32>, vector<128x16xf32>, vector<128x16xf32> -> vector<128x16xf32>
    %slice3A_386 = vector.extract_strided_slice %reshape3A_372 {offsets = [2, 0, 0], sizes = [1, 128, 16], strides = [1, 1, 1]} : vector<39x128x16xf32> to vector<1x128x16xf32>
    %squeeze3A_387 = vector.shape_cast %slice3A_386 : vector<1x128x16xf32> to vector<128x16xf32>
    %dot_general3A_388 = arith.constant dense<0.000000e+00> : vector<128x16xf32>
    %dot_general3A_389 = tpu.matmul %add3A_14, %squeeze3A_387, %dot_general3A_388 {dimension_numbers = #tpu.dot_dimension_numbers<[1], [0], [0], [1], [0, 0, 1, 1], [], []>, precision = #tpu.contract_precision<fp32>, transpose_lhs_hint = false} : vector<128x128xf32>, vector<128x16xf32>, vector<128x16xf32> -> vector<128x16xf32>
    %slice3A_390 = vector.extract_strided_slice %reshape3A_372 {offsets = [3, 0, 0], sizes = [1, 128, 16], strides = [1, 1, 1]} : vector<39x128x16xf32> to vector<1x128x16xf32>
    %squeeze3A_391 = vector.shape_cast %slice3A_390 : vector<1x128x16xf32> to vector<128x16xf32>
    %dot_general3A_392 = arith.constant dense<0.000000e+00> : vector<128x16xf32>
    %dot_general3A_393 = tpu.matmul %add3A_14, %squeeze3A_391, %dot_general3A_392 {dimension_numbers = #tpu.dot_dimension_numbers<[1], [0], [0], [1], [0, 0, 1, 1], [], []>, precision = #tpu.contract_precision<fp32>, transpose_lhs_hint = false} : vector<128x128xf32>, vector<128x16xf32>, vector<128x16xf32> -> vector<128x16xf32>
    %slice3A_394 = vector.extract_strided_slice %reshape3A_372 {offsets = [4, 0, 0], sizes = [1, 128, 16], strides = [1, 1, 1]} : vector<39x128x16xf32> to vector<1x128x16xf32>
    %squeeze3A_395 = vector.shape_cast %slice3A_394 : vector<1x128x16xf32> to vector<128x16xf32>
    %dot_general3A_396 = arith.constant dense<0.000000e+00> : vector<128x16xf32>
    %dot_general3A_397 = tpu.matmul %add3A_14, %squeeze3A_395, %dot_general3A_396 {dimension_numbers = #tpu.dot_dimension_numbers<[1], [0], [0], [1], [0, 0, 1, 1], [], []>, precision = #tpu.contract_precision<fp32>, transpose_lhs_hint = false} : vector<128x128xf32>, vector<128x16xf32>, vector<128x16xf32> -> vector<128x16xf32>
    %slice3A_398 = vector.extract_strided_slice %reshape3A_372 {offsets = [5, 0, 0], sizes = [1, 128, 16], strides = [1, 1, 1]} : vector<39x128x16xf32> to vector<1x128x16xf32>
    %squeeze3A_399 = vector.shape_cast %slice3A_398 : vector<1x128x16xf32> to vector<128x16xf32>
    %dot_general3A_400 = arith.constant dense<0.000000e+00> : vector<128x16xf32>
    %dot_general3A_401 = tpu.matmul %add3A_14, %squeeze3A_399, %dot_general3A_400 {dimension_numbers = #tpu.dot_dimension_numbers<[1], [0], [0], [1], [0, 0, 1, 1], [], []>, precision = #tpu.contract_precision<fp32>, transpose_lhs_hint = false} : vector<128x128xf32>, vector<128x16xf32>, vector<128x16xf32> -> vector<128x16xf32>
    %slice3A_402 = vector.extract_strided_slice %reshape3A_372 {offsets = [6, 0, 0], sizes = [1, 128, 16], strides = [1, 1, 1]} : vector<39x128x16xf32> to vector<1x128x16xf32>
    %squeeze3A_403 = vector.shape_cast %slice3A_402 : vector<1x128x16xf32> to vector<128x16xf32>
    %dot_general3A_404 = arith.constant dense<0.000000e+00> : vector<128x16xf32>
    %dot_general3A_405 = tpu.matmul %add3A_14, %squeeze3A_403, %dot_general3A_404 {dimension_numbers = #tpu.dot_dimension_numbers<[1], [0], [0], [1], [0, 0, 1, 1], [], []>, precision = #tpu.contract_precision<fp32>, transpose_lhs_hint = false} : vector<128x128xf32>, vector<128x16xf32>, vector<128x16xf32> -> vector<128x16xf32>
    %slice3A_406 = vector.extract_strided_slice %reshape3A_372 {offsets = [7, 0, 0], sizes = [1, 128, 16], strides = [1, 1, 1]} : vector<39x128x16xf32> to vector<1x128x16xf32>
    %squeeze3A_407 = vector.shape_cast %slice3A_406 : vector<1x128x16xf32> to vector<128x16xf32>
    %dot_general3A_408 = arith.constant dense<0.000000e+00> : vector<128x16xf32>
    %dot_general3A_409 = tpu.matmul %add3A_14, %squeeze3A_407, %dot_general3A_408 {dimension_numbers = #tpu.dot_dimension_numbers<[1], [0], [0], [1], [0, 0, 1, 1], [], []>, precision = #tpu.contract_precision<fp32>, transpose_lhs_hint = false} : vector<128x128xf32>, vector<128x16xf32>, vector<128x16xf32> -> vector<128x16xf32>
    %slice3A_410 = vector.extract_strided_slice %reshape3A_372 {offsets = [8, 0, 0], sizes = [1, 128, 16], strides = [1, 1, 1]} : vector<39x128x16xf32> to vector<1x128x16xf32>
    %squeeze3A_411 = vector.shape_cast %slice3A_410 : vector<1x128x16xf32> to vector<128x16xf32>
    %dot_general3A_412 = arith.constant dense<0.000000e+00> : vector<128x16xf32>
    %dot_general3A_413 = tpu.matmul %add3A_14, %squeeze3A_411, %dot_general3A_412 {dimension_numbers = #tpu.dot_dimension_numbers<[1], [0], [0], [1], [0, 0, 1, 1], [], []>, precision = #tpu.contract_precision<fp32>, transpose_lhs_hint = false} : vector<128x128xf32>, vector<128x16xf32>, vector<128x16xf32> -> vector<128x16xf32>
    %slice3A_414 = vector.extract_strided_slice %reshape3A_372 {offsets = [9, 0, 0], sizes = [1, 128, 16], strides = [1, 1, 1]} : vector<39x128x16xf32> to vector<1x128x16xf32>
    %squeeze3A_415 = vector.shape_cast %slice3A_414 : vector<1x128x16xf32> to vector<128x16xf32>
    %dot_general3A_416 = arith.constant dense<0.000000e+00> : vector<128x16xf32>
    %dot_general3A_417 = tpu.matmul %add3A_14, %squeeze3A_415, %dot_general3A_416 {dimension_numbers = #tpu.dot_dimension_numbers<[1], [0], [0], [1], [0, 0, 1, 1], [], []>, precision = #tpu.contract_precision<fp32>, transpose_lhs_hint = false} : vector<128x128xf32>, vector<128x16xf32>, vector<128x16xf32> -> vector<128x16xf32>
    %slice3A_418 = vector.extract_strided_slice %reshape3A_372 {offsets = [10, 0, 0], sizes = [1, 128, 16], strides = [1, 1, 1]} : vector<39x128x16xf32> to vector<1x128x16xf32>
    %squeeze3A_419 = vector.shape_cast %slice3A_418 : vector<1x128x16xf32> to vector<128x16xf32>
    %dot_general3A_420 = arith.constant dense<0.000000e+00> : vector<128x16xf32>
    %dot_general3A_421 = tpu.matmul %add3A_14, %squeeze3A_419, %dot_general3A_420 {dimension_numbers = #tpu.dot_dimension_numbers<[1], [0], [0], [1], [0, 0, 1, 1], [], []>, precision = #tpu.contract_precision<fp32>, transpose_lhs_hint = false} : vector<128x128xf32>, vector<128x16xf32>, vector<128x16xf32> -> vector<128x16xf32>
    %slice3A_422 = vector.extract_strided_slice %reshape3A_372 {offsets = [11, 0, 0], sizes = [1, 128, 16], strides = [1, 1, 1]} : vector<39x128x16xf32> to vector<1x128x16xf32>
    %squeeze3A_423 = vector.shape_cast %slice3A_422 : vector<1x128x16xf32> to vector<128x16xf32>
    %dot_general3A_424 = arith.constant dense<0.000000e+00> : vector<128x16xf32>
    %dot_general3A_425 = tpu.matmul %add3A_14, %squeeze3A_423, %dot_general3A_424 {dimension_numbers = #tpu.dot_dimension_numbers<[1], [0], [0], [1], [0, 0, 1, 1], [], []>, precision = #tpu.contract_precision<fp32>, transpose_lhs_hint = false} : vector<128x128xf32>, vector<128x16xf32>, vector<128x16xf32> -> vector<128x16xf32>
    %slice3A_426 = vector.extract_strided_slice %reshape3A_372 {offsets = [12, 0, 0], sizes = [1, 128, 16], strides = [1, 1, 1]} : vector<39x128x16xf32> to vector<1x128x16xf32>
    %squeeze3A_427 = vector.shape_cast %slice3A_426 : vector<1x128x16xf32> to vector<128x16xf32>
    %dot_general3A_428 = arith.constant dense<0.000000e+00> : vector<128x16xf32>
    %dot_general3A_429 = tpu.matmul %add3A_14, %squeeze3A_427, %dot_general3A_428 {dimension_numbers = #tpu.dot_dimension_numbers<[1], [0], [0], [1], [0, 0, 1, 1], [], []>, precision = #tpu.contract_precision<fp32>, transpose_lhs_hint = false} : vector<128x128xf32>, vector<128x16xf32>, vector<128x16xf32> -> vector<128x16xf32>
    %slice3A_430 = vector.extract_strided_slice %reshape3A_372 {offsets = [13, 0, 0], sizes = [1, 128, 16], strides = [1, 1, 1]} : vector<39x128x16xf32> to vector<1x128x16xf32>
    %squeeze3A_431 = vector.shape_cast %slice3A_430 : vector<1x128x16xf32> to vector<128x16xf32>
    %dot_general3A_432 = arith.constant dense<0.000000e+00> : vector<128x16xf32>
    %dot_general3A_433 = tpu.matmul %add3A_14, %squeeze3A_431, %dot_general3A_432 {dimension_numbers = #tpu.dot_dimension_numbers<[1], [0], [0], [1], [0, 0, 1, 1], [], []>, precision = #tpu.contract_precision<fp32>, transpose_lhs_hint = false} : vector<128x128xf32>, vector<128x16xf32>, vector<128x16xf32> -> vector<128x16xf32>
    %slice3A_434 = vector.extract_strided_slice %reshape3A_372 {offsets = [14, 0, 0], sizes = [1, 128, 16], strides = [1, 1, 1]} : vector<39x128x16xf32> to vector<1x128x16xf32>
    %squeeze3A_435 = vector.shape_cast %slice3A_434 : vector<1x128x16xf32> to vector<128x16xf32>
    %dot_general3A_436 = arith.constant dense<0.000000e+00> : vector<128x16xf32>
    %dot_general3A_437 = tpu.matmul %add3A_14, %squeeze3A_435, %dot_general3A_436 {dimension_numbers = #tpu.dot_dimension_numbers<[1], [0], [0], [1], [0, 0, 1, 1], [], []>, precision = #tpu.contract_precision<fp32>, transpose_lhs_hint = false} : vector<128x128xf32>, vector<128x16xf32>, vector<128x16xf32> -> vector<128x16xf32>
    %slice3A_438 = vector.extract_strided_slice %reshape3A_372 {offsets = [15, 0, 0], sizes = [1, 128, 16], strides = [1, 1, 1]} : vector<39x128x16xf32> to vector<1x128x16xf32>
    %squeeze3A_439 = vector.shape_cast %slice3A_438 : vector<1x128x16xf32> to vector<128x16xf32>
    %dot_general3A_440 = arith.constant dense<0.000000e+00> : vector<128x16xf32>
    %dot_general3A_441 = tpu.matmul %add3A_14, %squeeze3A_439, %dot_general3A_440 {dimension_numbers = #tpu.dot_dimension_numbers<[1], [0], [0], [1], [0, 0, 1, 1], [], []>, precision = #tpu.contract_precision<fp32>, transpose_lhs_hint = false} : vector<128x128xf32>, vector<128x16xf32>, vector<128x16xf32> -> vector<128x16xf32>
    %slice3A_442 = vector.extract_strided_slice %reshape3A_372 {offsets = [16, 0, 0], sizes = [1, 128, 16], strides = [1, 1, 1]} : vector<39x128x16xf32> to vector<1x128x16xf32>
    %squeeze3A_443 = vector.shape_cast %slice3A_442 : vector<1x128x16xf32> to vector<128x16xf32>
    %dot_general3A_444 = arith.constant dense<0.000000e+00> : vector<128x16xf32>
    %dot_general3A_445 = tpu.matmul %add3A_14, %squeeze3A_443, %dot_general3A_444 {dimension_numbers = #tpu.dot_dimension_numbers<[1], [0], [0], [1], [0, 0, 1, 1], [], []>, precision = #tpu.contract_precision<fp32>, transpose_lhs_hint = false} : vector<128x128xf32>, vector<128x16xf32>, vector<128x16xf32> -> vector<128x16xf32>
    %slice3A_446 = vector.extract_strided_slice %reshape3A_372 {offsets = [17, 0, 0], sizes = [1, 128, 16], strides = [1, 1, 1]} : vector<39x128x16xf32> to vector<1x128x16xf32>
    %squeeze3A_447 = vector.shape_cast %slice3A_446 : vector<1x128x16xf32> to vector<128x16xf32>
    %dot_general3A_448 = arith.constant dense<0.000000e+00> : vector<128x16xf32>
    %dot_general3A_449 = tpu.matmul %add3A_14, %squeeze3A_447, %dot_general3A_448 {dimension_numbers = #tpu.dot_dimension_numbers<[1], [0], [0], [1], [0, 0, 1, 1], [], []>, precision = #tpu.contract_precision<fp32>, transpose_lhs_hint = false} : vector<128x128xf32>, vector<128x16xf32>, vector<128x16xf32> -> vector<128x16xf32>
    %slice3A_450 = vector.extract_strided_slice %reshape3A_372 {offsets = [18, 0, 0], sizes = [1, 128, 16], strides = [1, 1, 1]} : vector<39x128x16xf32> to vector<1x128x16xf32>
    %squeeze3A_451 = vector.shape_cast %slice3A_450 : vector<1x128x16xf32> to vector<128x16xf32>
    %dot_general3A_452 = arith.constant dense<0.000000e+00> : vector<128x16xf32>
    %dot_general3A_453 = tpu.matmul %add3A_14, %squeeze3A_451, %dot_general3A_452 {dimension_numbers = #tpu.dot_dimension_numbers<[1], [0], [0], [1], [0, 0, 1, 1], [], []>, precision = #tpu.contract_precision<fp32>, transpose_lhs_hint = false} : vector<128x128xf32>, vector<128x16xf32>, vector<128x16xf32> -> vector<128x16xf32>
    %slice3A_454 = vector.extract_strided_slice %reshape3A_372 {offsets = [19, 0, 0], sizes = [1, 128, 16], strides = [1, 1, 1]} : vector<39x128x16xf32> to vector<1x128x16xf32>
    %squeeze3A_455 = vector.shape_cast %slice3A_454 : vector<1x128x16xf32> to vector<128x16xf32>
    %dot_general3A_456 = arith.constant dense<0.000000e+00> : vector<128x16xf32>
    %dot_general3A_457 = tpu.matmul %add3A_14, %squeeze3A_455, %dot_general3A_456 {dimension_numbers = #tpu.dot_dimension_numbers<[1], [0], [0], [1], [0, 0, 1, 1], [], []>, precision = #tpu.contract_precision<fp32>, transpose_lhs_hint = false} : vector<128x128xf32>, vector<128x16xf32>, vector<128x16xf32> -> vector<128x16xf32>
    %slice3A_458 = vector.extract_strided_slice %reshape3A_372 {offsets = [20, 0, 0], sizes = [1, 128, 16], strides = [1, 1, 1]} : vector<39x128x16xf32> to vector<1x128x16xf32>
    %squeeze3A_459 = vector.shape_cast %slice3A_458 : vector<1x128x16xf32> to vector<128x16xf32>
    %dot_general3A_460 = arith.constant dense<0.000000e+00> : vector<128x16xf32>
    %dot_general3A_461 = tpu.matmul %add3A_14, %squeeze3A_459, %dot_general3A_460 {dimension_numbers = #tpu.dot_dimension_numbers<[1], [0], [0], [1], [0, 0, 1, 1], [], []>, precision = #tpu.contract_precision<fp32>, transpose_lhs_hint = false} : vector<128x128xf32>, vector<128x16xf32>, vector<128x16xf32> -> vector<128x16xf32>
    %slice3A_462 = vector.extract_strided_slice %reshape3A_372 {offsets = [21, 0, 0], sizes = [1, 128, 16], strides = [1, 1, 1]} : vector<39x128x16xf32> to vector<1x128x16xf32>
    %squeeze3A_463 = vector.shape_cast %slice3A_462 : vector<1x128x16xf32> to vector<128x16xf32>
    %dot_general3A_464 = arith.constant dense<0.000000e+00> : vector<128x16xf32>
    %dot_general3A_465 = tpu.matmul %add3A_14, %squeeze3A_463, %dot_general3A_464 {dimension_numbers = #tpu.dot_dimension_numbers<[1], [0], [0], [1], [0, 0, 1, 1], [], []>, precision = #tpu.contract_precision<fp32>, transpose_lhs_hint = false} : vector<128x128xf32>, vector<128x16xf32>, vector<128x16xf32> -> vector<128x16xf32>
    %slice3A_466 = vector.extract_strided_slice %reshape3A_372 {offsets = [22, 0, 0], sizes = [1, 128, 16], strides = [1, 1, 1]} : vector<39x128x16xf32> to vector<1x128x16xf32>
    %squeeze3A_467 = vector.shape_cast %slice3A_466 : vector<1x128x16xf32> to vector<128x16xf32>
    %dot_general3A_468 = arith.constant dense<0.000000e+00> : vector<128x16xf32>
    %dot_general3A_469 = tpu.matmul %add3A_14, %squeeze3A_467, %dot_general3A_468 {dimension_numbers = #tpu.dot_dimension_numbers<[1], [0], [0], [1], [0, 0, 1, 1], [], []>, precision = #tpu.contract_precision<fp32>, transpose_lhs_hint = false} : vector<128x128xf32>, vector<128x16xf32>, vector<128x16xf32> -> vector<128x16xf32>
    %slice3A_470 = vector.extract_strided_slice %reshape3A_372 {offsets = [23, 0, 0], sizes = [1, 128, 16], strides = [1, 1, 1]} : vector<39x128x16xf32> to vector<1x128x16xf32>
    %squeeze3A_471 = vector.shape_cast %slice3A_470 : vector<1x128x16xf32> to vector<128x16xf32>
    %dot_general3A_472 = arith.constant dense<0.000000e+00> : vector<128x16xf32>
    %dot_general3A_473 = tpu.matmul %add3A_14, %squeeze3A_471, %dot_general3A_472 {dimension_numbers = #tpu.dot_dimension_numbers<[1], [0], [0], [1], [0, 0, 1, 1], [], []>, precision = #tpu.contract_precision<fp32>, transpose_lhs_hint = false} : vector<128x128xf32>, vector<128x16xf32>, vector<128x16xf32> -> vector<128x16xf32>
    %slice3A_474 = vector.extract_strided_slice %reshape3A_372 {offsets = [24, 0, 0], sizes = [1, 128, 16], strides = [1, 1, 1]} : vector<39x128x16xf32> to vector<1x128x16xf32>
    %squeeze3A_475 = vector.shape_cast %slice3A_474 : vector<1x128x16xf32> to vector<128x16xf32>
    %dot_general3A_476 = arith.constant dense<0.000000e+00> : vector<128x16xf32>
    %dot_general3A_477 = tpu.matmul %add3A_14, %squeeze3A_475, %dot_general3A_476 {dimension_numbers = #tpu.dot_dimension_numbers<[1], [0], [0], [1], [0, 0, 1, 1], [], []>, precision = #tpu.contract_precision<fp32>, transpose_lhs_hint = false} : vector<128x128xf32>, vector<128x16xf32>, vector<128x16xf32> -> vector<128x16xf32>
    %slice3A_478 = vector.extract_strided_slice %reshape3A_372 {offsets = [25, 0, 0], sizes = [1, 128, 16], strides = [1, 1, 1]} : vector<39x128x16xf32> to vector<1x128x16xf32>
    %squeeze3A_479 = vector.shape_cast %slice3A_478 : vector<1x128x16xf32> to vector<128x16xf32>
    %dot_general3A_480 = arith.constant dense<0.000000e+00> : vector<128x16xf32>
    %dot_general3A_481 = tpu.matmul %add3A_14, %squeeze3A_479, %dot_general3A_480 {dimension_numbers = #tpu.dot_dimension_numbers<[1], [0], [0], [1], [0, 0, 1, 1], [], []>, precision = #tpu.contract_precision<fp32>, transpose_lhs_hint = false} : vector<128x128xf32>, vector<128x16xf32>, vector<128x16xf32> -> vector<128x16xf32>
    %slice3A_482 = vector.extract_strided_slice %reshape3A_372 {offsets = [26, 0, 0], sizes = [1, 128, 16], strides = [1, 1, 1]} : vector<39x128x16xf32> to vector<1x128x16xf32>
    %squeeze3A_483 = vector.shape_cast %slice3A_482 : vector<1x128x16xf32> to vector<128x16xf32>
    %dot_general3A_484 = arith.constant dense<0.000000e+00> : vector<128x16xf32>
    %dot_general3A_485 = tpu.matmul %add3A_14, %squeeze3A_483, %dot_general3A_484 {dimension_numbers = #tpu.dot_dimension_numbers<[1], [0], [0], [1], [0, 0, 1, 1], [], []>, precision = #tpu.contract_precision<fp32>, transpose_lhs_hint = false} : vector<128x128xf32>, vector<128x16xf32>, vector<128x16xf32> -> vector<128x16xf32>
    %slice3A_486 = vector.extract_strided_slice %reshape3A_372 {offsets = [27, 0, 0], sizes = [1, 128, 16], strides = [1, 1, 1]} : vector<39x128x16xf32> to vector<1x128x16xf32>
    %squeeze3A_487 = vector.shape_cast %slice3A_486 : vector<1x128x16xf32> to vector<128x16xf32>
    %dot_general3A_488 = arith.constant dense<0.000000e+00> : vector<128x16xf32>
    %dot_general3A_489 = tpu.matmul %add3A_14, %squeeze3A_487, %dot_general3A_488 {dimension_numbers = #tpu.dot_dimension_numbers<[1], [0], [0], [1], [0, 0, 1, 1], [], []>, precision = #tpu.contract_precision<fp32>, transpose_lhs_hint = false} : vector<128x128xf32>, vector<128x16xf32>, vector<128x16xf32> -> vector<128x16xf32>
    %slice3A_490 = vector.extract_strided_slice %reshape3A_372 {offsets = [28, 0, 0], sizes = [1, 128, 16], strides = [1, 1, 1]} : vector<39x128x16xf32> to vector<1x128x16xf32>
    %squeeze3A_491 = vector.shape_cast %slice3A_490 : vector<1x128x16xf32> to vector<128x16xf32>
    %dot_general3A_492 = arith.constant dense<0.000000e+00> : vector<128x16xf32>
    %dot_general3A_493 = tpu.matmul %add3A_14, %squeeze3A_491, %dot_general3A_492 {dimension_numbers = #tpu.dot_dimension_numbers<[1], [0], [0], [1], [0, 0, 1, 1], [], []>, precision = #tpu.contract_precision<fp32>, transpose_lhs_hint = false} : vector<128x128xf32>, vector<128x16xf32>, vector<128x16xf32> -> vector<128x16xf32>
    %slice3A_494 = vector.extract_strided_slice %reshape3A_372 {offsets = [29, 0, 0], sizes = [1, 128, 16], strides = [1, 1, 1]} : vector<39x128x16xf32> to vector<1x128x16xf32>
    %squeeze3A_495 = vector.shape_cast %slice3A_494 : vector<1x128x16xf32> to vector<128x16xf32>
    %dot_general3A_496 = arith.constant dense<0.000000e+00> : vector<128x16xf32>
    %dot_general3A_497 = tpu.matmul %add3A_14, %squeeze3A_495, %dot_general3A_496 {dimension_numbers = #tpu.dot_dimension_numbers<[1], [0], [0], [1], [0, 0, 1, 1], [], []>, precision = #tpu.contract_precision<fp32>, transpose_lhs_hint = false} : vector<128x128xf32>, vector<128x16xf32>, vector<128x16xf32> -> vector<128x16xf32>
    %slice3A_498 = vector.extract_strided_slice %reshape3A_372 {offsets = [30, 0, 0], sizes = [1, 128, 16], strides = [1, 1, 1]} : vector<39x128x16xf32> to vector<1x128x16xf32>
    %squeeze3A_499 = vector.shape_cast %slice3A_498 : vector<1x128x16xf32> to vector<128x16xf32>
    %dot_general3A_500 = arith.constant dense<0.000000e+00> : vector<128x16xf32>
    %dot_general3A_501 = tpu.matmul %add3A_14, %squeeze3A_499, %dot_general3A_500 {dimension_numbers = #tpu.dot_dimension_numbers<[1], [0], [0], [1], [0, 0, 1, 1], [], []>, precision = #tpu.contract_precision<fp32>, transpose_lhs_hint = false} : vector<128x128xf32>, vector<128x16xf32>, vector<128x16xf32> -> vector<128x16xf32>
    %slice3A_502 = vector.extract_strided_slice %reshape3A_372 {offsets = [31, 0, 0], sizes = [1, 128, 16], strides = [1, 1, 1]} : vector<39x128x16xf32> to vector<1x128x16xf32>
    %squeeze3A_503 = vector.shape_cast %slice3A_502 : vector<1x128x16xf32> to vector<128x16xf32>
    %dot_general3A_504 = arith.constant dense<0.000000e+00> : vector<128x16xf32>
    %dot_general3A_505 = tpu.matmul %add3A_14, %squeeze3A_503, %dot_general3A_504 {dimension_numbers = #tpu.dot_dimension_numbers<[1], [0], [0], [1], [0, 0, 1, 1], [], []>, precision = #tpu.contract_precision<fp32>, transpose_lhs_hint = false} : vector<128x128xf32>, vector<128x16xf32>, vector<128x16xf32> -> vector<128x16xf32>
    %slice3A_506 = vector.extract_strided_slice %reshape3A_372 {offsets = [32, 0, 0], sizes = [1, 128, 16], strides = [1, 1, 1]} : vector<39x128x16xf32> to vector<1x128x16xf32>
    %squeeze3A_507 = vector.shape_cast %slice3A_506 : vector<1x128x16xf32> to vector<128x16xf32>
    %dot_general3A_508 = arith.constant dense<0.000000e+00> : vector<128x16xf32>
    %dot_general3A_509 = tpu.matmul %add3A_14, %squeeze3A_507, %dot_general3A_508 {dimension_numbers = #tpu.dot_dimension_numbers<[1], [0], [0], [1], [0, 0, 1, 1], [], []>, precision = #tpu.contract_precision<fp32>, transpose_lhs_hint = false} : vector<128x128xf32>, vector<128x16xf32>, vector<128x16xf32> -> vector<128x16xf32>
    %slice3A_510 = vector.extract_strided_slice %reshape3A_372 {offsets = [33, 0, 0], sizes = [1, 128, 16], strides = [1, 1, 1]} : vector<39x128x16xf32> to vector<1x128x16xf32>
    %squeeze3A_511 = vector.shape_cast %slice3A_510 : vector<1x128x16xf32> to vector<128x16xf32>
    %dot_general3A_512 = arith.constant dense<0.000000e+00> : vector<128x16xf32>
    %dot_general3A_513 = tpu.matmul %add3A_14, %squeeze3A_511, %dot_general3A_512 {dimension_numbers = #tpu.dot_dimension_numbers<[1], [0], [0], [1], [0, 0, 1, 1], [], []>, precision = #tpu.contract_precision<fp32>, transpose_lhs_hint = false} : vector<128x128xf32>, vector<128x16xf32>, vector<128x16xf32> -> vector<128x16xf32>
    %slice3A_514 = vector.extract_strided_slice %reshape3A_372 {offsets = [34, 0, 0], sizes = [1, 128, 16], strides = [1, 1, 1]} : vector<39x128x16xf32> to vector<1x128x16xf32>
    %squeeze3A_515 = vector.shape_cast %slice3A_514 : vector<1x128x16xf32> to vector<128x16xf32>
    %dot_general3A_516 = arith.constant dense<0.000000e+00> : vector<128x16xf32>
    %dot_general3A_517 = tpu.matmul %add3A_14, %squeeze3A_515, %dot_general3A_516 {dimension_numbers = #tpu.dot_dimension_numbers<[1], [0], [0], [1], [0, 0, 1, 1], [], []>, precision = #tpu.contract_precision<fp32>, transpose_lhs_hint = false} : vector<128x128xf32>, vector<128x16xf32>, vector<128x16xf32> -> vector<128x16xf32>
    %slice3A_518 = vector.extract_strided_slice %reshape3A_372 {offsets = [35, 0, 0], sizes = [1, 128, 16], strides = [1, 1, 1]} : vector<39x128x16xf32> to vector<1x128x16xf32>
    %squeeze3A_519 = vector.shape_cast %slice3A_518 : vector<1x128x16xf32> to vector<128x16xf32>
    %dot_general3A_520 = arith.constant dense<0.000000e+00> : vector<128x16xf32>
    %dot_general3A_521 = tpu.matmul %add3A_14, %squeeze3A_519, %dot_general3A_520 {dimension_numbers = #tpu.dot_dimension_numbers<[1], [0], [0], [1], [0, 0, 1, 1], [], []>, precision = #tpu.contract_precision<fp32>, transpose_lhs_hint = false} : vector<128x128xf32>, vector<128x16xf32>, vector<128x16xf32> -> vector<128x16xf32>
    %slice3A_522 = vector.extract_strided_slice %reshape3A_372 {offsets = [36, 0, 0], sizes = [1, 128, 16], strides = [1, 1, 1]} : vector<39x128x16xf32> to vector<1x128x16xf32>
    %squeeze3A_523 = vector.shape_cast %slice3A_522 : vector<1x128x16xf32> to vector<128x16xf32>
    %dot_general3A_524 = arith.constant dense<0.000000e+00> : vector<128x16xf32>
    %dot_general3A_525 = tpu.matmul %add3A_14, %squeeze3A_523, %dot_general3A_524 {dimension_numbers = #tpu.dot_dimension_numbers<[1], [0], [0], [1], [0, 0, 1, 1], [], []>, precision = #tpu.contract_precision<fp32>, transpose_lhs_hint = false} : vector<128x128xf32>, vector<128x16xf32>, vector<128x16xf32> -> vector<128x16xf32>
    %slice3A_526 = vector.extract_strided_slice %reshape3A_372 {offsets = [37, 0, 0], sizes = [1, 128, 16], strides = [1, 1, 1]} : vector<39x128x16xf32> to vector<1x128x16xf32>
    %squeeze3A_527 = vector.shape_cast %slice3A_526 : vector<1x128x16xf32> to vector<128x16xf32>
    %dot_general3A_528 = arith.constant dense<0.000000e+00> : vector<128x16xf32>
    %dot_general3A_529 = tpu.matmul %add3A_14, %squeeze3A_527, %dot_general3A_528 {dimension_numbers = #tpu.dot_dimension_numbers<[1], [0], [0], [1], [0, 0, 1, 1], [], []>, precision = #tpu.contract_precision<fp32>, transpose_lhs_hint = false} : vector<128x128xf32>, vector<128x16xf32>, vector<128x16xf32> -> vector<128x16xf32>
    %slice3A_530 = vector.extract_strided_slice %reshape3A_372 {offsets = [38, 0, 0], sizes = [1, 128, 16], strides = [1, 1, 1]} : vector<39x128x16xf32> to vector<1x128x16xf32>
    %squeeze3A_531 = vector.shape_cast %slice3A_530 : vector<1x128x16xf32> to vector<128x16xf32>
    %dot_general3A_532 = arith.constant dense<0.000000e+00> : vector<128x16xf32>
    %dot_general3A_533 = tpu.matmul %add3A_14, %squeeze3A_531, %dot_general3A_532 {dimension_numbers = #tpu.dot_dimension_numbers<[1], [0], [0], [1], [0, 0, 1, 1], [], []>, precision = #tpu.contract_precision<fp32>, transpose_lhs_hint = false} : vector<128x128xf32>, vector<128x16xf32>, vector<128x16xf32> -> vector<128x16xf32>
    %stack3A_534 = vector.shape_cast %dot_general3A_381 : vector<128x16xf32> to vector<1x128x16xf32>
    %stack3A_535 = vector.shape_cast %dot_general3A_385 : vector<128x16xf32> to vector<1x128x16xf32>
    %stack3A_536 = vector.shape_cast %dot_general3A_389 : vector<128x16xf32> to vector<1x128x16xf32>
    %stack3A_537 = vector.shape_cast %dot_general3A_393 : vector<128x16xf32> to vector<1x128x16xf32>
    %stack3A_538 = vector.shape_cast %dot_general3A_397 : vector<128x16xf32> to vector<1x128x16xf32>
    %stack3A_539 = vector.shape_cast %dot_general3A_401 : vector<128x16xf32> to vector<1x128x16xf32>
    %stack3A_540 = vector.shape_cast %dot_general3A_405 : vector<128x16xf32> to vector<1x128x16xf32>
    %stack3A_541 = vector.shape_cast %dot_general3A_409 : vector<128x16xf32> to vector<1x128x16xf32>
    %stack3A_542 = vector.shape_cast %dot_general3A_413 : vector<128x16xf32> to vector<1x128x16xf32>
    %stack3A_543 = vector.shape_cast %dot_general3A_417 : vector<128x16xf32> to vector<1x128x16xf32>
    %stack3A_544 = vector.shape_cast %dot_general3A_421 : vector<128x16xf32> to vector<1x128x16xf32>
    %stack3A_545 = vector.shape_cast %dot_general3A_425 : vector<128x16xf32> to vector<1x128x16xf32>
    %stack3A_546 = vector.shape_cast %dot_general3A_429 : vector<128x16xf32> to vector<1x128x16xf32>
    %stack3A_547 = vector.shape_cast %dot_general3A_433 : vector<128x16xf32> to vector<1x128x16xf32>
    %stack3A_548 = vector.shape_cast %dot_general3A_437 : vector<128x16xf32> to vector<1x128x16xf32>
    %stack3A_549 = vector.shape_cast %dot_general3A_441 : vector<128x16xf32> to vector<1x128x16xf32>
    %stack3A_550 = vector.shape_cast %dot_general3A_445 : vector<128x16xf32> to vector<1x128x16xf32>
    %stack3A_551 = vector.shape_cast %dot_general3A_449 : vector<128x16xf32> to vector<1x128x16xf32>
    %stack3A_552 = vector.shape_cast %dot_general3A_453 : vector<128x16xf32> to vector<1x128x16xf32>
    %stack3A_553 = vector.shape_cast %dot_general3A_457 : vector<128x16xf32> to vector<1x128x16xf32>
    %stack3A_554 = vector.shape_cast %dot_general3A_461 : vector<128x16xf32> to vector<1x128x16xf32>
    %stack3A_555 = vector.shape_cast %dot_general3A_465 : vector<128x16xf32> to vector<1x128x16xf32>
    %stack3A_556 = vector.shape_cast %dot_general3A_469 : vector<128x16xf32> to vector<1x128x16xf32>
    %stack3A_557 = vector.shape_cast %dot_general3A_473 : vector<128x16xf32> to vector<1x128x16xf32>
    %stack3A_558 = vector.shape_cast %dot_general3A_477 : vector<128x16xf32> to vector<1x128x16xf32>
    %stack3A_559 = vector.shape_cast %dot_general3A_481 : vector<128x16xf32> to vector<1x128x16xf32>
    %stack3A_560 = vector.shape_cast %dot_general3A_485 : vector<128x16xf32> to vector<1x128x16xf32>
    %stack3A_561 = vector.shape_cast %dot_general3A_489 : vector<128x16xf32> to vector<1x128x16xf32>
    %stack3A_562 = vector.shape_cast %dot_general3A_493 : vector<128x16xf32> to vector<1x128x16xf32>
    %stack3A_563 = vector.shape_cast %dot_general3A_497 : vector<128x16xf32> to vector<1x128x16xf32>
    %stack3A_564 = vector.shape_cast %dot_general3A_501 : vector<128x16xf32> to vector<1x128x16xf32>
    %stack3A_565 = vector.shape_cast %dot_general3A_505 : vector<128x16xf32> to vector<1x128x16xf32>
    %stack3A_566 = vector.shape_cast %dot_general3A_509 : vector<128x16xf32> to vector<1x128x16xf32>
    %stack3A_567 = vector.shape_cast %dot_general3A_513 : vector<128x16xf32> to vector<1x128x16xf32>
    %stack3A_568 = vector.shape_cast %dot_general3A_517 : vector<128x16xf32> to vector<1x128x16xf32>
    %stack3A_569 = vector.shape_cast %dot_general3A_521 : vector<128x16xf32> to vector<1x128x16xf32>
    %stack3A_570 = vector.shape_cast %dot_general3A_525 : vector<128x16xf32> to vector<1x128x16xf32>
    %stack3A_571 = vector.shape_cast %dot_general3A_529 : vector<128x16xf32> to vector<1x128x16xf32>
    %stack3A_572 = vector.shape_cast %dot_general3A_533 : vector<128x16xf32> to vector<1x128x16xf32>
    %stack3A_573 = tpu.concatenate %stack3A_534, %stack3A_535, %stack3A_536, %stack3A_537, %stack3A_538, %stack3A_539, %stack3A_540, %stack3A_541, %stack3A_542, %stack3A_543, %stack3A_544, %stack3A_545, %stack3A_546, %stack3A_547, %stack3A_548, %stack3A_549, %stack3A_550, %stack3A_551, %stack3A_552, %stack3A_553, %stack3A_554, %stack3A_555, %stack3A_556, %stack3A_557, %stack3A_558, %stack3A_559, %stack3A_560, %stack3A_561, %stack3A_562, %stack3A_563, %stack3A_564, %stack3A_565, %stack3A_566, %stack3A_567, %stack3A_568, %stack3A_569, %stack3A_570, %stack3A_571, %stack3A_572 in 0 : vector<1x128x16xf32>, vector<1x128x16xf32>, vector<1x128x16xf32>, vector<1x128x16xf32>, vector<1x128x16xf32>, vector<1x128x16xf32>, vector<1x128x16xf32>, vector<1x128x16xf32>, vector<1x128x16xf32>, vector<1x128x16xf32>, vector<1x128x16xf32>, vector<1x128x16xf32>, vector<1x128x16xf32>, vector<1x128x16xf32>, vector<1x128x16xf32>, vector<1x128x16xf32>, vector<1x128x16xf32>, vector<1x128x16xf32>, vector<1x128x16xf32>, vector<1x128x16xf32>, vector<1x128x16xf32>, vector<1x128x16xf32>, vector<1x128x16xf32>, vector<1x128x16xf32>, vector<1x128x16xf32>, vector<1x128x16xf32>, vector<1x128x16xf32>, vector<1x128x16xf32>, vector<1x128x16xf32>, vector<1x128x16xf32>, vector<1x128x16xf32>, vector<1x128x16xf32>, vector<1x128x16xf32>, vector<1x128x16xf32>, vector<1x128x16xf32>, vector<1x128x16xf32>, vector<1x128x16xf32>, vector<1x128x16xf32>, vector<1x128x16xf32> -> vector<39x128x16xf32>
    %reshape3A_574 = vector.shape_cast %stack3A_573 : vector<39x128x16xf32> to vector<4992x16xf32>
    %dot_general3A_575 = arith.constant dense<0.000000e+00> : vector<4992x16xf32>
    %dot_general3A_576 = tpu.matmul %reshape3A_574, %get3A_375, %dot_general3A_575 {dimension_numbers = #tpu.dot_dimension_numbers<[1], [0], [0], [1], [0, 0, 1, 1], [], []>, transpose_lhs_hint = false} : vector<4992x16xf32>, vector<16x16xf32>, vector<4992x16xf32> -> vector<4992x16xf32>
    %broadcast_in_dim3A_577 = vector.shape_cast %get3A_377 : vector<16xf32> to vector<1x16xf32>
    %add3A_578 = vector.broadcast %broadcast_in_dim3A_577 : vector<1x16xf32> to vector<4992x16xf32>
    %add3A_579 = arith.addf %dot_general3A_576, %add3A_578 : vector<4992x16xf32>
    %max3A_580 = arith.constant 0.000000e+00 : f32
    %max3A_581 = vector.broadcast %max3A_580 : f32 to vector<4992x16xf32>
    %max3A_582 = arith.maximumf %add3A_579, %max3A_581 : vector<4992x16xf32>
    %slice3A_583 = vector.extract_strided_slice %max3A_582 {offsets = [0, 0], sizes = [4096, 16], strides = [1, 1]} : vector<4992x16xf32> to vector<4096x16xf32>
    %slice3A_584 = vector.extract_strided_slice %max3A_582 {offsets = [128, 0], sizes = [4096, 16], strides = [1, 1]} : vector<4992x16xf32> to vector<4096x16xf32>
    %slice3A_585 = vector.extract_strided_slice %max3A_582 {offsets = [256, 0], sizes = [4096, 16], strides = [1, 1]} : vector<4992x16xf32> to vector<4096x16xf32>
    %slice3A_586 = vector.extract_strided_slice %max3A_582 {offsets = [384, 0], sizes = [4096, 16], strides = [1, 1]} : vector<4992x16xf32> to vector<4096x16xf32>
    %slice3A_587 = vector.extract_strided_slice %max3A_582 {offsets = [512, 0], sizes = [4096, 16], strides = [1, 1]} : vector<4992x16xf32> to vector<4096x16xf32>
    %slice3A_588 = vector.extract_strided_slice %max3A_582 {offsets = [640, 0], sizes = [4096, 16], strides = [1, 1]} : vector<4992x16xf32> to vector<4096x16xf32>
    %slice3A_589 = vector.extract_strided_slice %max3A_582 {offsets = [768, 0], sizes = [4096, 16], strides = [1, 1]} : vector<4992x16xf32> to vector<4096x16xf32>
    %slice3A_590 = vector.extract_strided_slice %max3A_582 {offsets = [896, 0], sizes = [4096, 16], strides = [1, 1]} : vector<4992x16xf32> to vector<4096x16xf32>
    %concatenate3A_591 = tpu.concatenate %slice3A_583, %slice3A_584, %slice3A_585, %slice3A_586, %slice3A_587, %slice3A_588, %slice3A_589, %slice3A_590 in 1 : vector<4096x16xf32>, vector<4096x16xf32>, vector<4096x16xf32>, vector<4096x16xf32>, vector<4096x16xf32>, vector<4096x16xf32>, vector<4096x16xf32>, vector<4096x16xf32> -> vector<4096x128xf32>
    %get3A_592 = arith.constant 0 : index
    %get3A_593 = arith.constant 0 : index
    %get3A_594 = vector.load %arg13[%get3A_592, %get3A_593] : memref<128x32xf32, #tpu.memory_space<vmem>>, vector<128x32xf32>
    %dot_general3A_595 = arith.constant dense<0.000000e+00> : vector<4096x32xf32>
    %dot_general3A_596 = tpu.matmul %concatenate3A_591, %get3A_594, %dot_general3A_595 {dimension_numbers = #tpu.dot_dimension_numbers<[1], [0], [0], [1], [0, 0, 1, 1], [], []>, transpose_lhs_hint = false} : vector<4096x128xf32>, vector<128x32xf32>, vector<4096x32xf32> -> vector<4096x32xf32>
    %get3A_597 = arith.constant 0 : index
    %get3A_598 = vector.load %arg14[%get3A_597] : memref<32xf32, #tpu.memory_space<vmem>>, vector<32xf32>
    %broadcast_in_dim3A_599 = vector.shape_cast %get3A_598 : vector<32xf32> to vector<1x32xf32>
    %add3A_600 = vector.broadcast %broadcast_in_dim3A_599 : vector<1x32xf32> to vector<4096x32xf32>
    %add3A_601 = arith.addf %dot_general3A_596, %add3A_600 : vector<4096x32xf32>
    %max3A_602 = arith.constant 0.000000e+00 : f32
    %max3A_603 = vector.broadcast %max3A_602 : f32 to vector<4096x32xf32>
    %max3A_604 = arith.maximumf %add3A_601, %max3A_603 : vector<4096x32xf32>
    %reshape3A_605 = vector.shape_cast %max3A_604 : vector<4096x32xf32> to vector<32x128x32xf32>
    %slice3A_606 = vector.extract_strided_slice %reshape3A_605 {offsets = [0, 0, 0], sizes = [1, 128, 32], strides = [1, 1, 1]} : vector<32x128x32xf32> to vector<1x128x32xf32>
    %squeeze3A_607 = vector.shape_cast %slice3A_606 : vector<1x128x32xf32> to vector<128x32xf32>
    %get3A_608 = arith.constant 0 : index
    %get3A_609 = arith.constant 0 : index
    %get3A_610 = arith.constant 0 : index
    %get3A_611 = vector.load %arg15[%get3A_608, %get3A_609, %get3A_610] : memref<32x32x32xf32, #tpu.memory_space<vmem>>, vector<1x32x32xf32>
    %get3A_612 = vector.shape_cast %get3A_611 : vector<1x32x32xf32> to vector<32x32xf32>
    %dot_general3A_613 = arith.constant dense<0.000000e+00> : vector<128x32xf32>
    %dot_general3A_614 = tpu.matmul %squeeze3A_607, %get3A_612, %dot_general3A_613 {dimension_numbers = #tpu.dot_dimension_numbers<[1], [0], [0], [1], [0, 0, 1, 1], [], []>, transpose_lhs_hint = false} : vector<128x32xf32>, vector<32x32xf32>, vector<128x32xf32> -> vector<128x32xf32>
    %slice3A_615 = vector.extract_strided_slice %reshape3A_605 {offsets = [1, 0, 0], sizes = [1, 128, 32], strides = [1, 1, 1]} : vector<32x128x32xf32> to vector<1x128x32xf32>
    %squeeze3A_616 = vector.shape_cast %slice3A_615 : vector<1x128x32xf32> to vector<128x32xf32>
    %get3A_617 = arith.constant 1 : index
    %get3A_618 = arith.constant 0 : index
    %get3A_619 = arith.constant 0 : index
    %get3A_620 = vector.load %arg15[%get3A_617, %get3A_618, %get3A_619] : memref<32x32x32xf32, #tpu.memory_space<vmem>>, vector<1x32x32xf32>
    %get3A_621 = vector.shape_cast %get3A_620 : vector<1x32x32xf32> to vector<32x32xf32>
    %dot_general3A_622 = arith.constant dense<0.000000e+00> : vector<128x32xf32>
    %dot_general3A_623 = tpu.matmul %squeeze3A_616, %get3A_621, %dot_general3A_622 {dimension_numbers = #tpu.dot_dimension_numbers<[1], [0], [0], [1], [0, 0, 1, 1], [], []>, transpose_lhs_hint = false} : vector<128x32xf32>, vector<32x32xf32>, vector<128x32xf32> -> vector<128x32xf32>
    %add3A_624 = arith.addf %dot_general3A_614, %dot_general3A_623 : vector<128x32xf32>
    %slice3A_625 = vector.extract_strided_slice %reshape3A_605 {offsets = [2, 0, 0], sizes = [1, 128, 32], strides = [1, 1, 1]} : vector<32x128x32xf32> to vector<1x128x32xf32>
    %squeeze3A_626 = vector.shape_cast %slice3A_625 : vector<1x128x32xf32> to vector<128x32xf32>
    %get3A_627 = arith.constant 2 : index
    %get3A_628 = arith.constant 0 : index
    %get3A_629 = arith.constant 0 : index
    %get3A_630 = vector.load %arg15[%get3A_627, %get3A_628, %get3A_629] : memref<32x32x32xf32, #tpu.memory_space<vmem>>, vector<1x32x32xf32>
    %get3A_631 = vector.shape_cast %get3A_630 : vector<1x32x32xf32> to vector<32x32xf32>
    %dot_general3A_632 = arith.constant dense<0.000000e+00> : vector<128x32xf32>
    %dot_general3A_633 = tpu.matmul %squeeze3A_626, %get3A_631, %dot_general3A_632 {dimension_numbers = #tpu.dot_dimension_numbers<[1], [0], [0], [1], [0, 0, 1, 1], [], []>, transpose_lhs_hint = false} : vector<128x32xf32>, vector<32x32xf32>, vector<128x32xf32> -> vector<128x32xf32>
    %add3A_634 = arith.addf %add3A_624, %dot_general3A_633 : vector<128x32xf32>
    %slice3A_635 = vector.extract_strided_slice %reshape3A_605 {offsets = [3, 0, 0], sizes = [1, 128, 32], strides = [1, 1, 1]} : vector<32x128x32xf32> to vector<1x128x32xf32>
    %squeeze3A_636 = vector.shape_cast %slice3A_635 : vector<1x128x32xf32> to vector<128x32xf32>
    %get3A_637 = arith.constant 3 : index
    %get3A_638 = arith.constant 0 : index
    %get3A_639 = arith.constant 0 : index
    %get3A_640 = vector.load %arg15[%get3A_637, %get3A_638, %get3A_639] : memref<32x32x32xf32, #tpu.memory_space<vmem>>, vector<1x32x32xf32>
    %get3A_641 = vector.shape_cast %get3A_640 : vector<1x32x32xf32> to vector<32x32xf32>
    %dot_general3A_642 = arith.constant dense<0.000000e+00> : vector<128x32xf32>
    %dot_general3A_643 = tpu.matmul %squeeze3A_636, %get3A_641, %dot_general3A_642 {dimension_numbers = #tpu.dot_dimension_numbers<[1], [0], [0], [1], [0, 0, 1, 1], [], []>, transpose_lhs_hint = false} : vector<128x32xf32>, vector<32x32xf32>, vector<128x32xf32> -> vector<128x32xf32>
    %add3A_644 = arith.addf %add3A_634, %dot_general3A_643 : vector<128x32xf32>
    %slice3A_645 = vector.extract_strided_slice %reshape3A_605 {offsets = [4, 0, 0], sizes = [1, 128, 32], strides = [1, 1, 1]} : vector<32x128x32xf32> to vector<1x128x32xf32>
    %squeeze3A_646 = vector.shape_cast %slice3A_645 : vector<1x128x32xf32> to vector<128x32xf32>
    %get3A_647 = arith.constant 4 : index
    %get3A_648 = arith.constant 0 : index
    %get3A_649 = arith.constant 0 : index
    %get3A_650 = vector.load %arg15[%get3A_647, %get3A_648, %get3A_649] : memref<32x32x32xf32, #tpu.memory_space<vmem>>, vector<1x32x32xf32>
    %get3A_651 = vector.shape_cast %get3A_650 : vector<1x32x32xf32> to vector<32x32xf32>
    %dot_general3A_652 = arith.constant dense<0.000000e+00> : vector<128x32xf32>
    %dot_general3A_653 = tpu.matmul %squeeze3A_646, %get3A_651, %dot_general3A_652 {dimension_numbers = #tpu.dot_dimension_numbers<[1], [0], [0], [1], [0, 0, 1, 1], [], []>, transpose_lhs_hint = false} : vector<128x32xf32>, vector<32x32xf32>, vector<128x32xf32> -> vector<128x32xf32>
    %add3A_654 = arith.addf %add3A_644, %dot_general3A_653 : vector<128x32xf32>
    %slice3A_655 = vector.extract_strided_slice %reshape3A_605 {offsets = [5, 0, 0], sizes = [1, 128, 32], strides = [1, 1, 1]} : vector<32x128x32xf32> to vector<1x128x32xf32>
    %squeeze3A_656 = vector.shape_cast %slice3A_655 : vector<1x128x32xf32> to vector<128x32xf32>
    %get3A_657 = arith.constant 5 : index
    %get3A_658 = arith.constant 0 : index
    %get3A_659 = arith.constant 0 : index
    %get3A_660 = vector.load %arg15[%get3A_657, %get3A_658, %get3A_659] : memref<32x32x32xf32, #tpu.memory_space<vmem>>, vector<1x32x32xf32>
    %get3A_661 = vector.shape_cast %get3A_660 : vector<1x32x32xf32> to vector<32x32xf32>
    %dot_general3A_662 = arith.constant dense<0.000000e+00> : vector<128x32xf32>
    %dot_general3A_663 = tpu.matmul %squeeze3A_656, %get3A_661, %dot_general3A_662 {dimension_numbers = #tpu.dot_dimension_numbers<[1], [0], [0], [1], [0, 0, 1, 1], [], []>, transpose_lhs_hint = false} : vector<128x32xf32>, vector<32x32xf32>, vector<128x32xf32> -> vector<128x32xf32>
    %add3A_664 = arith.addf %add3A_654, %dot_general3A_663 : vector<128x32xf32>
    %slice3A_665 = vector.extract_strided_slice %reshape3A_605 {offsets = [6, 0, 0], sizes = [1, 128, 32], strides = [1, 1, 1]} : vector<32x128x32xf32> to vector<1x128x32xf32>
    %squeeze3A_666 = vector.shape_cast %slice3A_665 : vector<1x128x32xf32> to vector<128x32xf32>
    %get3A_667 = arith.constant 6 : index
    %get3A_668 = arith.constant 0 : index
    %get3A_669 = arith.constant 0 : index
    %get3A_670 = vector.load %arg15[%get3A_667, %get3A_668, %get3A_669] : memref<32x32x32xf32, #tpu.memory_space<vmem>>, vector<1x32x32xf32>
    %get3A_671 = vector.shape_cast %get3A_670 : vector<1x32x32xf32> to vector<32x32xf32>
    %dot_general3A_672 = arith.constant dense<0.000000e+00> : vector<128x32xf32>
    %dot_general3A_673 = tpu.matmul %squeeze3A_666, %get3A_671, %dot_general3A_672 {dimension_numbers = #tpu.dot_dimension_numbers<[1], [0], [0], [1], [0, 0, 1, 1], [], []>, transpose_lhs_hint = false} : vector<128x32xf32>, vector<32x32xf32>, vector<128x32xf32> -> vector<128x32xf32>
    %add3A_674 = arith.addf %add3A_664, %dot_general3A_673 : vector<128x32xf32>
    %slice3A_675 = vector.extract_strided_slice %reshape3A_605 {offsets = [7, 0, 0], sizes = [1, 128, 32], strides = [1, 1, 1]} : vector<32x128x32xf32> to vector<1x128x32xf32>
    %squeeze3A_676 = vector.shape_cast %slice3A_675 : vector<1x128x32xf32> to vector<128x32xf32>
    %get3A_677 = arith.constant 7 : index
    %get3A_678 = arith.constant 0 : index
    %get3A_679 = arith.constant 0 : index
    %get3A_680 = vector.load %arg15[%get3A_677, %get3A_678, %get3A_679] : memref<32x32x32xf32, #tpu.memory_space<vmem>>, vector<1x32x32xf32>
    %get3A_681 = vector.shape_cast %get3A_680 : vector<1x32x32xf32> to vector<32x32xf32>
    %dot_general3A_682 = arith.constant dense<0.000000e+00> : vector<128x32xf32>
    %dot_general3A_683 = tpu.matmul %squeeze3A_676, %get3A_681, %dot_general3A_682 {dimension_numbers = #tpu.dot_dimension_numbers<[1], [0], [0], [1], [0, 0, 1, 1], [], []>, transpose_lhs_hint = false} : vector<128x32xf32>, vector<32x32xf32>, vector<128x32xf32> -> vector<128x32xf32>
    %add3A_684 = arith.addf %add3A_674, %dot_general3A_683 : vector<128x32xf32>
    %slice3A_685 = vector.extract_strided_slice %reshape3A_605 {offsets = [8, 0, 0], sizes = [1, 128, 32], strides = [1, 1, 1]} : vector<32x128x32xf32> to vector<1x128x32xf32>
    %squeeze3A_686 = vector.shape_cast %slice3A_685 : vector<1x128x32xf32> to vector<128x32xf32>
    %get3A_687 = arith.constant 8 : index
    %get3A_688 = arith.constant 0 : index
    %get3A_689 = arith.constant 0 : index
    %get3A_690 = vector.load %arg15[%get3A_687, %get3A_688, %get3A_689] : memref<32x32x32xf32, #tpu.memory_space<vmem>>, vector<1x32x32xf32>
    %get3A_691 = vector.shape_cast %get3A_690 : vector<1x32x32xf32> to vector<32x32xf32>
    %dot_general3A_692 = arith.constant dense<0.000000e+00> : vector<128x32xf32>
    %dot_general3A_693 = tpu.matmul %squeeze3A_686, %get3A_691, %dot_general3A_692 {dimension_numbers = #tpu.dot_dimension_numbers<[1], [0], [0], [1], [0, 0, 1, 1], [], []>, transpose_lhs_hint = false} : vector<128x32xf32>, vector<32x32xf32>, vector<128x32xf32> -> vector<128x32xf32>
    %add3A_694 = arith.addf %add3A_684, %dot_general3A_693 : vector<128x32xf32>
    %slice3A_695 = vector.extract_strided_slice %reshape3A_605 {offsets = [9, 0, 0], sizes = [1, 128, 32], strides = [1, 1, 1]} : vector<32x128x32xf32> to vector<1x128x32xf32>
    %squeeze3A_696 = vector.shape_cast %slice3A_695 : vector<1x128x32xf32> to vector<128x32xf32>
    %get3A_697 = arith.constant 9 : index
    %get3A_698 = arith.constant 0 : index
    %get3A_699 = arith.constant 0 : index
    %get3A_700 = vector.load %arg15[%get3A_697, %get3A_698, %get3A_699] : memref<32x32x32xf32, #tpu.memory_space<vmem>>, vector<1x32x32xf32>
    %get3A_701 = vector.shape_cast %get3A_700 : vector<1x32x32xf32> to vector<32x32xf32>
    %dot_general3A_702 = arith.constant dense<0.000000e+00> : vector<128x32xf32>
    %dot_general3A_703 = tpu.matmul %squeeze3A_696, %get3A_701, %dot_general3A_702 {dimension_numbers = #tpu.dot_dimension_numbers<[1], [0], [0], [1], [0, 0, 1, 1], [], []>, transpose_lhs_hint = false} : vector<128x32xf32>, vector<32x32xf32>, vector<128x32xf32> -> vector<128x32xf32>
    %add3A_704 = arith.addf %add3A_694, %dot_general3A_703 : vector<128x32xf32>
    %slice3A_705 = vector.extract_strided_slice %reshape3A_605 {offsets = [10, 0, 0], sizes = [1, 128, 32], strides = [1, 1, 1]} : vector<32x128x32xf32> to vector<1x128x32xf32>
    %squeeze3A_706 = vector.shape_cast %slice3A_705 : vector<1x128x32xf32> to vector<128x32xf32>
    %get3A_707 = arith.constant 10 : index
    %get3A_708 = arith.constant 0 : index
    %get3A_709 = arith.constant 0 : index
    %get3A_710 = vector.load %arg15[%get3A_707, %get3A_708, %get3A_709] : memref<32x32x32xf32, #tpu.memory_space<vmem>>, vector<1x32x32xf32>
    %get3A_711 = vector.shape_cast %get3A_710 : vector<1x32x32xf32> to vector<32x32xf32>
    %dot_general3A_712 = arith.constant dense<0.000000e+00> : vector<128x32xf32>
    %dot_general3A_713 = tpu.matmul %squeeze3A_706, %get3A_711, %dot_general3A_712 {dimension_numbers = #tpu.dot_dimension_numbers<[1], [0], [0], [1], [0, 0, 1, 1], [], []>, transpose_lhs_hint = false} : vector<128x32xf32>, vector<32x32xf32>, vector<128x32xf32> -> vector<128x32xf32>
    %add3A_714 = arith.addf %add3A_704, %dot_general3A_713 : vector<128x32xf32>
    %slice3A_715 = vector.extract_strided_slice %reshape3A_605 {offsets = [11, 0, 0], sizes = [1, 128, 32], strides = [1, 1, 1]} : vector<32x128x32xf32> to vector<1x128x32xf32>
    %squeeze3A_716 = vector.shape_cast %slice3A_715 : vector<1x128x32xf32> to vector<128x32xf32>
    %get3A_717 = arith.constant 11 : index
    %get3A_718 = arith.constant 0 : index
    %get3A_719 = arith.constant 0 : index
    %get3A_720 = vector.load %arg15[%get3A_717, %get3A_718, %get3A_719] : memref<32x32x32xf32, #tpu.memory_space<vmem>>, vector<1x32x32xf32>
    %get3A_721 = vector.shape_cast %get3A_720 : vector<1x32x32xf32> to vector<32x32xf32>
    %dot_general3A_722 = arith.constant dense<0.000000e+00> : vector<128x32xf32>
    %dot_general3A_723 = tpu.matmul %squeeze3A_716, %get3A_721, %dot_general3A_722 {dimension_numbers = #tpu.dot_dimension_numbers<[1], [0], [0], [1], [0, 0, 1, 1], [], []>, transpose_lhs_hint = false} : vector<128x32xf32>, vector<32x32xf32>, vector<128x32xf32> -> vector<128x32xf32>
    %add3A_724 = arith.addf %add3A_714, %dot_general3A_723 : vector<128x32xf32>
    %slice3A_725 = vector.extract_strided_slice %reshape3A_605 {offsets = [12, 0, 0], sizes = [1, 128, 32], strides = [1, 1, 1]} : vector<32x128x32xf32> to vector<1x128x32xf32>
    %squeeze3A_726 = vector.shape_cast %slice3A_725 : vector<1x128x32xf32> to vector<128x32xf32>
    %get3A_727 = arith.constant 12 : index
    %get3A_728 = arith.constant 0 : index
    %get3A_729 = arith.constant 0 : index
    %get3A_730 = vector.load %arg15[%get3A_727, %get3A_728, %get3A_729] : memref<32x32x32xf32, #tpu.memory_space<vmem>>, vector<1x32x32xf32>
    %get3A_731 = vector.shape_cast %get3A_730 : vector<1x32x32xf32> to vector<32x32xf32>
    %dot_general3A_732 = arith.constant dense<0.000000e+00> : vector<128x32xf32>
    %dot_general3A_733 = tpu.matmul %squeeze3A_726, %get3A_731, %dot_general3A_732 {dimension_numbers = #tpu.dot_dimension_numbers<[1], [0], [0], [1], [0, 0, 1, 1], [], []>, transpose_lhs_hint = false} : vector<128x32xf32>, vector<32x32xf32>, vector<128x32xf32> -> vector<128x32xf32>
    %add3A_734 = arith.addf %add3A_724, %dot_general3A_733 : vector<128x32xf32>
    %slice3A_735 = vector.extract_strided_slice %reshape3A_605 {offsets = [13, 0, 0], sizes = [1, 128, 32], strides = [1, 1, 1]} : vector<32x128x32xf32> to vector<1x128x32xf32>
    %squeeze3A_736 = vector.shape_cast %slice3A_735 : vector<1x128x32xf32> to vector<128x32xf32>
    %get3A_737 = arith.constant 13 : index
    %get3A_738 = arith.constant 0 : index
    %get3A_739 = arith.constant 0 : index
    %get3A_740 = vector.load %arg15[%get3A_737, %get3A_738, %get3A_739] : memref<32x32x32xf32, #tpu.memory_space<vmem>>, vector<1x32x32xf32>
    %get3A_741 = vector.shape_cast %get3A_740 : vector<1x32x32xf32> to vector<32x32xf32>
    %dot_general3A_742 = arith.constant dense<0.000000e+00> : vector<128x32xf32>
    %dot_general3A_743 = tpu.matmul %squeeze3A_736, %get3A_741, %dot_general3A_742 {dimension_numbers = #tpu.dot_dimension_numbers<[1], [0], [0], [1], [0, 0, 1, 1], [], []>, transpose_lhs_hint = false} : vector<128x32xf32>, vector<32x32xf32>, vector<128x32xf32> -> vector<128x32xf32>
    %add3A_744 = arith.addf %add3A_734, %dot_general3A_743 : vector<128x32xf32>
    %slice3A_745 = vector.extract_strided_slice %reshape3A_605 {offsets = [14, 0, 0], sizes = [1, 128, 32], strides = [1, 1, 1]} : vector<32x128x32xf32> to vector<1x128x32xf32>
    %squeeze3A_746 = vector.shape_cast %slice3A_745 : vector<1x128x32xf32> to vector<128x32xf32>
    %get3A_747 = arith.constant 14 : index
    %get3A_748 = arith.constant 0 : index
    %get3A_749 = arith.constant 0 : index
    %get3A_750 = vector.load %arg15[%get3A_747, %get3A_748, %get3A_749] : memref<32x32x32xf32, #tpu.memory_space<vmem>>, vector<1x32x32xf32>
    %get3A_751 = vector.shape_cast %get3A_750 : vector<1x32x32xf32> to vector<32x32xf32>
    %dot_general3A_752 = arith.constant dense<0.000000e+00> : vector<128x32xf32>
    %dot_general3A_753 = tpu.matmul %squeeze3A_746, %get3A_751, %dot_general3A_752 {dimension_numbers = #tpu.dot_dimension_numbers<[1], [0], [0], [1], [0, 0, 1, 1], [], []>, transpose_lhs_hint = false} : vector<128x32xf32>, vector<32x32xf32>, vector<128x32xf32> -> vector<128x32xf32>
    %add3A_754 = arith.addf %add3A_744, %dot_general3A_753 : vector<128x32xf32>
    %slice3A_755 = vector.extract_strided_slice %reshape3A_605 {offsets = [15, 0, 0], sizes = [1, 128, 32], strides = [1, 1, 1]} : vector<32x128x32xf32> to vector<1x128x32xf32>
    %squeeze3A_756 = vector.shape_cast %slice3A_755 : vector<1x128x32xf32> to vector<128x32xf32>
    %get3A_757 = arith.constant 15 : index
    %get3A_758 = arith.constant 0 : index
    %get3A_759 = arith.constant 0 : index
    %get3A_760 = vector.load %arg15[%get3A_757, %get3A_758, %get3A_759] : memref<32x32x32xf32, #tpu.memory_space<vmem>>, vector<1x32x32xf32>
    %get3A_761 = vector.shape_cast %get3A_760 : vector<1x32x32xf32> to vector<32x32xf32>
    %dot_general3A_762 = arith.constant dense<0.000000e+00> : vector<128x32xf32>
    %dot_general3A_763 = tpu.matmul %squeeze3A_756, %get3A_761, %dot_general3A_762 {dimension_numbers = #tpu.dot_dimension_numbers<[1], [0], [0], [1], [0, 0, 1, 1], [], []>, transpose_lhs_hint = false} : vector<128x32xf32>, vector<32x32xf32>, vector<128x32xf32> -> vector<128x32xf32>
    %add3A_764 = arith.addf %add3A_754, %dot_general3A_763 : vector<128x32xf32>
    %slice3A_765 = vector.extract_strided_slice %reshape3A_605 {offsets = [16, 0, 0], sizes = [1, 128, 32], strides = [1, 1, 1]} : vector<32x128x32xf32> to vector<1x128x32xf32>
    %squeeze3A_766 = vector.shape_cast %slice3A_765 : vector<1x128x32xf32> to vector<128x32xf32>
    %get3A_767 = arith.constant 16 : index
    %get3A_768 = arith.constant 0 : index
    %get3A_769 = arith.constant 0 : index
    %get3A_770 = vector.load %arg15[%get3A_767, %get3A_768, %get3A_769] : memref<32x32x32xf32, #tpu.memory_space<vmem>>, vector<1x32x32xf32>
    %get3A_771 = vector.shape_cast %get3A_770 : vector<1x32x32xf32> to vector<32x32xf32>
    %dot_general3A_772 = arith.constant dense<0.000000e+00> : vector<128x32xf32>
    %dot_general3A_773 = tpu.matmul %squeeze3A_766, %get3A_771, %dot_general3A_772 {dimension_numbers = #tpu.dot_dimension_numbers<[1], [0], [0], [1], [0, 0, 1, 1], [], []>, transpose_lhs_hint = false} : vector<128x32xf32>, vector<32x32xf32>, vector<128x32xf32> -> vector<128x32xf32>
    %add3A_774 = arith.addf %add3A_764, %dot_general3A_773 : vector<128x32xf32>
    %slice3A_775 = vector.extract_strided_slice %reshape3A_605 {offsets = [17, 0, 0], sizes = [1, 128, 32], strides = [1, 1, 1]} : vector<32x128x32xf32> to vector<1x128x32xf32>
    %squeeze3A_776 = vector.shape_cast %slice3A_775 : vector<1x128x32xf32> to vector<128x32xf32>
    %get3A_777 = arith.constant 17 : index
    %get3A_778 = arith.constant 0 : index
    %get3A_779 = arith.constant 0 : index
    %get3A_780 = vector.load %arg15[%get3A_777, %get3A_778, %get3A_779] : memref<32x32x32xf32, #tpu.memory_space<vmem>>, vector<1x32x32xf32>
    %get3A_781 = vector.shape_cast %get3A_780 : vector<1x32x32xf32> to vector<32x32xf32>
    %dot_general3A_782 = arith.constant dense<0.000000e+00> : vector<128x32xf32>
    %dot_general3A_783 = tpu.matmul %squeeze3A_776, %get3A_781, %dot_general3A_782 {dimension_numbers = #tpu.dot_dimension_numbers<[1], [0], [0], [1], [0, 0, 1, 1], [], []>, transpose_lhs_hint = false} : vector<128x32xf32>, vector<32x32xf32>, vector<128x32xf32> -> vector<128x32xf32>
    %add3A_784 = arith.addf %add3A_774, %dot_general3A_783 : vector<128x32xf32>
    %slice3A_785 = vector.extract_strided_slice %reshape3A_605 {offsets = [18, 0, 0], sizes = [1, 128, 32], strides = [1, 1, 1]} : vector<32x128x32xf32> to vector<1x128x32xf32>
    %squeeze3A_786 = vector.shape_cast %slice3A_785 : vector<1x128x32xf32> to vector<128x32xf32>
    %get3A_787 = arith.constant 18 : index
    %get3A_788 = arith.constant 0 : index
    %get3A_789 = arith.constant 0 : index
    %get3A_790 = vector.load %arg15[%get3A_787, %get3A_788, %get3A_789] : memref<32x32x32xf32, #tpu.memory_space<vmem>>, vector<1x32x32xf32>
    %get3A_791 = vector.shape_cast %get3A_790 : vector<1x32x32xf32> to vector<32x32xf32>
    %dot_general3A_792 = arith.constant dense<0.000000e+00> : vector<128x32xf32>
    %dot_general3A_793 = tpu.matmul %squeeze3A_786, %get3A_791, %dot_general3A_792 {dimension_numbers = #tpu.dot_dimension_numbers<[1], [0], [0], [1], [0, 0, 1, 1], [], []>, transpose_lhs_hint = false} : vector<128x32xf32>, vector<32x32xf32>, vector<128x32xf32> -> vector<128x32xf32>
    %add3A_794 = arith.addf %add3A_784, %dot_general3A_793 : vector<128x32xf32>
    %slice3A_795 = vector.extract_strided_slice %reshape3A_605 {offsets = [19, 0, 0], sizes = [1, 128, 32], strides = [1, 1, 1]} : vector<32x128x32xf32> to vector<1x128x32xf32>
    %squeeze3A_796 = vector.shape_cast %slice3A_795 : vector<1x128x32xf32> to vector<128x32xf32>
    %get3A_797 = arith.constant 19 : index
    %get3A_798 = arith.constant 0 : index
    %get3A_799 = arith.constant 0 : index
    %get3A_800 = vector.load %arg15[%get3A_797, %get3A_798, %get3A_799] : memref<32x32x32xf32, #tpu.memory_space<vmem>>, vector<1x32x32xf32>
    %get3A_801 = vector.shape_cast %get3A_800 : vector<1x32x32xf32> to vector<32x32xf32>
    %dot_general3A_802 = arith.constant dense<0.000000e+00> : vector<128x32xf32>
    %dot_general3A_803 = tpu.matmul %squeeze3A_796, %get3A_801, %dot_general3A_802 {dimension_numbers = #tpu.dot_dimension_numbers<[1], [0], [0], [1], [0, 0, 1, 1], [], []>, transpose_lhs_hint = false} : vector<128x32xf32>, vector<32x32xf32>, vector<128x32xf32> -> vector<128x32xf32>
    %add3A_804 = arith.addf %add3A_794, %dot_general3A_803 : vector<128x32xf32>
    %slice3A_805 = vector.extract_strided_slice %reshape3A_605 {offsets = [20, 0, 0], sizes = [1, 128, 32], strides = [1, 1, 1]} : vector<32x128x32xf32> to vector<1x128x32xf32>
    %squeeze3A_806 = vector.shape_cast %slice3A_805 : vector<1x128x32xf32> to vector<128x32xf32>
    %get3A_807 = arith.constant 20 : index
    %get3A_808 = arith.constant 0 : index
    %get3A_809 = arith.constant 0 : index
    %get3A_810 = vector.load %arg15[%get3A_807, %get3A_808, %get3A_809] : memref<32x32x32xf32, #tpu.memory_space<vmem>>, vector<1x32x32xf32>
    %get3A_811 = vector.shape_cast %get3A_810 : vector<1x32x32xf32> to vector<32x32xf32>
    %dot_general3A_812 = arith.constant dense<0.000000e+00> : vector<128x32xf32>
    %dot_general3A_813 = tpu.matmul %squeeze3A_806, %get3A_811, %dot_general3A_812 {dimension_numbers = #tpu.dot_dimension_numbers<[1], [0], [0], [1], [0, 0, 1, 1], [], []>, transpose_lhs_hint = false} : vector<128x32xf32>, vector<32x32xf32>, vector<128x32xf32> -> vector<128x32xf32>
    %add3A_814 = arith.addf %add3A_804, %dot_general3A_813 : vector<128x32xf32>
    %slice3A_815 = vector.extract_strided_slice %reshape3A_605 {offsets = [21, 0, 0], sizes = [1, 128, 32], strides = [1, 1, 1]} : vector<32x128x32xf32> to vector<1x128x32xf32>
    %squeeze3A_816 = vector.shape_cast %slice3A_815 : vector<1x128x32xf32> to vector<128x32xf32>
    %get3A_817 = arith.constant 21 : index
    %get3A_818 = arith.constant 0 : index
    %get3A_819 = arith.constant 0 : index
    %get3A_820 = vector.load %arg15[%get3A_817, %get3A_818, %get3A_819] : memref<32x32x32xf32, #tpu.memory_space<vmem>>, vector<1x32x32xf32>
    %get3A_821 = vector.shape_cast %get3A_820 : vector<1x32x32xf32> to vector<32x32xf32>
    %dot_general3A_822 = arith.constant dense<0.000000e+00> : vector<128x32xf32>
    %dot_general3A_823 = tpu.matmul %squeeze3A_816, %get3A_821, %dot_general3A_822 {dimension_numbers = #tpu.dot_dimension_numbers<[1], [0], [0], [1], [0, 0, 1, 1], [], []>, transpose_lhs_hint = false} : vector<128x32xf32>, vector<32x32xf32>, vector<128x32xf32> -> vector<128x32xf32>
    %add3A_824 = arith.addf %add3A_814, %dot_general3A_823 : vector<128x32xf32>
    %slice3A_825 = vector.extract_strided_slice %reshape3A_605 {offsets = [22, 0, 0], sizes = [1, 128, 32], strides = [1, 1, 1]} : vector<32x128x32xf32> to vector<1x128x32xf32>
    %squeeze3A_826 = vector.shape_cast %slice3A_825 : vector<1x128x32xf32> to vector<128x32xf32>
    %get3A_827 = arith.constant 22 : index
    %get3A_828 = arith.constant 0 : index
    %get3A_829 = arith.constant 0 : index
    %get3A_830 = vector.load %arg15[%get3A_827, %get3A_828, %get3A_829] : memref<32x32x32xf32, #tpu.memory_space<vmem>>, vector<1x32x32xf32>
    %get3A_831 = vector.shape_cast %get3A_830 : vector<1x32x32xf32> to vector<32x32xf32>
    %dot_general3A_832 = arith.constant dense<0.000000e+00> : vector<128x32xf32>
    %dot_general3A_833 = tpu.matmul %squeeze3A_826, %get3A_831, %dot_general3A_832 {dimension_numbers = #tpu.dot_dimension_numbers<[1], [0], [0], [1], [0, 0, 1, 1], [], []>, transpose_lhs_hint = false} : vector<128x32xf32>, vector<32x32xf32>, vector<128x32xf32> -> vector<128x32xf32>
    %add3A_834 = arith.addf %add3A_824, %dot_general3A_833 : vector<128x32xf32>
    %slice3A_835 = vector.extract_strided_slice %reshape3A_605 {offsets = [23, 0, 0], sizes = [1, 128, 32], strides = [1, 1, 1]} : vector<32x128x32xf32> to vector<1x128x32xf32>
    %squeeze3A_836 = vector.shape_cast %slice3A_835 : vector<1x128x32xf32> to vector<128x32xf32>
    %get3A_837 = arith.constant 23 : index
    %get3A_838 = arith.constant 0 : index
    %get3A_839 = arith.constant 0 : index
    %get3A_840 = vector.load %arg15[%get3A_837, %get3A_838, %get3A_839] : memref<32x32x32xf32, #tpu.memory_space<vmem>>, vector<1x32x32xf32>
    %get3A_841 = vector.shape_cast %get3A_840 : vector<1x32x32xf32> to vector<32x32xf32>
    %dot_general3A_842 = arith.constant dense<0.000000e+00> : vector<128x32xf32>
    %dot_general3A_843 = tpu.matmul %squeeze3A_836, %get3A_841, %dot_general3A_842 {dimension_numbers = #tpu.dot_dimension_numbers<[1], [0], [0], [1], [0, 0, 1, 1], [], []>, transpose_lhs_hint = false} : vector<128x32xf32>, vector<32x32xf32>, vector<128x32xf32> -> vector<128x32xf32>
    %add3A_844 = arith.addf %add3A_834, %dot_general3A_843 : vector<128x32xf32>
    %slice3A_845 = vector.extract_strided_slice %reshape3A_605 {offsets = [24, 0, 0], sizes = [1, 128, 32], strides = [1, 1, 1]} : vector<32x128x32xf32> to vector<1x128x32xf32>
    %squeeze3A_846 = vector.shape_cast %slice3A_845 : vector<1x128x32xf32> to vector<128x32xf32>
    %get3A_847 = arith.constant 24 : index
    %get3A_848 = arith.constant 0 : index
    %get3A_849 = arith.constant 0 : index
    %get3A_850 = vector.load %arg15[%get3A_847, %get3A_848, %get3A_849] : memref<32x32x32xf32, #tpu.memory_space<vmem>>, vector<1x32x32xf32>
    %get3A_851 = vector.shape_cast %get3A_850 : vector<1x32x32xf32> to vector<32x32xf32>
    %dot_general3A_852 = arith.constant dense<0.000000e+00> : vector<128x32xf32>
    %dot_general3A_853 = tpu.matmul %squeeze3A_846, %get3A_851, %dot_general3A_852 {dimension_numbers = #tpu.dot_dimension_numbers<[1], [0], [0], [1], [0, 0, 1, 1], [], []>, transpose_lhs_hint = false} : vector<128x32xf32>, vector<32x32xf32>, vector<128x32xf32> -> vector<128x32xf32>
    %add3A_854 = arith.addf %add3A_844, %dot_general3A_853 : vector<128x32xf32>
    %slice3A_855 = vector.extract_strided_slice %reshape3A_605 {offsets = [25, 0, 0], sizes = [1, 128, 32], strides = [1, 1, 1]} : vector<32x128x32xf32> to vector<1x128x32xf32>
    %squeeze3A_856 = vector.shape_cast %slice3A_855 : vector<1x128x32xf32> to vector<128x32xf32>
    %get3A_857 = arith.constant 25 : index
    %get3A_858 = arith.constant 0 : index
    %get3A_859 = arith.constant 0 : index
    %get3A_860 = vector.load %arg15[%get3A_857, %get3A_858, %get3A_859] : memref<32x32x32xf32, #tpu.memory_space<vmem>>, vector<1x32x32xf32>
    %get3A_861 = vector.shape_cast %get3A_860 : vector<1x32x32xf32> to vector<32x32xf32>
    %dot_general3A_862 = arith.constant dense<0.000000e+00> : vector<128x32xf32>
    %dot_general3A_863 = tpu.matmul %squeeze3A_856, %get3A_861, %dot_general3A_862 {dimension_numbers = #tpu.dot_dimension_numbers<[1], [0], [0], [1], [0, 0, 1, 1], [], []>, transpose_lhs_hint = false} : vector<128x32xf32>, vector<32x32xf32>, vector<128x32xf32> -> vector<128x32xf32>
    %add3A_864 = arith.addf %add3A_854, %dot_general3A_863 : vector<128x32xf32>
    %slice3A_865 = vector.extract_strided_slice %reshape3A_605 {offsets = [26, 0, 0], sizes = [1, 128, 32], strides = [1, 1, 1]} : vector<32x128x32xf32> to vector<1x128x32xf32>
    %squeeze3A_866 = vector.shape_cast %slice3A_865 : vector<1x128x32xf32> to vector<128x32xf32>
    %get3A_867 = arith.constant 26 : index
    %get3A_868 = arith.constant 0 : index
    %get3A_869 = arith.constant 0 : index
    %get3A_870 = vector.load %arg15[%get3A_867, %get3A_868, %get3A_869] : memref<32x32x32xf32, #tpu.memory_space<vmem>>, vector<1x32x32xf32>
    %get3A_871 = vector.shape_cast %get3A_870 : vector<1x32x32xf32> to vector<32x32xf32>
    %dot_general3A_872 = arith.constant dense<0.000000e+00> : vector<128x32xf32>
    %dot_general3A_873 = tpu.matmul %squeeze3A_866, %get3A_871, %dot_general3A_872 {dimension_numbers = #tpu.dot_dimension_numbers<[1], [0], [0], [1], [0, 0, 1, 1], [], []>, transpose_lhs_hint = false} : vector<128x32xf32>, vector<32x32xf32>, vector<128x32xf32> -> vector<128x32xf32>
    %add3A_874 = arith.addf %add3A_864, %dot_general3A_873 : vector<128x32xf32>
    %slice3A_875 = vector.extract_strided_slice %reshape3A_605 {offsets = [27, 0, 0], sizes = [1, 128, 32], strides = [1, 1, 1]} : vector<32x128x32xf32> to vector<1x128x32xf32>
    %squeeze3A_876 = vector.shape_cast %slice3A_875 : vector<1x128x32xf32> to vector<128x32xf32>
    %get3A_877 = arith.constant 27 : index
    %get3A_878 = arith.constant 0 : index
    %get3A_879 = arith.constant 0 : index
    %get3A_880 = vector.load %arg15[%get3A_877, %get3A_878, %get3A_879] : memref<32x32x32xf32, #tpu.memory_space<vmem>>, vector<1x32x32xf32>
    %get3A_881 = vector.shape_cast %get3A_880 : vector<1x32x32xf32> to vector<32x32xf32>
    %dot_general3A_882 = arith.constant dense<0.000000e+00> : vector<128x32xf32>
    %dot_general3A_883 = tpu.matmul %squeeze3A_876, %get3A_881, %dot_general3A_882 {dimension_numbers = #tpu.dot_dimension_numbers<[1], [0], [0], [1], [0, 0, 1, 1], [], []>, transpose_lhs_hint = false} : vector<128x32xf32>, vector<32x32xf32>, vector<128x32xf32> -> vector<128x32xf32>
    %add3A_884 = arith.addf %add3A_874, %dot_general3A_883 : vector<128x32xf32>
    %slice3A_885 = vector.extract_strided_slice %reshape3A_605 {offsets = [28, 0, 0], sizes = [1, 128, 32], strides = [1, 1, 1]} : vector<32x128x32xf32> to vector<1x128x32xf32>
    %squeeze3A_886 = vector.shape_cast %slice3A_885 : vector<1x128x32xf32> to vector<128x32xf32>
    %get3A_887 = arith.constant 28 : index
    %get3A_888 = arith.constant 0 : index
    %get3A_889 = arith.constant 0 : index
    %get3A_890 = vector.load %arg15[%get3A_887, %get3A_888, %get3A_889] : memref<32x32x32xf32, #tpu.memory_space<vmem>>, vector<1x32x32xf32>
    %get3A_891 = vector.shape_cast %get3A_890 : vector<1x32x32xf32> to vector<32x32xf32>
    %dot_general3A_892 = arith.constant dense<0.000000e+00> : vector<128x32xf32>
    %dot_general3A_893 = tpu.matmul %squeeze3A_886, %get3A_891, %dot_general3A_892 {dimension_numbers = #tpu.dot_dimension_numbers<[1], [0], [0], [1], [0, 0, 1, 1], [], []>, transpose_lhs_hint = false} : vector<128x32xf32>, vector<32x32xf32>, vector<128x32xf32> -> vector<128x32xf32>
    %add3A_894 = arith.addf %add3A_884, %dot_general3A_893 : vector<128x32xf32>
    %slice3A_895 = vector.extract_strided_slice %reshape3A_605 {offsets = [29, 0, 0], sizes = [1, 128, 32], strides = [1, 1, 1]} : vector<32x128x32xf32> to vector<1x128x32xf32>
    %squeeze3A_896 = vector.shape_cast %slice3A_895 : vector<1x128x32xf32> to vector<128x32xf32>
    %get3A_897 = arith.constant 29 : index
    %get3A_898 = arith.constant 0 : index
    %get3A_899 = arith.constant 0 : index
    %get3A_900 = vector.load %arg15[%get3A_897, %get3A_898, %get3A_899] : memref<32x32x32xf32, #tpu.memory_space<vmem>>, vector<1x32x32xf32>
    %get3A_901 = vector.shape_cast %get3A_900 : vector<1x32x32xf32> to vector<32x32xf32>
    %dot_general3A_902 = arith.constant dense<0.000000e+00> : vector<128x32xf32>
    %dot_general3A_903 = tpu.matmul %squeeze3A_896, %get3A_901, %dot_general3A_902 {dimension_numbers = #tpu.dot_dimension_numbers<[1], [0], [0], [1], [0, 0, 1, 1], [], []>, transpose_lhs_hint = false} : vector<128x32xf32>, vector<32x32xf32>, vector<128x32xf32> -> vector<128x32xf32>
    %add3A_904 = arith.addf %add3A_894, %dot_general3A_903 : vector<128x32xf32>
    %slice3A_905 = vector.extract_strided_slice %reshape3A_605 {offsets = [30, 0, 0], sizes = [1, 128, 32], strides = [1, 1, 1]} : vector<32x128x32xf32> to vector<1x128x32xf32>
    %squeeze3A_906 = vector.shape_cast %slice3A_905 : vector<1x128x32xf32> to vector<128x32xf32>
    %get3A_907 = arith.constant 30 : index
    %get3A_908 = arith.constant 0 : index
    %get3A_909 = arith.constant 0 : index
    %get3A_910 = vector.load %arg15[%get3A_907, %get3A_908, %get3A_909] : memref<32x32x32xf32, #tpu.memory_space<vmem>>, vector<1x32x32xf32>
    %get3A_911 = vector.shape_cast %get3A_910 : vector<1x32x32xf32> to vector<32x32xf32>
    %dot_general3A_912 = arith.constant dense<0.000000e+00> : vector<128x32xf32>
    %dot_general3A_913 = tpu.matmul %squeeze3A_906, %get3A_911, %dot_general3A_912 {dimension_numbers = #tpu.dot_dimension_numbers<[1], [0], [0], [1], [0, 0, 1, 1], [], []>, transpose_lhs_hint = false} : vector<128x32xf32>, vector<32x32xf32>, vector<128x32xf32> -> vector<128x32xf32>
    %add3A_914 = arith.addf %add3A_904, %dot_general3A_913 : vector<128x32xf32>
    %slice3A_915 = vector.extract_strided_slice %reshape3A_605 {offsets = [31, 0, 0], sizes = [1, 128, 32], strides = [1, 1, 1]} : vector<32x128x32xf32> to vector<1x128x32xf32>
    %squeeze3A_916 = vector.shape_cast %slice3A_915 : vector<1x128x32xf32> to vector<128x32xf32>
    %get3A_917 = arith.constant 31 : index
    %get3A_918 = arith.constant 0 : index
    %get3A_919 = arith.constant 0 : index
    %get3A_920 = vector.load %arg15[%get3A_917, %get3A_918, %get3A_919] : memref<32x32x32xf32, #tpu.memory_space<vmem>>, vector<1x32x32xf32>
    %get3A_921 = vector.shape_cast %get3A_920 : vector<1x32x32xf32> to vector<32x32xf32>
    %dot_general3A_922 = arith.constant dense<0.000000e+00> : vector<128x32xf32>
    %dot_general3A_923 = tpu.matmul %squeeze3A_916, %get3A_921, %dot_general3A_922 {dimension_numbers = #tpu.dot_dimension_numbers<[1], [0], [0], [1], [0, 0, 1, 1], [], []>, transpose_lhs_hint = false} : vector<128x32xf32>, vector<32x32xf32>, vector<128x32xf32> -> vector<128x32xf32>
    %add3A_924 = arith.addf %add3A_914, %dot_general3A_923 : vector<128x32xf32>
    %get3A_925 = arith.constant 0 : index
    %get3A_926 = vector.load %arg16[%get3A_925] : memref<32xf32, #tpu.memory_space<vmem>>, vector<32xf32>
    %broadcast_in_dim3A_927 = vector.shape_cast %get3A_926 : vector<32xf32> to vector<1x32xf32>
    %add3A_928 = vector.broadcast %broadcast_in_dim3A_927 : vector<1x32xf32> to vector<128x32xf32>
    %add3A_929 = arith.addf %add3A_924, %add3A_928 : vector<128x32xf32>
    %convert_element_type3A = arith.truncf %add3A_929 : vector<128x32xf32> to vector<128x32xbf16>
    %convert_element_type3A_930 = arith.extf %convert_element_type3A : vector<128x32xbf16> to vector<128x32xf32>
    %get3A_931 = arith.constant 0 : index
    %get3A_932 = arith.constant 0 : index
    %get3A_933 = vector.load %arg17[%get3A_931, %get3A_932] : memref<128x32xf32, #tpu.memory_space<vmem>>, vector<128x32xf32>
    %mul3A = arith.mulf %convert_element_type3A_930, %get3A_933 : vector<128x32xf32>
    %iota3A_934 = tpu.iota {dimensions = array<i32: 0>} : vector<4x128xi32>
    %iota3A_935 = tpu.iota {dimensions = array<i32: 1>} : vector<4x128xi32>
    %jit3A_936 = arith.constant 32 : i32
    %div3A = vector.broadcast %jit3A_936 : i32 to vector<4x128xi32>
    %div3A_937 = arith.divsi %iota3A_935, %div3A : vector<4x128xi32>
    %sign3A = arith.constant 0 : i32
    %sign3A_938 = vector.broadcast %sign3A : i32 to vector<4x128xi32>
    %sign3A_939 = arith.cmpi sgt, %iota3A_935, %sign3A_938 : vector<4x128xi32>
    %sign3A_940 = arith.extui %sign3A_939 : vector<4x128xi1> to vector<4x128xi32>
    %sign3A_941 = arith.constant 0 : i32
    %sign3A_942 = vector.broadcast %sign3A_941 : i32 to vector<4x128xi32>
    %sign3A_943 = arith.cmpi slt, %iota3A_935, %sign3A_942 : vector<4x128xi32>
    %sign3A_944 = arith.extui %sign3A_943 : vector<4x128xi1> to vector<4x128xi32>
    %sign3A_945 = arith.subi %sign3A_940, %sign3A_944 : vector<4x128xi32>
    %sign3A_946 = arith.constant 0 : i32
    %sign3A_947 = arith.cmpi sgt, %jit3A_936, %sign3A_946 : i32
    %sign3A_948 = arith.extui %sign3A_947 : i1 to i32
    %sign3A_949 = arith.constant 0 : i32
    %sign3A_950 = arith.cmpi slt, %jit3A_936, %sign3A_949 : i32
    %sign3A_951 = arith.extui %sign3A_950 : i1 to i32
    %sign3A_952 = arith.subi %sign3A_948, %sign3A_951 : i32
    %ne3A = vector.broadcast %sign3A_952 : i32 to vector<4x128xi32>
    %ne3A_953 = arith.cmpi ne, %sign3A_945, %ne3A : vector<4x128xi32>
    %rem3A = vector.broadcast %jit3A_936 : i32 to vector<4x128xi32>
    %rem3A_954 = arith.remsi %iota3A_935, %rem3A : vector<4x128xi32>
    %ne3A_955 = arith.constant 0 : i32
    %ne3A_956 = vector.broadcast %ne3A_955 : i32 to vector<4x128xi32>
    %ne3A_957 = arith.cmpi ne, %rem3A_954, %ne3A_956 : vector<4x128xi32>
    %and3A = arith.andi %ne3A_953, %ne3A_957 : vector<4x128xi1>
    %sub3A = arith.constant 1 : i32
    %sub3A_958 = vector.broadcast %sub3A : i32 to vector<4x128xi32>
    %sub3A_959 = arith.subi %div3A_937, %sub3A_958 : vector<4x128xi32>
    %select_n3A_960 = arith.select %and3A, %sub3A_959, %div3A_937 : vector<4x128xi1>, vector<4x128xi32>
    %eq3A_961 = arith.cmpi eq, %select_n3A_960, %iota3A_934 : vector<4x128xi32>
    %jit3A_962 = arith.constant 1.000000e+00 : f32
    %jit3A_963 = arith.constant 0.000000e+00 : f32
    %broadcast_in_dim3A_964 = vector.broadcast %jit3A_962 : f32 to vector<4x128xf32>
    %broadcast_in_dim3A_965 = vector.broadcast %jit3A_963 : f32 to vector<4x128xf32>
    %select_n3A_966 = arith.select %eq3A_961, %broadcast_in_dim3A_964, %broadcast_in_dim3A_965 : vector<4x128xi1>, vector<4x128xf32>
    %dot_general3A_967 = arith.constant dense<0.000000e+00> : vector<4x32xf32>
    %dot_general3A_968 = tpu.matmul %select_n3A_966, %mul3A, %dot_general3A_967 {dimension_numbers = #tpu.dot_dimension_numbers<[1], [0], [0], [1], [0, 0, 1, 1], [], []>, precision = #tpu.contract_precision<fp32>, transpose_lhs_hint = false} : vector<4x128xf32>, vector<128x32xf32>, vector<4x32xf32> -> vector<4x32xf32>
    %broadcast_in_dim3A_969 = arith.constant 1.000000e+00 : f32
    %broadcast_in_dim3A_970 = vector.broadcast %broadcast_in_dim3A_969 : f32 to vector<32x1xf32>
    %dot_general3A_971 = arith.constant dense<0.000000e+00> : vector<4x1xf32>
    %dot_general3A_972 = tpu.matmul %dot_general3A_968, %broadcast_in_dim3A_970, %dot_general3A_971 {dimension_numbers = #tpu.dot_dimension_numbers<[1], [0], [0], [1], [0, 0, 1, 1], [], []>, precision = #tpu.contract_precision<fp32>, transpose_lhs_hint = false} : vector<4x32xf32>, vector<32x1xf32>, vector<4x1xf32> -> vector<4x1xf32>
    %get3A_973 = arith.constant 0 : index
    %get3A_974 = vector.load %arg18[%get3A_973] : memref<1xf32, #tpu.memory_space<vmem>>, vector<1xf32>
    %broadcast_in_dim3A_975 = vector.shape_cast %get3A_974 : vector<1xf32> to vector<1x1xf32>
    %add3A_976 = vector.broadcast %broadcast_in_dim3A_975 : vector<1x1xf32> to vector<4x1xf32>
    %add3A_977 = arith.addf %dot_general3A_972, %add3A_976 : vector<4x1xf32>
    %max3A_978 = arith.constant 0.000000e+00 : f32
    %max3A_979 = vector.broadcast %max3A_978 : f32 to vector<4x1xf32>
    %max3A_980 = arith.maximumf %add3A_977, %max3A_979 : vector<4x1xf32>
    %reshape3A_981 = vector.shape_cast %max3A_980 : vector<4x1xf32> to vector<1x4x1xf32>
    %swap3A = arith.constant 0 : index
    %swap3A_982 = arith.constant 0 : index
    %swap3A_983 = arith.constant 0 : index
    %swap3A_984 = vector.load %arg19[%swap3A, %swap3A_982, %swap3A_983] : memref<1x4x1xf32, #tpu.memory_space<vmem>>, vector<1x4x1xf32>
    tpu.vector_store %arg19[%swap3A, %swap3A_982, %swap3A_983], %reshape3A_981 {strides = array<i32>} : memref<1x4x1xf32, #tpu.memory_space<vmem>>, vector<1x4x1xf32>,
    return
  }
  func.func @transform_0(%arg0: i32) -> (i32, i32) {
    %c0_i32 = arith.constant 0 : i32
    %c0_i32_0 = arith.constant 0 : i32
    return %arg0, %c0_i32 : i32, i32
  }
  func.func @transform_1(%arg0: i32) -> (i32, i32, i32, i32) {
    %c0_i32 = arith.constant 0 : i32
    %c0_i32_0 = arith.constant 0 : i32
    %c0_i32_1 = arith.constant 0 : i32
    %c0_i32_2 = arith.constant 0 : i32
    return %c0_i32, %arg0, %c0_i32_0, %c0_i32_1 : i32, i32, i32, i32
  }
  func.func @transform_2(%arg0: i32) -> (i32, i32) {
    %c0_i32 = arith.constant 0 : i32
    %c0_i32_0 = arith.constant 0 : i32
    %c0_i32_1 = arith.constant 0 : i32
    return %c0_i32, %c0_i32_0 : i32, i32
  }
  func.func @transform_3(%arg0: i32) -> i32 {
    %c0_i32 = arith.constant 0 : i32
    %c0_i32_0 = arith.constant 0 : i32
    return %c0_i32 : i32
  }
  func.func @transform_4(%arg0: i32) -> (i32, i32) {
    %c0_i32 = arith.constant 0 : i32
    %c0_i32_0 = arith.constant 0 : i32
    %c0_i32_1 = arith.constant 0 : i32
    return %c0_i32, %c0_i32_0 : i32, i32
  }
  func.func @transform_5(%arg0: i32) -> i32 {
    %c0_i32 = arith.constant 0 : i32
    %c0_i32_0 = arith.constant 0 : i32
    return %c0_i32 : i32
  }
  func.func @transform_6(%arg0: i32) -> (i32, i32) {
    %c0_i32 = arith.constant 0 : i32
    %c0_i32_0 = arith.constant 0 : i32
    %c0_i32_1 = arith.constant 0 : i32
    return %c0_i32, %c0_i32_0 : i32, i32
  }
  func.func @transform_7(%arg0: i32) -> i32 {
    %c0_i32 = arith.constant 0 : i32
    %c0_i32_0 = arith.constant 0 : i32
    return %c0_i32 : i32
  }
  func.func @transform_8(%arg0: i32) -> (i32, i32) {
    %c0_i32 = arith.constant 0 : i32
    %c0_i32_0 = arith.constant 0 : i32
    %c0_i32_1 = arith.constant 0 : i32
    return %c0_i32, %c0_i32_0 : i32, i32
  }
  func.func @transform_9(%arg0: i32) -> i32 {
    %c0_i32 = arith.constant 0 : i32
    %c0_i32_0 = arith.constant 0 : i32
    return %c0_i32 : i32
  }
  func.func @transform_10(%arg0: i32) -> (i32, i32) {
    %c0_i32 = arith.constant 0 : i32
    %c0_i32_0 = arith.constant 0 : i32
    %c0_i32_1 = arith.constant 0 : i32
    return %c0_i32, %c0_i32_0 : i32, i32
  }
  func.func @transform_11(%arg0: i32) -> i32 {
    %c0_i32 = arith.constant 0 : i32
    %c0_i32_0 = arith.constant 0 : i32
    return %c0_i32 : i32
  }
  func.func @transform_12(%arg0: i32) -> (i32, i32) {
    %c0_i32 = arith.constant 0 : i32
    %c0_i32_0 = arith.constant 0 : i32
    %c0_i32_1 = arith.constant 0 : i32
    return %c0_i32, %c0_i32_0 : i32, i32
  }
  func.func @transform_13(%arg0: i32) -> i32 {
    %c0_i32 = arith.constant 0 : i32
    %c0_i32_0 = arith.constant 0 : i32
    return %c0_i32 : i32
  }
  func.func @transform_14(%arg0: i32) -> (i32, i32, i32) {
    %c0_i32 = arith.constant 0 : i32
    %c0_i32_0 = arith.constant 0 : i32
    %c0_i32_1 = arith.constant 0 : i32
    %c0_i32_2 = arith.constant 0 : i32
    return %c0_i32, %c0_i32_0, %c0_i32_1 : i32, i32, i32
  }
  func.func @transform_15(%arg0: i32) -> i32 {
    %c0_i32 = arith.constant 0 : i32
    %c0_i32_0 = arith.constant 0 : i32
    return %c0_i32 : i32
  }
  func.func @transform_16(%arg0: i32) -> (i32, i32) {
    %c0_i32 = arith.constant 0 : i32
    %c0_i32_0 = arith.constant 0 : i32
    %c0_i32_1 = arith.constant 0 : i32
    return %c0_i32, %c0_i32_0 : i32, i32
  }
  func.func @transform_17(%arg0: i32) -> i32 {
    %c0_i32 = arith.constant 0 : i32
    %c0_i32_0 = arith.constant 0 : i32
    return %c0_i32 : i32
  }
  func.func @transform_18(%arg0: i32) -> (i32, i32, i32) {
    %c0_i32 = arith.constant 0 : i32
    %c0_i32_0 = arith.constant 0 : i32
    %c0_i32_1 = arith.constant 0 : i32
    return %arg0, %c0_i32, %c0_i32_0 : i32, i32, i32
  }
}

</mosaic_0001>

<sc_bundles>
// kernel: kernel.4.cloned.1.call-start
scs
__scs_entry_jumppad:
0x0: {  	(pc) =	sbr.rel $0x88, $3  }
0x1: {  	(tag) =	ssettag $0x0;
	lr =	simm.s32 $0x1  }
0x2: {  	[smem:$0x3F8E] =	sst lr;
	_ =	strace $0xD0000000  }
0x3: {  	_ = 	snop  }
0x4: {  	_ = 	snop  }
0x5: {  	_ = 	snop  }
0x6: {  	_ = 	snop  }
0x7: {  	_ = 	snop  }
__scs_overlays_trampoline_lowered:
0x8: {  	[smem:$0x3F9D] =	sst s0  }
0x9: {  	[smem:$0x3F9E] =	sst s1  }
0xa: {  	[smem:$0x3F9F] =	sst s2  }
0xb: {  	[smem:$0x3FA0] =	sst s3  }
0xc: {  	[smem:$0x3FA1] =	sst s4  }
0xd: {  	[smem:$0x3FA2] =	sst s5  }
0xe: {  	[smem:$0x3FA3] =	sst s6  }
0xf: {  	[smem:$0x3FA4] =	sst s7  }
0x10: {  	[smem:$0x3FA5] =	sst s8  }
0x11: {  	[smem:$0x3FA6] =	sst s9;
	s0 =	simm.s32 @!p0 $0x0  }
0x12: {  	s1 =	sld [smem:$0x3F8C];
	s0 =	simm.s32 @p0 $0x1  }
0x13: {  	[smem:$0x3FA7] =	sst s0;
	s0 =	simm.s32 @!p1 $0x0  }
0x14: {  	s2 =	sld [smem:$0x3F8B];
	s0 =	simm.s32 @p1 $0x1  }
0x15: {  	[smem:$0x3FA8] =	sst s0;
	s0 =	simm.s32 @!p2 $0x0  }
0x16: {  	s3 =	sld [smem:$0x3FDB];
	s0 =	simm.s32 @p2 $0x1  }
0x17: {  	s4 =	simm.s32 $0x1BF5;
	[smem:$0x3FAA] =	sst s0  }
0x18: {  	s0 =	sld [smem:$0x3F8D];
	_ =	swait.ge [sflag:s4], $0x0  }
0x19: {  	s7 =	sld [smem:$0x3F8E]  }
0x1a: {  	s8 =	sadd.s32 $0xFFFFE003, lr  }
0x1b: {  	s9 =	sadd.s32 $0xFFFFFEF7, lr;
	s5 =	simm.s32 $0xFFFFFFFF;
	p2 =	slt.u32 s8, $0xFFFFF086  }
0x1c: {  	p1 =	slt.u32 s9, $0xF7A;
	s5 =	simm.s32 @!p2 $0x0  }
0x1d: {  	s5 =	simm.s32 @p1 $0x1;
	p0 =	seq.s32 s7, s2  }
0x1e: {  	s7 =	smul.u32 @!p0 $0xF7A, s2;
	p2 =	seq.s32 @!p0 s5, $0x0  }
0x1f: {  	s9 =	smul.u32 $0xF7A, s1;
	s8 =	simm.s32 @!p0 $0x1BF5;
	p2 =	por !p2, p0  }
0x20: {  	[sflag:s8] =	ssyncset.s32 @!p0 $0xFFFFF086;
	s6 =	sadd.s32 @!p0 s3, s7;
	s7 =	simm.s32 @!p0 $0x108  }
0x21: {  	s3 =	sadd.s32 s3, s9;
	s6 =	sadd.s32 @!p0 $0x88, s6;
	s7 =	simm.s32 @p2 $0x1082  }
0x22: {  	[simem:s7], [sflag:s8] =	dma.local @!p0 [hbm:s6], $0xF7A  }
0x23: {  	s9 =	sor.u32 $0xD0000000, s2;
	s6 =	simm.s32 $0x108;
	_ =	swait.ge @!p0 [sflag:s8], $0x0  }
0x24: {  	s3 =	sadd.s32 $0x88, s3;
	s6 =	simm.s32 @!p1 $0x1082;
	[sflag:s4] =	ssyncset.s32 $0xFFFFF086  }
0x25: {  	[simem:s6], [sflag:s4] =	dma.local [hbm:s3], $0xF7A  }
0x26: {  	[smem:$0x3F8E] =	sst s1;
	(tag) =	ssettag s2;
	_ =	strace s9  }
0x27: {  	s1 =	sld [smem:$0x3F9E]  }
0x28: {  	s2 =	sld [smem:$0x3F9F]  }
0x29: {  	s4 =	sld [smem:$0x3FA1]  }
0x2a: {  	p0 =	seq.s32 s5, $0x0;
	s5 =	sld [smem:$0x3FA2]  }
0x2b: {  	s6 =	sld [smem:$0x3FA3]  }
0x2c: {  	s7 =	sld [smem:$0x3FA4]  }
0x2d: {  	s3 =	simm.s32 $0x108;
	s8 =	sld [smem:$0x3FA5]  }
0x2e: {  	s3 =	simm.s32 @!p0 $0x1082;
	s9 =	sld [smem:$0x3FA6]  }
0x2f: {  	lr =	sadd.s32 s0, s3;
	s0 =	sld [smem:$0x3F9D]  }
0x30: {  	s3 =	sld [smem:$0x3FA0]  }
0x31: {  	[smem:$0x3FA9] =	sst s10  }
0x32: {  	s10 =	sld [smem:$0x3FA7];
	_ =	sdelay $0x3  }
0x33: {  	p0 =	seq.s32 s10, $0x1;
	s10 =	sld [smem:$0x3FA9];
	_ =	sdelay $0x3  }
0x34: {  	[smem:$0x3FA9] =	sst s10  }
0x35: {  	s10 =	sld [smem:$0x3FA8];
	_ =	sdelay $0x3  }
0x36: {  	p1 =	seq.s32 s10, $0x1;
	s10 =	sld [smem:$0x3FA9];
	_ =	sdelay $0x3  }
0x37: {  	[smem:$0x3FA9] =	sst s10  }
0x38: {  	s10 =	sld [smem:$0x3FAA]  }
0x39: {  	_ = 	snop;
	(pc) =	sbr.ind lr, $3  }
0x3a: {  	_ = 	snop  }
0x3b: {  	_ = 	snop  }
0x3c: {  	p2 =	seq.s32 s10, $0x1;
	s10 =	sld [smem:$0x3FA9]  }
0x3d: {  	_ =	shalt  }
0x3e: {  	_ =	shalt  }
0x3f: {  	_ =	shalt  }
0x40: {  	_ =	shalt  }
0x41: {  	_ =	shalt  }
0x42: {  	_ =	shalt  }
0x43: {  	_ =	shalt  }
0x44: {  	_ =	shalt  }
0x45: {  	_ =	shalt  }
0x46: {  	_ =	shalt  }
0x47: {  	_ =	shalt  }
0x48: {  	_ =	shalt  }
0x49: {  	_ =	shalt  }
0x4a: {  	_ =	shalt  }
0x4b: {  	_ =	shalt  }
0x4c: {  	_ =	shalt  }
0x4d: {  	_ =	shalt  }
0x4e: {  	_ =	shalt  }
0x4f: {  	_ =	shalt  }
0x50: {  	_ =	shalt  }
0x51: {  	_ =	shalt  }
0x52: {  	_ =	shalt  }
0x53: {  	_ =	shalt  }
0x54: {  	_ =	shalt  }
0x55: {  	_ =	shalt  }
0x56: {  	_ =	shalt  }
0x57: {  	_ =	shalt  }
0x58: {  	_ =	shalt  }
0x59: {  	_ =	shalt  }
0x5a: {  	_ =	shalt  }
0x5b: {  	_ =	shalt  }
0x5c: {  	_ =	shalt  }
0x5d: {  	_ =	shalt  }
0x5e: {  	_ =	shalt  }
0x5f: {  	_ =	shalt  }
0x60: {  	_ =	shalt  }
0x61: {  	_ =	shalt  }
0x62: {  	_ =	shalt  }
0x63: {  	_ =	shalt  }
0x64: {  	_ =	shalt  }
0x65: {  	_ =	shalt  }
0x66: {  	_ =	shalt  }
0x67: {  	_ =	shalt  }
0x68: {  	_ =	shalt  }
0x69: {  	_ =	shalt  }
0x6a: {  	_ =	shalt  }
0x6b: {  	_ =	shalt  }
0x6c: {  	_ =	shalt  }
0x6d: {  	_ =	shalt  }
0x6e: {  	_ =	shalt  }
0x6f: {  	_ =	shalt  }
0x70: {  	_ =	shalt  }
0x71: {  	_ =	shalt  }
0x72: {  	_ =	shalt  }
0x73: {  	_ =	shalt  }
0x74: {  	_ =	shalt  }
0x75: {  	_ =	shalt  }
0x76: {  	_ =	shalt  }
0x77: {  	_ =	shalt  }
0x78: {  	_ =	shalt  }
0x79: {  	_ =	shalt  }
0x7a: {  	_ =	shalt  }
0x7b: {  	_ =	shalt  }
0x7c: {  	_ =	shalt  }
0x7d: {  	_ =	shalt  }
0x7e: {  	_ =	shalt  }
0x7f: {  	_ =	shalt  }
0x80: {  	_ =	shalt  }
0x81: {  	_ =	shalt  }
0x82: {  	_ =	shalt  }
0x83: {  	_ =	shalt  }
0x84: {  	_ =	shalt  }
0x85: {  	_ =	shalt  }
0x86: {  	_ =	shalt  }
0x87: {  	_ =	shalt  }
.Lfunc_end0:
.L_simem_size_0:
called_computation_lowered:
.L_overlay_start_0:
0x88: {  	s2 =	sld [smem:$0x3FD9]  }
0x89: {  	s3 =	sld [smem:$0x3FFE];
	_ =	sdelay $0x1  }
0x8a: {  	s1 =	srdreg.scid  }
0x8b: {  	s0 =	sand.u32 $0x1, s1  }
0x8c: {  	s17 =	sshll.u32 s0, $0xA;
	s2 =	sadd.s32 s3, s2  }
0x8d: {  	s2 =	sadd.s32 s2, s17  }
0x8e: {  	[smem:$0x3FB5] =	sst s2  }
0x8f: {  	_ = 	snop  }
0x90: {  	s2 =	sld [smem:$0x3FC7];
	(tm) =	ssettm $0x1  }
0x91: {  	s18 =	sld [smem:$0x3FFB];
	_ =	sdelay $0x3  }
0x92: {  	_ =	strace s18  }
0x93: {  	s3 =	sld [smem:$0x3FFC];
	_ =	sdelay $0x3  }
0x94: {  	_ =	strace s3  }
0x95: {  	s3 =	sld [smem:$0x3FFD];
	_ =	sdelay $0x3  }
0x96: {  	_ =	strace s3  }
0x97: {  	_ =	strace $0x8FFFFFFF  }
0x98: {  	s19 =	sld [smem:$0x3FDB];
	_ =	sdelay $0x1  }
0x99: {  	s4 =	simm.s32 $_scs_section_size  }
0x9a: {  	s5 =	simm.s32 $_size__tile_overlayer_lowered;
	s6 =	simm.s32 $_tile_overlayer_lowered  }
0x9b: {  	s22 =	simm.s32 $0x1BFF;
	s21 =	sshll.u32 s6, $0x1;
	s3 =	sadd.s32 s4, s19  }
0x9c: {  	s7 =	simm.s32 $0x0;
	s20 =	sshll.u32 s5, $0x1;
	s5 =	sadd.s32 s21, s3  }
0x9d: {  	[timem:s7], [sflag:s22] =	dma.local [hbm:s5], s20  }
0x9e: {  	_ =	swait.ge [sflag:s22], s20  }
0x9f: {  	s4 =	ssub.s32 $0x0, s20;
	[sflag:s22] =	ssyncset.done $0x0  }
0xa0: {  	[sflag:s22] =	ssyncadd.s32 s4;
	_ =	sdelay $0x1  }
0xa1: {  	s23 =	simm.s32 $0x1B8B  }
0xa2: {  	_ =	swait.ge [sflag:s23], $0x1  }
0xa3: {  	[sflag:s23] =	ssyncset.done $0x0  }
0xa4: {  	s25 =	simm.s32 $0x1B8E;
	s24 =	sld [smem:$0x3FFE];
	[sflag:s23] =	ssyncadd.s32 $0xFFFFFFFF  }
0xa5: {  	s26 =	simm.s32 $execute0_lowered;
	[smem:$0x3FD2] =	sst s25  }
0xa6: {  	s5 =	sshll.u32 s26, $0x1;
	_ =	strace $0x80000046;
	[dreg:$0x1] =	wrdreg $0xFFFFFFFF  }
0xa7: {  	s28 =	simm.s32 $_size_execute0_lowered;
	s3 =	sadd.s32 s3, s5;
	[dreg:$0x0] =	wrdreg $0x0  }
0xa8: {  	s5 =	sshll.u32 s28, $0x1;
	[dreg:$0x2] =	wrdreg s3  }
0xa9: {  	[dreg:$0x3] =	wrdreg s5  }
0xaa: {  	[dreg:$0x4] =	wrdreg $0xC0  }
0xab: {  	_ =	task [dreg:s7], $0x5FFFF  }
0xac: {  	[dreg:$0x1] =	wrdreg $0xFFFFFFFF  }
0xad: {  	[dreg:$0x0] =	wrdreg $0x60  }
0xae: {  	[dreg:$0x2] =	wrdreg s24  }
0xaf: {  	[dreg:$0x3] =	wrdreg s2  }
0xb0: {  	[dreg:$0x4] =	wrdreg $0x20000  }
0xb1: {  	[dreg:$0x5] =	wrdreg $0x9  }
0xb2: {  	_ =	task.clear_ibuf [dreg:s7], $0x6FFFF;
	_ =	strace $0x90000046  }
0xb3: {  	s29 =	simm.s32 $0x9;
	_ =	strace $0x80000048  }
0xb4: {  	_ =	swait.ge [sflag:s29], $0x1  }
0xb5: {  	[sflag:s29] =	ssyncadd.s32 $0xFFFFFFFF  }
0xb6: {  	_ =	strace $0x90000048  }
0xb7: {  	_ =	sfence  }
0xb8: {  	s30 =	sld [smem:$0x0];
	_ =	sdelay $0x2  }
0xb9: {  	s31 =	sshll.u32 s1, $0xD;
	s1 =	sshrl.u32 s1, $0x2  }
0xba: {  	s3 =	sand.u32 $0x4000, s31;
	s1 =	sadd.s32 s1, s30  }
0xbb: {  	s0 =	sor.u32 s3, s0;
	s1 =	sshll.u32 s1, $0x11  }
0xbc: {  	s0 =	sor.u32 s1, s0  }
0xbd: {  	s0 =	sadd.s32 $0x8F2B, s0  }
0xbe: {  	[sflag:s0] =	ssyncadd.remote.s32 $0x1  }
0xbf: {  	_ =	sfence.sel $0xFFFF  }
0xc0: {  	[dreg:$0x0] =	wrdreg $0xFFFFFFFF;
	(pc) =	sbr.abs _section_cstart, $3  }
0xc1: {  	[dreg:$0x1] =	wrdreg $0xFFFFFFFF  }
0xc2: {  	_ =	task.clear_ibuf [dreg:s7], $0x2FFFF;
	_ =	strace $0x9FFFFFFF  }
0xc3: {  	(tm) =	ssettm $0x7FFFFFFF  }
tec
execute0_lowered:
.L_overlay_start_1:
0x0: {  	(tag) =	ssettag $0x1  }
0x1: {  	s0 =	rddreg [dreg:$0x0]  }
0x2: {  	s4 =	rddreg [dreg:$0x1]  }
0x3: {  	s1 =	rddreg [dreg:$0x2];
	s3 =	simm.s32 $0x0;
	s5 =	srdreg.scid  }
0x4: {  	s2 =	stileid.u32;
	s11 =	simm.s32 $0x800;
	s13 =	simm.s32 $0x1800  }
0x5: {  	s14 =	simm.s32 $0x1880;
	s15 =	simm.s32 $0x1080;
	s17 =	simm.s32 $0x1900  }
0x6: {  	s19 =	simm.s32 $0x1100;
	s21 =	simm.s32 $0x1980;
	s22 =	simm.s32 $0x1180  }
0x7: {  	s28 =	simm.s32 $0x1700;
	s29 =	simm.s32 $0x1F80;
	[smem:$0x7FF] =	sst s3  }
0x8: {  	s30 =	simm.s32 $0x1780;
	_ =	strace $0x80000047;
	[dreg:$0x9] =	wrdreg s11  }
0x9: {  	s31 =	simm.s32 $0x20;
	s5 =	sand.u32 $0x1, s5;
	[dreg:$0xa] =	wrdreg s13  }
0xa: {  	s7 =	sshll.u32 s2, $0x8;
	s8 =	sshll.u32 s2, $0xC;
	[dreg:$0xb] =	wrdreg s14  }
0xb: {  	s26 =	sshll.u32 s2, $0xD;
	s16 =	sshll.u32 s2, $0xF;
	[dreg:$0xc] =	wrdreg s15  }
0xc: {  	s20 =	sshll.u32 s2, $0x6;
	s6 =	sshll.u32 s5, $0xC;
	[dreg:$0xd] =	wrdreg s17  }
0xd: {  	s23 =	sadd.s32 s8, s0;
	s9 =	sshll.u32 s5, $0x4;
	[dreg:$0xe] =	wrdreg s19  }
0xe: {  	s12 =	ssub.s32 $0x2, s5;
	s18 =	sadd.s32 s16, s1;
	[dreg:$0xf] =	wrdreg s21  }
0xf: {  	[dreg:$0x10] =	wrdreg s22;
	s8 =	simm.s32 $0x1000;
	s11 =	simm.s32 $0x1300  }
0x10: {  	s13 =	simm.s32 $0x1380;
	s14 =	simm.s32 $0x1C00;
	s15 =	simm.s32 $0x1400  }
0x11: {  	s16 =	simm.s32 $0x1C80;
	s17 =	simm.s32 $0x1480;
	s19 =	simm.s32 $0x1500  }
0x12: {  	s21 =	simm.s32 $0x1580;
	s22 =	simm.s32 $0x1E00;
	s6 =	sor.u32 s7, s6  }
0x13: {  	s7 =	sadd.s32 $0x5A00, s23;
	s5 =	sshrl.u32 s12, $0x1;
	s23 =	simm.s32 $0x1A00  }
0x14: {  	s24 =	sadd.s32 s6, s0;
	s0 =	sadd.s32 s9, s0;
	[dreg:$0x4] =	wrdreg s7  }
0x15: {  	s4 =	sadd.s32 s4, s6;
	s5 =	ssub.s32 s12, s5;
	s6 =	sshrl.u32 s18, $0x3  }
0x16: {  	[dreg:$0x11] =	wrdreg s23;
	s7 =	simm.s32 $0x1;
	s9 =	simm.s32 $0x80  }
0x17: {  	s12 =	simm.s32 $0x1B80;
	s18 =	simm.s32 $0x1D00;
	s23 =	simm.s32 $0x1600  }
0x18: {  	s25 =	sadd.s32 $0x3A00, s24;
	s10 =	sadd.s32 $0x1A00, s24;
	[dreg:$0x7] =	wrdreg s4  }
0x19: {  	s0 =	sadd.s32 s26, s0;
	s4 =	sor.u32 $0x1C01, s20;
	[dreg:$0x5] =	wrdreg s25  }
0x1a: {  	s5 =	smax.u32 s5, $0x1;
	s24 =	simm.s32 $0x1200;
	[dreg:$0x6] =	wrdreg s10  }
0x1b: {  	s26 =	simm.s32 $0x1280;
	s20 =	simm.s32 $0x1D80;
	[dreg:$0x12] =	wrdreg s24  }
0x1c: {  	s0 =	sadd.s32 $0x15A00, s0;
	s25 =	simm.s32 $0x1A80;
	[dreg:$0x14] =	wrdreg s26  }
0x1d: {  	s24 =	simm.s32 $0x1E80;
	s26 =	simm.s32 $0x1F00;
	[dreg:$0x8] =	wrdreg s0  }
0x1e: {  	[dreg:$0x13] =	wrdreg s25;
	s25 =	simm.s32 $0x1680;
	s0 =	simm.s32 $0x10  }
.LBB2_1:
0x1f: {  	s2 =	rddreg [dreg:$0x4]  }
0x20: {  	[spmem:s6], [sflag:s4] =	dma.local [hbm:s2], $0x1000  }
0x21: {  	_ =	swait.ge [sflag:s7], $0x1000  }
0x22: {  	[sflag:s7] =	ssyncset.done $0x0  }
0x23: {  	[sflag:s7] =	ssyncadd.s32 $0xFFFFF000  }
0x24: {  	[bflag:$0x0] =	sbarrier.arrive $0xFFFF  }
0x25: {  	s10 =	rddreg [dreg:$0x5]  }
0x26: {  	[tilespmem:s3], [sflag:$0x1] =	stream.linear.gather [hbm4b:s10+s3], $0x800, $0x38;
	[tilespmem:$0xA000] =	vst v63  }
0x27: {  	_ =	swait.ge [sflag:s7], $0x800  }
0x28: {  	s2 =	rddreg [dreg:$0x6];
	[sflag:s7] =	ssyncset.done $0x0  }
0x29: {  	s10 =	rddreg [dreg:$0x9];
	[sflag:s7] =	ssyncadd.s32 $0xFFFFF800  }
0x2a: {  	[tilespmem:s10], [sflag:$0x1] =	stream.linear.gather [hbm4b:s2+s3], $0x800, $0x38;
	[tilespmem:$0xA000] =	vst v63  }
0x2b: {  	_ =	swait.ge [sflag:s7], $0x800  }
0x2c: {  	[sflag:s7] =	ssyncset.done $0x0  }
0x2d: {  	s10 =	rddreg [dreg:$0x7];
	[sflag:s7] =	ssyncadd.s32 $0xFFFFF800  }
0x2e: {  	[tilespmem:s8], [sflag:$0x1] =	stream.linear.gather [hbm4b:s10+s3], $0x800, $0x38;
	[tilespmem:$0xA000] =	vst v63  }
0x2f: {  	_ =	swait.ge [sflag:s7], $0x800  }
0x30: {  	[sflag:s7] =	ssyncset.done $0x0  }
0x31: {  	[sflag:s7] =	ssyncadd.s32 $0xFFFFF800  }
0x32: {  	v63 =	vld [tilespmem:$0x200];
	_ =	sdelay $0x4  }
0x33: {  	[tilespmem:$0x1FAB0] =	vst v63;
	v63 =	vld [tilespmem:$0xA00];
	_ =	sdelay $0x4  }
0x34: {  	[tilespmem:$0x1FAA0] =	vst v63;
	v63 =	vld [tilespmem:$0x210];
	_ =	sdelay $0x4  }
0x35: {  	[tilespmem:$0x1FAD0] =	vst v63;
	v63 =	vld [tilespmem:$0xA10];
	_ =	sdelay $0x4  }
0x36: {  	[tilespmem:$0x1FAC0] =	vst v63;
	v63 =	vld [tilespmem:$0x220];
	_ =	sdelay $0x4  }
0x37: {  	[tilespmem:$0x1FAF0] =	vst v63;
	v63 =	vld [tilespmem:$0xA20];
	_ =	sdelay $0x4  }
0x38: {  	[tilespmem:$0x1FAE0] =	vst v63;
	v63 =	vld [tilespmem:$0x230];
	_ =	sdelay $0x4  }
0x39: {  	[tilespmem:$0x1FB10] =	vst v63;
	v63 =	vld [tilespmem:$0xA30];
	_ =	sdelay $0x4  }
0x3a: {  	[tilespmem:$0x1FB00] =	vst v63;
	v63 =	vld [tilespmem:$0x240];
	_ =	sdelay $0x4  }
0x3b: {  	[tilespmem:$0x1FB30] =	vst v63;
	v63 =	vld [tilespmem:$0xA40];
	_ =	sdelay $0x4  }
0x3c: {  	[tilespmem:$0x1FB20] =	vst v63;
	v63 =	vld [tilespmem:$0x250];
	_ =	sdelay $0x4  }
0x3d: {  	[tilespmem:$0x1FB50] =	vst v63;
	v63 =	vld [tilespmem:$0xA50];
	_ =	sdelay $0x4  }
0x3e: {  	[tilespmem:$0x1FB40] =	vst v63;
	v63 =	vld [tilespmem:$0x260];
	_ =	sdelay $0x1  }
0x3f: {  	v2 =	vld [tilespmem:$0x0]  }
0x40: {  	v0 =	vld [tilespmem:$0x800]  }
0x41: {  	v3 =	vld [tilespmem:$0x10]  }
0x42: {  	[tilespmem:$0x1FB70] =	vst v63;
	v63 =	vld [tilespmem:$0xA60]  }
0x43: {  	v1 =	vld [tilespmem:$0x810]  }
0x44: {  	v5 =	vld [tilespmem:$0x20]  }
0x45: {  	v4 =	vld [tilespmem:$0x820]  }
0x46: {  	v7 =	vld [tilespmem:$0x30]  }
0x47: {  	[tilespmem:$0x1FB60] =	vst v63;
	v63 =	vld [tilespmem:$0x270]  }
0x48: {  	v6 =	vld [tilespmem:$0x830]  }
0x49: {  	v9 =	vld [tilespmem:$0x40]  }
0x4a: {  	v8 =	vld [tilespmem:$0x840]  }
0x4b: {  	v11 =	vld [tilespmem:$0x50]  }
0x4c: {  	[tilespmem:$0x1FB90] =	vst v63;
	v63 =	vld [tilespmem:$0xA70]  }
0x4d: {  	v10 =	vld [tilespmem:$0x850]  }
0x4e: {  	v13 =	vld [tilespmem:$0x60]  }
0x4f: {  	v12 =	vld [tilespmem:$0x860]  }
0x50: {  	v15 =	vld [tilespmem:$0x70]  }
0x51: {  	[tilespmem:$0x1FB80] =	vst v63;
	v63 =	vld [tilespmem:$0x280]  }
0x52: {  	v14 =	vld [tilespmem:$0x870]  }
0x53: {  	v17 =	vld [tilespmem:$0x80]  }
0x54: {  	v16 =	vld [tilespmem:$0x880]  }
0x55: {  	v19 =	vld [tilespmem:$0x90]  }
0x56: {  	[tilespmem:$0x1FBB0] =	vst v63;
	v63 =	vld [tilespmem:$0xA80]  }
0x57: {  	v18 =	vld [tilespmem:$0x890]  }
0x58: {  	v21 =	vld [tilespmem:$0xA0]  }
0x59: {  	v20 =	vld [tilespmem:$0x8A0]  }
0x5a: {  	v23 =	vld [tilespmem:$0xB0]  }
0x5b: {  	[tilespmem:$0x1FBA0] =	vst v63;
	v63 =	vld [tilespmem:$0x290]  }
0x5c: {  	v22 =	vld [tilespmem:$0x8B0]  }
0x5d: {  	v25 =	vld [tilespmem:$0xC0]  }
0x5e: {  	v24 =	vld [tilespmem:$0x8C0]  }
0x5f: {  	v27 =	vld [tilespmem:$0xD0]  }
0x60: {  	[tilespmem:$0x1FBD0] =	vst v63;
	v63 =	vld [tilespmem:$0xA90]  }
0x61: {  	v26 =	vld [tilespmem:$0x8D0]  }
0x62: {  	v29 =	vld [tilespmem:$0xE0]  }
0x63: {  	v28 =	vld [tilespmem:$0x8E0]  }
0x64: {  	v31 =	vld [tilespmem:$0xF0]  }
0x65: {  	[tilespmem:$0x1FBC0] =	vst v63;
	v63 =	vld [tilespmem:$0x2A0]  }
0x66: {  	v30 =	vld [tilespmem:$0x8F0]  }
0x67: {  	v33 =	vld [tilespmem:$0x100]  }
0x68: {  	v32 =	vld [tilespmem:$0x900]  }
0x69: {  	v35 =	vld [tilespmem:$0x110]  }
0x6a: {  	[tilespmem:$0x1FBF0] =	vst v63;
	v63 =	vld [tilespmem:$0xAA0]  }
0x6b: {  	v34 =	vld [tilespmem:$0x910]  }
0x6c: {  	v51 =	vld [tilespmem:$0x120]  }
0x6d: {  	v36 =	vld [tilespmem:$0x920]  }
0x6e: {  	v49 =	vld [tilespmem:$0x130]  }
0x6f: {  	[tilespmem:$0x1FBE0] =	vst v63;
	v63 =	vld [tilespmem:$0x2B0]  }
0x70: {  	v37 =	vld [tilespmem:$0x930]  }
0x71: {  	v56 =	vld [tilespmem:$0x140]  }
0x72: {  	v38 =	vld [tilespmem:$0x940]  }
0x73: {  	v54 =	vld [tilespmem:$0x150]  }
0x74: {  	[tilespmem:$0x1FC10] =	vst v63;
	v63 =	vld [tilespmem:$0xAB0]  }
0x75: {  	v39 =	vld [tilespmem:$0x950]  }
0x76: {  	v61 =	vld [tilespmem:$0x160]  }
0x77: {  	v40 =	vld [tilespmem:$0x960]  }
0x78: {  	v60 =	vld [tilespmem:$0x170]  }
0x79: {  	[tilespmem:$0x1FC00] =	vst v63;
	v63 =	vld [tilespmem:$0x2C0]  }
0x7a: {  	v41 =	vld [tilespmem:$0x970]  }
0x7b: {  	v43 =	vld [tilespmem:$0x180]  }
0x7c: {  	v42 =	vld [tilespmem:$0x980]  }
0x7d: {  	v45 =	vld [tilespmem:$0x190]  }
0x7e: {  	[tilespmem:$0x1FC30] =	vst v63;
	v63 =	vld [tilespmem:$0xAC0]  }
0x7f: {  	v44 =	vld [tilespmem:$0x990]  }
0x80: {  	v47 =	vld [tilespmem:$0x1A0]  }
0x81: {  	v46 =	vld [tilespmem:$0x9A0]  }
0x82: {  	v50 =	vld [tilespmem:$0x1B0]  }
0x83: {  	[tilespmem:$0x1FC20] =	vst v63;
	v63 =	vld [tilespmem:$0x2D0]  }
0x84: {  	v48 =	vld [tilespmem:$0x9B0]  }
0x85: {  	v53 =	vld [tilespmem:$0x1C0]  }
0x86: {  	v52 =	vld [tilespmem:$0x9C0]  }
0x87: {  	v62 =	vld [tilespmem:$0x1F0]  }
0x88: {  	[tilespmem:$0x1FC50] =	vst v63;
	v63 =	vld [tilespmem:$0xAD0]  }
0x89: {  	v57 =	vld [tilespmem:$0x1D0]  }
0x8a: {  	v55 =	vld [tilespmem:$0x9D0]  }
0x8b: {  	v59 =	vld [tilespmem:$0x1E0]  }
0x8c: {  	v58 =	vld [tilespmem:$0x9E0];
	[tilespmem:$0x1FA90] =	vst v62  }
0x8d: {  	v62 =	vld [tilespmem:$0x9F0];
	[tilespmem:$0x1FC40] =	vst v63  }
0x8e: {  	v63 =	vld [tilespmem:$0x2E0];
	_ =	sdelay $0x4  }
0x8f: {  	[tilespmem:$0x1FC70] =	vst v63;
	v63 =	vld [tilespmem:$0xAE0];
	_ =	sdelay $0x4  }
0x90: {  	[tilespmem:$0x1FC60] =	vst v63;
	v63 =	vld [tilespmem:$0x2F0];
	_ =	sdelay $0x4  }
0x91: {  	[tilespmem:$0x1FC90] =	vst v63;
	v63 =	vld [tilespmem:$0xAF0];
	_ =	sdelay $0x4  }
0x92: {  	[tilespmem:$0x1FC80] =	vst v63;
	v63 =	vld [tilespmem:$0x300];
	_ =	sdelay $0x4  }
0x93: {  	[tilespmem:$0x1FCB0] =	vst v63;
	v63 =	vld [tilespmem:$0xB00];
	_ =	sdelay $0x4  }
0x94: {  	[tilespmem:$0x1FCA0] =	vst v63;
	v63 =	vld [tilespmem:$0x310];
	_ =	sdelay $0x4  }
0x95: {  	[tilespmem:$0x1FCD0] =	vst v63;
	v63 =	vld [tilespmem:$0xB10];
	_ =	sdelay $0x4  }
0x96: {  	[tilespmem:$0x1FCC0] =	vst v63;
	v63 =	vld [tilespmem:$0x320];
	_ =	sdelay $0x3  }
0x97: {  	v0 =	vshll.u32 v0, $0x7;
	v2 =	vand.u32 $0x7F, v2  }
0x98: {  	v1 =	vshll.u32 v1, $0x7;
	v0 =	vor.u32 v2, v0;
	v2 =	vand.u32 $0x7F, v3;
	[tilespmem:$0x1FCF0] =	vst v63;
	v63 =	vld [tilespmem:$0xB20]  }
0x99: {  	[tilespmem:$0x1800] =	vst v0;
	v0 =	vor.u32 v2, v1;
	v1 =	vshll.u32 v4, $0x7;
	v2 =	vand.u32 $0x7F, v5;
	v3 =	vld [tilespmem:$0xC30]  }
0x9a: {  	[tilespmem:$0x1810] =	vst v0;
	v0 =	vor.u32 v2, v1;
	v1 =	vshll.u32 v6, $0x7;
	v6 =	vand.u32 $0x7F, v7;
	v7 =	vld [tilespmem:$0x440]  }
0x9b: {  	v39 =	vshll.u32 v39, $0x7;
	v4 =	vand.u32 $0x7F, v54;
	v54 =	vld [tilespmem:$0x4D0]  }
0x9c: {  	v5 =	vor.u32 v4, v39;
	v4 =	vld [tilespmem:$0xD30]  }
0x9d: {  	[tilespmem:$0x1FCE0] =	vst v63;
	v63 =	vld [tilespmem:$0x330]  }
0x9e: {  	v39 =	vshll.u32 v62, $0x7;
	v62 =	vld [tilespmem:$0x1FB20];
	[tilespmem:$0x1820] =	vst v0  }
0x9f: {  	v0 =	vor.u32 v6, v1;
	v6 =	vshll.u32 v8, $0x7;
	v8 =	vld [tilespmem:$0xC40];
	[tilespmem:$0x1950] =	vst v5  }
0xa0: {  	v5 =	vld [tilespmem:$0x540];
	[tilespmem:$0x1830] =	vst v0  }
0xa1: {  	v0 =	vld [tilespmem:$0x550];
	[tilespmem:$0x1FF00] =	vst v3  }
0xa2: {  	[tilespmem:$0x1FD10] =	vst v63;
	v63 =	vld [tilespmem:$0xB30]  }
0xa3: {  	[tilespmem:$0x1FF20] =	vst v7;
	v7 =	vand.u32 $0x7F, v9;
	v3 =	vld [tilespmem:$0xD50]  }
0xa4: {  	[tilespmem:$0x1FF10] =	vst v8;
	v9 =	vor.u32 v7, v6;
	v8 =	vld [tilespmem:$0x450]  }
0xa5: {  	v6 =	vshll.u32 v10, $0x7;
	v7 =	vand.u32 $0x7F, v11;
	v10 =	vshll.u32 v12, $0x7;
	v12 =	vld [tilespmem:$0xC50]  }
0xa6: {  	[tilespmem:$0x1840] =	vst v9;
	v9 =	vor.u32 v7, v6;
	v6 =	vld [tilespmem:$0x460]  }
0xa7: {  	v11 =	vand.u32 $0x7F, v13;
	[tilespmem:$0x1FD00] =	vst v63;
	v63 =	vld [tilespmem:$0x340]  }
0xa8: {  	v14 =	vshll.u32 v14, $0x7;
	v15 =	vand.u32 $0x7F, v15;
	v13 =	vor.u32 v11, v10;
	v10 =	vld [tilespmem:$0xC60]  }
0xa9: {  	v7 =	vor.u32 v15, v14;
	v14 =	vld [tilespmem:$0x470]  }
0xaa: {  	[tilespmem:$0x1FF30] =	vst v12;
	v12 =	vshll.u32 v18, $0x7;
	v18 =	vld [tilespmem:$0xC70]  }
0xab: {  	[tilespmem:$0x1FF40] =	vst v8;
	v8 =	vshll.u32 v16, $0x7;
	v16 =	vshll.u32 v20, $0x7;
	v20 =	vshll.u32 v22, $0x7;
	v22 =	vld [tilespmem:$0x480]  }
0xac: {  	v0 =	vand.u32 $0x7F, v0;
	v3 =	vshll.u32 v3, $0x7;
	[tilespmem:$0x1FD30] =	vst v63;
	v63 =	vld [tilespmem:$0xB40]  }
0xad: {  	[tilespmem:$0x1850] =	vst v9;
	v9 =	vand.u32 $0x7F, v17;
	v0 =	vor.u32 v0, v3;
	v3 =	vld [tilespmem:$0xED0]  }
0xae: {  	[tilespmem:$0x1860] =	vst v13;
	v13 =	vand.u32 $0x7F, v19;
	v11 =	vor.u32 v9, v8;
	v8 =	vld [tilespmem:$0xC80]  }
0xaf: {  	v17 =	vand.u32 $0x7F, v21;
	v15 =	vor.u32 v13, v12;
	v12 =	vld [tilespmem:$0x490]  }
0xb0: {  	v19 =	vor.u32 v17, v16;
	v16 =	vld [tilespmem:$0xC90]  }
0xb1: {  	v21 =	vand.u32 $0x7F, v23;
	[tilespmem:$0x1FD20] =	vst v63;
	v63 =	vld [tilespmem:$0x350]  }
0xb2: {  	[tilespmem:$0x1870] =	vst v7;
	v23 =	vor.u32 v21, v20;
	v20 =	vld [tilespmem:$0x4A0]  }
0xb3: {  	[tilespmem:$0x1FF60] =	vst v6;
	v6 =	vshll.u32 v24, $0x7;
	v24 =	vld [tilespmem:$0xCA0]  }
0xb4: {  	[tilespmem:$0x1FF80] =	vst v14;
	v14 =	vshll.u32 v28, $0x7;
	v28 =	vld [tilespmem:$0x4B0]  }
0xb5: {  	[tilespmem:$0x1FF50] =	vst v10;
	v10 =	vshll.u32 v26, $0x7;
	v26 =	vshll.u32 v34, $0x7;
	v34 =	vand.u32 $0x7F, v49;
	v49 =	vld [tilespmem:$0x4C0]  }
0xb6: {  	[tilespmem:$0x1FD50] =	vst v63;
	v63 =	vld [tilespmem:$0xB50]  }
0xb7: {  	v7 =	vand.u32 $0x7F, v25;
	[tilespmem:$0x18A0] =	vst v19;
	v19 =	vand.u32 $0x7F, v31;
	v31 =	vand.u32 $0x7F, v51;
	v51 =	vld [tilespmem:$0xCB0]  }
0xb8: {  	[tilespmem:$0x18B0] =	vst v23;
	v23 =	vand.u32 $0x7F, v33;
	v33 =	vshll.u32 v37, $0x7;
	v37 =	vand.u32 $0x7F, v56;
	v56 =	vld [tilespmem:$0xCC0]  }
0xb9: {  	v9 =	vor.u32 v7, v6;
	v7 =	vand.u32 $0x7F, v61;
	v61 =	vld [tilespmem:$0xCD0]  }
0xba: {  	[tilespmem:$0x1880] =	vst v11;
	v6 =	vshll.u32 v40, $0x7;
	v40 =	vld [tilespmem:$0x1FA90]  }
0xbb: {  	v11 =	vand.u32 $0x7F, v27;
	[tilespmem:$0x1FD40] =	vst v63;
	v63 =	vld [tilespmem:$0x360]  }
0xbc: {  	v13 =	vor.u32 v11, v10;
	v10 =	vand.u32 $0x7F, v60;
	v60 =	vld [tilespmem:$0x4E0]  }
0xbd: {  	[tilespmem:$0x18C0] =	vst v9;
	v9 =	vshll.u32 v41, $0x7;
	v41 =	vld [tilespmem:$0x4F0]  }
0xbe: {  	v27 =	vand.u32 $0x7F, v35;
	v35 =	vor.u32 v34, v33;
	v33 =	vld [tilespmem:$0xCF0]  }
0xbf: {  	v34 =	vld [tilespmem:$0x500]  }
0xc0: {  	[tilespmem:$0x1FD70] =	vst v63;
	v63 =	vld [tilespmem:$0xB60]  }
0xc1: {  	[tilespmem:$0x1890] =	vst v15;
	v15 =	vand.u32 $0x7F, v29;
	v29 =	vor.u32 v27, v26;
	v26 =	vld [tilespmem:$0xD00]  }
0xc2: {  	v27 =	vld [tilespmem:$0x510]  }
0xc3: {  	v17 =	vor.u32 v15, v14;
	v15 =	vshll.u32 v44, $0x7;
	v44 =	vld [tilespmem:$0x1FAA0]  }
0xc4: {  	[tilespmem:$0x1910] =	vst v29;
	v29 =	vand.u32 $0x7F, v53;
	v53 =	vld [tilespmem:$0x1FAF0]  }
0xc5: {  	[tilespmem:$0x1FD60] =	vst v63;
	v63 =	vld [tilespmem:$0x370]  }
0xc6: {  	v11 =	vor.u32 v10, v9;
	v9 =	vld [tilespmem:$0x1FB40];
	[tilespmem:$0x1FF70] =	vst v18  }
0xc7: {  	[tilespmem:$0x1970] =	vst v11;
	v11 =	vld [tilespmem:$0xD20]  }
0xc8: {  	[tilespmem:$0x1FFC0] =	vst v12;
	v12 =	vshll.u32 v42, $0x7;
	v42 =	vld [tilespmem:$0xCE0]  }
0xc9: {  	[tilespmem:$0x1FFB0] =	vst v16;
	v16 =	vand.u32 $0x7F, v45;
	v45 =	vld [tilespmem:$0x1FAB0]  }
0xca: {  	v18 =	vshll.u32 v30, $0x7;
	[tilespmem:$0x1FD90] =	vst v63;
	v63 =	vld [tilespmem:$0xB70]  }
0xcb: {  	v21 =	vor.u32 v19, v18;
	v19 =	vand.u32 $0x7F, v47;
	v47 =	vld [tilespmem:$0x1FAC0]  }
0xcc: {  	v30 =	vshll.u32 v36, $0x7;
	v36 =	vshll.u32 v38, $0x7;
	[tilespmem:$0x1FFF0] =	vst v28;
	v28 =	vshll.u32 v52, $0x7;
	v52 =	vld [tilespmem:$0x1FAE0]  }
0xcd: {  	[tilespmem:$0x18D0] =	vst v13;
	v38 =	vor.u32 v37, v36;
	v36 =	vshll.u32 v58, $0x7;
	v58 =	vld [tilespmem:$0x1FB10]  }
0xce: {  	[tilespmem:$0x1FF90] =	vst v8;
	v8 =	vor.u32 v7, v6;
	v7 =	vld [tilespmem:$0x1FB30]  }
0xcf: {  	[tilespmem:$0x1FD80] =	vst v63;
	v63 =	vld [tilespmem:$0x380]  }
0xd0: {  	[tilespmem:$0x1FFD0] =	vst v24;
	v18 =	vshll.u32 v46, $0x7;
	v24 =	vld [tilespmem:$0x1FB90]  }
0xd1: {  	[tilespmem:$0x1FFE0] =	vst v20;
	v20 =	vor.u32 v19, v18;
	v19 =	vld [tilespmem:$0x520]  }
0xd2: {  	v13 =	vand.u32 $0x7F, v43;
	[tilespmem:$0x18F0] =	vst v21;
	v21 =	vshll.u32 v48, $0x7;
	v48 =	vld [tilespmem:$0x1FAD0]  }
0xd3: {  	[tilespmem:$0x1FFA0] =	vst v22;
	v14 =	vor.u32 v13, v12;
	v12 =	vld [tilespmem:$0x530]  }
0xd4: {  	v22 =	vshll.u32 v32, $0x7;
	v32 =	vor.u32 v31, v30;
	[tilespmem:$0x1FDB0] =	vst v63;
	v63 =	vld [tilespmem:$0xB80]  }
0xd5: {  	[tilespmem:$0x1920] =	vst v32;
	v32 =	vand.u32 $0x7F, v57;
	v57 =	vld [tilespmem:$0x1FB00]  }
0xd6: {  	v13 =	vld [tilespmem:$0x1FB50]  }
0xd7: {  	[tilespmem:$0x18E0] =	vst v17;
	v17 =	vor.u32 v16, v15;
	v16 =	vld [tilespmem:$0x1FB60]  }
0xd8: {  	v18 =	vld [tilespmem:$0x1FB70]  }
0xd9: {  	[tilespmem:$0x1FDA0] =	vst v63;
	v63 =	vld [tilespmem:$0x390]  }
0xda: {  	v37 =	vand.u32 $0x7F, v59;
	v30 =	vor.u32 v29, v28;
	v29 =	vld [tilespmem:$0x1FBA0]  }
0xdb: {  	[tilespmem:$0x1940] =	vst v38;
	v38 =	vor.u32 v37, v36;
	v37 =	vld [tilespmem:$0x1FBD0]  }
0xdc: {  	v2 =	vand.u32 $0x7F, v40;
	v40 =	vld [tilespmem:$0x1FBE0]  }
0xdd: {  	[tilespmem:$0x19A0] =	vst v20;
	v20 =	vld [tilespmem:$0xD10]  }
0xde: {  	v25 =	vor.u32 v23, v22;
	v22 =	vand.u32 $0x7F, v50;
	[tilespmem:$0x1FDD0] =	vst v63;
	v63 =	vld [tilespmem:$0xB90]  }
0xdf: {  	v31 =	vshll.u32 v55, $0x7;
	v23 =	vor.u32 v22, v21;
	v22 =	vld [tilespmem:$0x1FB80]  }
0xe0: {  	[tilespmem:$0x1930] =	vst v35;
	v35 =	vor.u32 v32, v31;
	v31 =	vld [tilespmem:$0x1FBB0]  }
0xe1: {  	v1 =	vshll.u32 v44, $0x7;
	v44 =	vld [tilespmem:$0x1FBF0]  }
0xe2: {  	[tilespmem:$0x19D0] =	vst v35;
	v35 =	vld [tilespmem:$0x1FBC0]  }
0xe3: {  	[tilespmem:$0x1FDC0] =	vst v63;
	v63 =	vld [tilespmem:$0x3A0]  }
0xe4: {  	v10 =	vshll.u32 v9, $0x7;
	v9 =	vld [tilespmem:$0xD70]  }
0xe5: {  	[tilespmem:$0x1960] =	vst v8;
	v8 =	vand.u32 $0x7F, v7;
	v7 =	vld [tilespmem:$0xD60]  }
0xe6: {  	[tilespmem:$0x1900] =	vst v25;
	v43 =	vor.u32 v2, v39;
	v2 =	vand.u32 $0x7F, v45;
	v25 =	vand.u32 $0x7F, v24;
	v24 =	vld [tilespmem:$0x1FC60]  }
0xe7: {  	v46 =	vor.u32 v2, v1;
	v2 =	vand.u32 $0x7F, v48;
	v48 =	vld [tilespmem:$0x1FC10]  }
0xe8: {  	[tilespmem:$0x1FDF0] =	vst v63;
	v63 =	vld [tilespmem:$0xBA0]  }
0xe9: {  	[tilespmem:$0x1980] =	vst v14;
	v14 =	vand.u32 $0x7F, v13;
	v13 =	vld [tilespmem:$0xD80]  }
0xea: {  	v11 =	vshll.u32 v11, $0x7;
	v1 =	vshll.u32 v47, $0x7;
	[tilespmem:$0x1A00] =	vst v46;
	v46 =	vld [tilespmem:$0x1FC00]  }
0xeb: {  	v19 =	vand.u32 $0x7F, v19;
	v50 =	vor.u32 v2, v1;
	v2 =	vand.u32 $0x7F, v53;
	v53 =	vld [tilespmem:$0x1FC20]  }
0xec: {  	[tilespmem:$0x1990] =	vst v17;
	v11 =	vor.u32 v19, v11;
	v19 =	vld [tilespmem:$0x6C0]  }
0xed: {  	v1 =	vshll.u32 v52, $0x7;
	[tilespmem:$0x1FDE0] =	vst v63;
	v63 =	vld [tilespmem:$0x3B0]  }
0xee: {  	[tilespmem:$0x19F0] =	vst v43;
	v15 =	vor.u32 v14, v10;
	v55 =	vor.u32 v2, v1;
	v1 =	vshll.u32 v57, $0x7;
	v57 =	vld [tilespmem:$0x1FC30]  }
0xef: {  	v4 =	vshll.u32 v4, $0x7;
	v12 =	vand.u32 $0x7F, v12;
	[tilespmem:$0x1A50] =	vst v15;
	v15 =	vld [tilespmem:$0xD90]  }
0xf0: {  	v4 =	vor.u32 v12, v4;
	[tilespmem:$0x1D20] =	vst v11;
	v11 =	vld [tilespmem:$0xEC0]  }
0xf1: {  	v6 =	vshll.u32 v62, $0x7;
	v17 =	vshll.u32 v16, $0x7;
	[tilespmem:$0x1D30] =	vst v4;
	v4 =	vld [tilespmem:$0x6D0]  }
0xf2: {  	v21 =	vand.u32 $0x7F, v18;
	v43 =	vshll.u32 v40, $0x7;
	v2 =	vand.u32 $0x7F, v58;
	[tilespmem:$0x1FE10] =	vst v63;
	v63 =	vld [tilespmem:$0xBB0]  }
0xf3: {  	[tilespmem:$0x19B0] =	vst v23;
	v23 =	vshll.u32 v22, $0x7;
	v45 =	vand.u32 $0x7F, v44;
	v59 =	vor.u32 v2, v1;
	v1 =	vld [tilespmem:$0xD40]  }
0xf4: {  	[tilespmem:$0x19C0] =	vst v30;
	v10 =	vor.u32 v45, v43;
	v2 =	vor.u32 v8, v6;
	v6 =	vor.u32 v21, v17;
	v21 =	vld [tilespmem:$0x1FC50]  }
0xf5: {  	v28 =	vor.u32 v25, v23;
	[tilespmem:$0x1AA0] =	vst v10;
	v10 =	vld [tilespmem:$0x590]  }
0xf6: {  	[tilespmem:$0x1A70] =	vst v28;
	v28 =	vld [tilespmem:$0x1FC70]  }
0xf7: {  	v30 =	vshll.u32 v29, $0x7;
	v32 =	vand.u32 $0x7F, v31;
	[tilespmem:$0x1FE00] =	vst v63;
	v63 =	vld [tilespmem:$0x3C0]  }
0xf8: {  	v8 =	vor.u32 v32, v30;
	v30 =	vld [tilespmem:$0x1FC80]  }
0xf9: {  	v32 =	vld [tilespmem:$0x1FC90]  }
0xfa: {  	[tilespmem:$0x19E0] =	vst v38;
	v17 =	vld [tilespmem:$0xDA0]  }
0xfb: {  	[tilespmem:$0x1A40] =	vst v2;
	v2 =	vld [tilespmem:$0x560]  }
0xfc: {  	[tilespmem:$0x1FE30] =	vst v63;
	v63 =	vld [tilespmem:$0xBC0]  }
0xfd: {  	[tilespmem:$0x1A60] =	vst v6;
	v6 =	vld [tilespmem:$0x570]  }
0xfe: {  	v38 =	vand.u32 $0x7F, v37;
	v36 =	vshll.u32 v35, $0x7;
	[tilespmem:$0x1A80] =	vst v8;
	v8 =	vld [tilespmem:$0x580]  }
0xff: {  	v39 =	vor.u32 v38, v36;
	[tilespmem:$0x1A30] =	vst v59;
	v59 =	vld [tilespmem:$0x1FC40]  }
0x100: {  	[tilespmem:$0x1A90] =	vst v39;
	v39 =	vld [tilespmem:$0x1FCB0]  }
0x101: {  	[tilespmem:$0x1FE20] =	vst v63;
	v63 =	vld [tilespmem:$0x3D0]  }
0x102: {  	[tilespmem:$0x1A20] =	vst v55;
	v55 =	vshll.u32 v53, $0x7;
	v58 =	vand.u32 $0x7F, v57;
	v37 =	vld [tilespmem:$0x1FCA0]  }
0x103: {  	v14 =	vor.u32 v58, v55;
	v22 =	vand.u32 $0x7F, v21;
	v21 =	vld [tilespmem:$0xDB0]  }
0x104: {  	v5 =	vand.u32 $0x7F, v5;
	v1 =	vshll.u32 v1, $0x7;
	[tilespmem:$0x1AC0] =	vst v14;
	v14 =	vld [tilespmem:$0x5A0]  }
0x105: {  	[tilespmem:$0x1A10] =	vst v50;
	v25 =	vshll.u32 v24, $0x7;
	v29 =	vand.u32 $0x7F, v28;
	v1 =	vor.u32 v5, v1;
	v5 =	vld [tilespmem:$0x6E0]  }
0x106: {  	v62 =	vshll.u32 v59, $0x7;
	v16 =	vor.u32 v29, v25;
	[tilespmem:$0x1FE50] =	vst v63;
	v63 =	vld [tilespmem:$0xBD0]  }
0x107: {  	v23 =	vor.u32 v22, v62;
	[tilespmem:$0x1AE0] =	vst v16;
	v16 =	vld [tilespmem:$0x5B0]  }
0x108: {  	v50 =	vand.u32 $0x7F, v48;
	v47 =	vshll.u32 v46, $0x7;
	[tilespmem:$0x1AD0] =	vst v23;
	v23 =	vld [tilespmem:$0xDC0]  }
0x109: {  	v52 =	vor.u32 v50, v47;
	v45 =	vld [tilespmem:$0x1FCD0]  }
0x10a: {  	[tilespmem:$0x1AB0] =	vst v52;
	v52 =	vld [tilespmem:$0x1FCF0]  }
0x10b: {  	v26 =	vshll.u32 v26, $0x7;
	[tilespmem:$0x1FE40] =	vst v63;
	v63 =	vld [tilespmem:$0x3E0]  }
0x10c: {  	v34 =	vand.u32 $0x7F, v34;
	v40 =	vand.u32 $0x7F, v39;
	v38 =	vshll.u32 v37, $0x7;
	v48 =	vld [tilespmem:$0x1FCE0]  }
0x10d: {  	v26 =	vor.u32 v34, v26;
	v18 =	vor.u32 v40, v38;
	v34 =	vand.u32 $0x7F, v14;
	v14 =	vld [tilespmem:$0x720]  }
0x10e: {  	[tilespmem:$0x1B00] =	vst v18;
	v18 =	vld [tilespmem:$0x5C0]  }
0x10f: {  	v43 =	vld [tilespmem:$0x1FCC0]  }
0x110: {  	[tilespmem:$0x1FE70] =	vst v63;
	v63 =	vld [tilespmem:$0xBE0]  }
0x111: {  	v53 =	vand.u32 $0x7F, v52;
	v50 =	vshll.u32 v48, $0x7;
	v58 =	vld [tilespmem:$0x1FD10]  }
0x112: {  	v22 =	vor.u32 v53, v50;
	v29 =	vld [tilespmem:$0x1FD30]  }
0x113: {  	[tilespmem:$0x1B20] =	vst v22;
	v22 =	vld [tilespmem:$0x5D0]  }
0x114: {  	v25 =	vld [tilespmem:$0x1FD20]  }
0x115: {  	[tilespmem:$0x1FE60] =	vst v63;
	v63 =	vld [tilespmem:$0x3F0]  }
0x116: {  	v55 =	vld [tilespmem:$0x1FD00]  }
0x117: {  	v31 =	vshll.u32 v30, $0x7;
	v35 =	vand.u32 $0x7F, v32;
	v30 =	vand.u32 $0x7F, v29;
	v29 =	vld [tilespmem:$0xDE0]  }
0x118: {  	v36 =	vor.u32 v35, v31;
	v35 =	vld [tilespmem:$0x1FD50]  }
0x119: {  	v28 =	vshll.u32 v25, $0x7;
	v25 =	vld [tilespmem:$0xDD0]  }
0x11a: {  	v24 =	vor.u32 v30, v28;
	[tilespmem:$0x1FE90] =	vst v63;
	v63 =	vld [tilespmem:$0xBF0]  }
0x11b: {  	[tilespmem:$0x1B40] =	vst v24;
	v24 =	vld [tilespmem:$0x5E0]  }
0x11c: {  	v31 =	vld [tilespmem:$0x1FD40]  }
0x11d: {  	v40 =	vld [tilespmem:$0x1FD70]  }
0x11e: {  	v38 =	vld [tilespmem:$0x1FD60]  }
0x11f: {  	v46 =	vand.u32 $0x7F, v45;
	v44 =	vshll.u32 v43, $0x7;
	[tilespmem:$0x1FE80] =	vst v63;
	v63 =	vld [tilespmem:$0x400]  }
0x120: {  	v47 =	vor.u32 v46, v44;
	v46 =	vld [tilespmem:$0x1FD90]  }
0x121: {  	v44 =	vld [tilespmem:$0x1FD80]  }
0x122: {  	v53 =	vld [tilespmem:$0x1FDB0]  }
0x123: {  	v50 =	vld [tilespmem:$0x1FDA0]  }
0x124: {  	v59 =	vand.u32 $0x7F, v58;
	v57 =	vshll.u32 v55, $0x7;
	[tilespmem:$0x1FEB0] =	vst v63;
	v63 =	vld [tilespmem:$0xC00]  }
0x125: {  	[tilespmem:$0x1AF0] =	vst v36;
	v62 =	vor.u32 v59, v57;
	v36 =	vand.u32 $0x7F, v35;
	v59 =	vld [tilespmem:$0x1FDD0]  }
0x126: {  	v32 =	vshll.u32 v31, $0x7;
	v43 =	vand.u32 $0x7F, v40;
	v39 =	vshll.u32 v38, $0x7;
	v57 =	vld [tilespmem:$0x1FDC0]  }
0x127: {  	[tilespmem:$0x1B10] =	vst v47;
	v37 =	vor.u32 v36, v32;
	v28 =	vor.u32 v43, v39;
	v39 =	vld [tilespmem:$0x1FDF0]  }
0x128: {  	[tilespmem:$0x1B50] =	vst v37;
	v37 =	vld [tilespmem:$0x1FDE0]  }
0x129: {  	v47 =	vand.u32 $0x7F, v46;
	v45 =	vshll.u32 v44, $0x7;
	[tilespmem:$0x1FEA0] =	vst v63;
	v63 =	vld [tilespmem:$0x410]  }
0x12a: {  	v48 =	vor.u32 v47, v45;
	v45 =	vld [tilespmem:$0x1FE10]  }
0x12b: {  	[tilespmem:$0x1B30] =	vst v62;
	v43 =	vld [tilespmem:$0x1FE00]  }
0x12c: {  	[tilespmem:$0x1B70] =	vst v48;
	v62 =	vand.u32 $0x7F, v59;
	v58 =	vshll.u32 v57, $0x7;
	v48 =	vld [tilespmem:$0x1FE20]  }
0x12d: {  	v36 =	vor.u32 v62, v58;
	v58 =	vld [tilespmem:$0x1FE50]  }
0x12e: {  	v55 =	vand.u32 $0x7F, v53;
	v52 =	vshll.u32 v50, $0x7;
	[tilespmem:$0x1FED0] =	vst v63;
	v63 =	vld [tilespmem:$0xC10]  }
0x12f: {  	v30 =	vor.u32 v55, v52;
	v55 =	vld [tilespmem:$0x1FE40]  }
0x130: {  	v40 =	vand.u32 $0x7F, v39;
	v38 =	vshll.u32 v37, $0x7;
	v52 =	vld [tilespmem:$0x1FE30]  }
0x131: {  	v32 =	vor.u32 v40, v38;
	v40 =	vld [tilespmem:$0x1FE60]  }
0x132: {  	v50 =	vshll.u32 v48, $0x7;
	v48 =	vld [tilespmem:$0x1FE90]  }
0x133: {  	v46 =	vand.u32 $0x7F, v45;
	v44 =	vshll.u32 v43, $0x7;
	[tilespmem:$0x1FEC0] =	vst v63;
	v63 =	vld [tilespmem:$0x420]  }
0x134: {  	v47 =	vor.u32 v46, v44;
	v59 =	vand.u32 $0x7F, v58;
	v57 =	vshll.u32 v55, $0x7;
	v46 =	vld [tilespmem:$0x1FE80]  }
0x135: {  	v62 =	vor.u32 v59, v57;
	v57 =	vld [tilespmem:$0x1FEB0]  }
0x136: {  	v53 =	vand.u32 $0x7F, v52;
	v59 =	vld [tilespmem:$0x1FEC0]  }
0x137: {  	[tilespmem:$0x1B90] =	vst v36;
	v36 =	vor.u32 v53, v50;
	v53 =	vld [tilespmem:$0x1FEA0]  }
0x138: {  	[tilespmem:$0x1FEF0] =	vst v63;
	v63 =	vld [tilespmem:$0xC20]  }
0x139: {  	v50 =	vand.u32 $0x7F, v48;
	v48 =	vld [tilespmem:$0x1FED0]  }
0x13a: {  	v58 =	vand.u32 $0x7F, v57;
	v57 =	vld [tilespmem:$0x1FEF0]  }
0x13b: {  	[tilespmem:$0x1BD0] =	vst v62;
	v62 =	vshll.u32 v59, $0x7;
	v59 =	vld [tilespmem:$0x1FF00]  }
0x13c: {  	[tilespmem:$0x1BB0] =	vst v47;
	v44 =	vld [tilespmem:$0x1FE70]  }
0x13d: {  	v47 =	vshll.u32 v46, $0x7;
	[tilespmem:$0x1FEE0] =	vst v63;
	v63 =	vld [tilespmem:$0x430]  }
0x13e: {  	v43 =	vshll.u32 v40, $0x7;
	v52 =	vor.u32 v50, v47;
	v55 =	vshll.u32 v53, $0x7;
	v53 =	vld [tilespmem:$0x1FEE0]  }
0x13f: {  	v40 =	vor.u32 v58, v55;
	v50 =	vand.u32 $0x7F, v48;
	v58 =	vand.u32 $0x7F, v57;
	v57 =	vld [tilespmem:$0x1FF30]  }
0x140: {  	[tilespmem:$0x1BF0] =	vst v52;
	v52 =	vor.u32 v50, v62;
	v62 =	vshll.u32 v59, $0x7;
	v59 =	vld [tilespmem:$0x1FF40]  }
0x141: {  	v35 =	vld [tilespmem:$0xE00]  }
0x142: {  	v50 =	vld [tilespmem:$0x1FF10]  }
0x143: {  	v63 =	vand.u32 $0x7F, v63;
	v55 =	vshll.u32 v53, $0x7;
	v53 =	vld [tilespmem:$0x1FF20]  }
0x144: {  	v31 =	vld [tilespmem:$0xDF0];
	v45 =	vand.u32 $0x7F, v44;
	v48 =	vor.u32 v63, v62  }
0x145: {  	[tilespmem:$0x1B60] =	vst v28;
	v28 =	vld [tilespmem:$0x5F0];
	v62 =	vand.u32 $0x7F, v59;
	v44 =	vor.u32 v58, v55;
	v58 =	vshll.u32 v57, $0x7  }
0x146: {  	v63 =	vor.u32 v62, v58;
	v58 =	vld [tilespmem:$0x1FF70]  }
0x147: {  	[tilespmem:$0x1B80] =	vst v30;
	v30 =	vld [tilespmem:$0x600]  }
0x148: {  	[tilespmem:$0x1C10] =	vst v52;
	v52 =	vshll.u32 v50, $0x7;
	v62 =	vld [tilespmem:$0x1FF80];
	v55 =	vand.u32 $0x7F, v53  }
0x149: {  	v46 =	vor.u32 v55, v52;
	v52 =	vld [tilespmem:$0x1FF50]  }
0x14a: {  	v55 =	vld [tilespmem:$0x1FF60]  }
0x14b: {  	v59 =	vshll.u32 v58, $0x7;
	v58 =	vld [tilespmem:$0x1FF90]  }
0x14c: {  	v39 =	vld [tilespmem:$0xE20]  }
0x14d: {  	v37 =	vld [tilespmem:$0xE10]  }
0x14e: {  	[tilespmem:$0x1C50] =	vst v63;
	v63 =	vand.u32 $0x7F, v62;
	v62 =	vld [tilespmem:$0x1FFA0]  }
0x14f: {  	v53 =	vshll.u32 v52, $0x7;
	v57 =	vand.u32 $0x7F, v55;
	v55 =	vld [tilespmem:$0x1FFB0]  }
0x150: {  	[tilespmem:$0x1C30] =	vst v48;
	v48 =	vor.u32 v57, v53;
	v57 =	vor.u32 v63, v59;
	v59 =	vshll.u32 v58, $0x7;
	v58 =	vld [tilespmem:$0x1FFC0]  }
0x151: {  	[tilespmem:$0x1BA0] =	vst v32;
	v32 =	vld [tilespmem:$0x610]  }
0x152: {  	[tilespmem:$0x1BC0] =	vst v36;
	v36 =	vld [tilespmem:$0x620]  }
0x153: {  	v38 =	vor.u32 v45, v43;
	v43 =	vld [tilespmem:$0xE30]  }
0x154: {  	v45 =	vld [tilespmem:$0xE40];
	v63 =	vand.u32 $0x7F, v62  }
0x155: {  	v62 =	vld [tilespmem:$0x1FFD0];
	[tilespmem:$0x1C70] =	vst v57;
	v52 =	vor.u32 v63, v59;
	v57 =	vshll.u32 v55, $0x7;
	v59 =	vand.u32 $0x7F, v58  }
0x156: {  	[tilespmem:$0x1D50] =	vst v0;
	v53 =	vor.u32 v59, v57;
	v59 =	vld [tilespmem:$0x1FFE0]  }
0x157: {  	[tilespmem:$0x1BE0] =	vst v38;
	v38 =	vld [tilespmem:$0x630]  }
0x158: {  	[tilespmem:$0x1D00] =	vst v26;
	v47 =	vld [tilespmem:$0xE50]  }
0x159: {  	[tilespmem:$0x1C00] =	vst v40;
	v40 =	vld [tilespmem:$0x640]  }
0x15a: {  	[tilespmem:$0x1D40] =	vst v1;
	v50 =	vld [tilespmem:$0xE60]  }
0x15b: {  	[tilespmem:$0x1C20] =	vst v44;
	v63 =	vshll.u32 v62, $0x7;
	v62 =	vand.u32 $0x7F, v59;
	v59 =	vld [tilespmem:$0x1FFF0]  }
0x15c: {  	v44 =	vld [tilespmem:$0x650];
	[tilespmem:$0x1C40] =	vst v46  }
0x15d: {  	v54 =	vand.u32 $0x7F, v54;
	v49 =	vand.u32 $0x7F, v49;
	v56 =	vshll.u32 v56, $0x7;
	v46 =	vld [tilespmem:$0x660];
	[tilespmem:$0x1C60] =	vst v48  }
0x15e: {  	v41 =	vand.u32 $0x7F, v41;
	v2 =	vand.u32 $0x7F, v2;
	v48 =	vld [tilespmem:$0x670];
	[tilespmem:$0x1C80] =	vst v52;
	v57 =	vshll.u32 v7, $0x7  }
0x15f: {  	v27 =	vand.u32 $0x7F, v27;
	v12 =	vshll.u32 v15, $0x7;
	v52 =	vld [tilespmem:$0xE70];
	[tilespmem:$0x1C90] =	vst v53;
	v58 =	vor.u32 v2, v57  }
0x160: {  	v7 =	vld [tilespmem:$0x6F0];
	[tilespmem:$0x1D60] =	vst v58;
	v53 =	vor.u32 v62, v63;
	v63 =	vshll.u32 v51, $0x7;
	v62 =	vand.u32 $0x7F, v59  }
0x161: {  	v26 =	vshll.u32 v17, $0x7;
	v17 =	vand.u32 $0x7F, v24;
	v51 =	vld [tilespmem:$0x680];
	[tilespmem:$0x1CA0] =	vst v53;
	v55 =	vor.u32 v62, v63  }
0x162: {  	v24 =	vshll.u32 v35, $0x7;
	v53 =	vld [tilespmem:$0xE80];
	v63 =	vor.u32 v49, v56;
	v62 =	vshll.u32 v61, $0x7;
	[tilespmem:$0x1CB0] =	vst v55  }
0x163: {  	v49 =	vld [tilespmem:$0x690];
	v61 =	vand.u32 $0x7F, v60;
	[tilespmem:$0x1CC0] =	vst v63;
	v54 =	vor.u32 v54, v62;
	v63 =	vshll.u32 v42, $0x7  }
0x164: {  	v60 =	vand.u32 $0x7F, v6;
	v6 =	vld [tilespmem:$0xEE0];
	v55 =	vshll.u32 v20, $0x7;
	[tilespmem:$0x1CD0] =	vst v54;
	v62 =	vor.u32 v61, v63  }
0x165: {  	v35 =	vshll.u32 v43, $0x7;
	v59 =	vshll.u32 v9, $0x7;
	v42 =	vld [tilespmem:$0xE90];
	v56 =	vor.u32 v27, v55;
	[tilespmem:$0x1CE0] =	vst v62  }
0x166: {  	v58 =	vshll.u32 v23, $0x7;
	v20 =	vld [tilespmem:$0x6B0];
	v63 =	vshll.u32 v33, $0x7;
	v61 =	vor.u32 v60, v59;
	[tilespmem:$0x1D10] =	vst v56  }
0x167: {  	v33 =	vld [tilespmem:$0x6A0];
	v55 =	vshll.u32 v21, $0x7;
	v59 =	vand.u32 $0x7F, v18;
	v41 =	vor.u32 v41, v63;
	[tilespmem:$0x1D70] =	vst v61  }
0x168: {  	v54 =	vld [tilespmem:$0xEA0];
	v62 =	vshll.u32 v13, $0x7;
	v63 =	vand.u32 $0x7F, v8;
	v60 =	vor.u32 v59, v58;
	[tilespmem:$0x1CF0] =	vst v41  }
0x169: {  	v27 =	vld [tilespmem:$0xEB0];
	v21 =	vshll.u32 v31, $0x7;
	v13 =	vand.u32 $0x7F, v10;
	v9 =	vor.u32 v63, v62;
	[tilespmem:$0x1DC0] =	vst v60  }
0x16a: {  	v31 =	vshll.u32 v39, $0x7;
	v39 =	vand.u32 $0x7F, v40;
	v8 =	vld [tilespmem:$0xEF0];
	v15 =	vor.u32 v13, v12;
	[tilespmem:$0x1D80] =	vst v9  }
0x16b: {  	v56 =	vand.u32 $0x7F, v16;
	v10 =	vld [tilespmem:$0xF00];
	v61 =	vshll.u32 v25, $0x7;
	v41 =	vor.u32 v34, v26;
	[tilespmem:$0x1D90] =	vst v15  }
0x16c: {  	v16 =	vshll.u32 v29, $0x7;
	v25 =	vand.u32 $0x7F, v30;
	v57 =	vor.u32 v56, v55;
	v12 =	vld [tilespmem:$0x710];
	[tilespmem:$0x1DA0] =	vst v41  }
0x16d: {  	v29 =	vand.u32 $0x7F, v32;
	v32 =	vand.u32 $0x7F, v36;
	v13 =	vld [tilespmem:$0xF10];
	v18 =	vor.u32 v17, v16;
	[tilespmem:$0x1DB0] =	vst v57  }
0x16e: {  	v36 =	vand.u32 $0x7F, v38;
	v38 =	vshll.u32 v45, $0x7;
	v26 =	vor.u32 v25, v24;
	v16 =	vld [tilespmem:$0x730];
	[tilespmem:$0x1DE0] =	vst v18  }
0x16f: {  	v45 =	vshll.u32 v50, $0x7;
	v62 =	vand.u32 $0x7F, v22;
	v17 =	vld [tilespmem:$0xF30];
	v34 =	vor.u32 v32, v31;
	[tilespmem:$0x1E00] =	vst v26  }
0x170: {  	v22 =	vand.u32 $0x7F, v28;
	v28 =	vshll.u32 v37, $0x7;
	v37 =	vor.u32 v36, v35;
	v24 =	vld [tilespmem:$0x760];
	[tilespmem:$0x1E20] =	vst v34  }
0x171: {  	v50 =	vshll.u32 v52, $0x7;
	v52 =	vand.u32 $0x7F, v48;
	v40 =	vor.u32 v39, v38;
	v25 =	vld [tilespmem:$0xF60];
	[tilespmem:$0x1E30] =	vst v37  }
0x172: {  	v55 =	vor.u32 v52, v50;
	v35 =	vshll.u32 v11, $0x7;
	v11 =	vld [tilespmem:$0xF80];
	[tilespmem:$0x1E40] =	vst v40  }
0x173: {  	v38 =	vshll.u32 v3, $0x7;
	v3 =	vld [tilespmem:$0x790];
	v63 =	vor.u32 v62, v61;
	[tilespmem:$0x1E70] =	vst v55  }
0x174: {  	v9 =	vld [tilespmem:$0x700];
	v23 =	vor.u32 v22, v21;
	[tilespmem:$0x1DD0] =	vst v63  }
0x175: {  	v46 =	vand.u32 $0x7F, v46;
	v15 =	vld [tilespmem:$0xF20];
	v30 =	vor.u32 v29, v28;
	[tilespmem:$0x1DF0] =	vst v23  }
0x176: {  	v36 =	vand.u32 $0x7F, v19;
	v18 =	vld [tilespmem:$0x740];
	v41 =	vshll.u32 v47, $0x7;
	v47 =	vor.u32 v46, v45;
	[tilespmem:$0x1E10] =	vst v30  }
0x177: {  	v43 =	vand.u32 $0x7F, v44;
	v39 =	vand.u32 $0x7F, v4;
	v21 =	vld [tilespmem:$0xF40];
	v37 =	vor.u32 v36, v35;
	[tilespmem:$0x1E60] =	vst v47  }
0x178: {  	v56 =	vshll.u32 v53, $0x7;
	v22 =	vld [tilespmem:$0x750];
	v57 =	vand.u32 $0x7F, v51;
	v40 =	vor.u32 v39, v38;
	[tilespmem:$0x1EC0] =	vst v37  }
0x179: {  	v60 =	vand.u32 $0x7F, v49;
	v26 =	vld [tilespmem:$0x770];
	v46 =	vand.u32 $0x7F, v7;
	v44 =	vor.u32 v43, v41;
	[tilespmem:$0x1ED0] =	vst v40  }
0x17a: {  	v28 =	vld [tilespmem:$0xF70];
	v58 =	vor.u32 v57, v56;
	v59 =	vshll.u32 v42, $0x7;
	v41 =	vshll.u32 v6, $0x7;
	[tilespmem:$0x1E50] =	vst v44  }
0x17b: {  	v51 =	vld [tilespmem:$0xFA0];
	v42 =	vand.u32 $0x7F, v5;
	[tilespmem:$0x1E80] =	vst v58;
	v61 =	vor.u32 v60, v59;
	v62 =	vshll.u32 v54, $0x7  }
0x17c: {  	v55 =	vld [tilespmem:$0x7B0];
	v63 =	vand.u32 $0x7F, v33;
	v32 =	vshll.u32 v27, $0x7;
	v44 =	vor.u32 v42, v41;
	[tilespmem:$0x1E90] =	vst v61  }
0x17d: {  	v35 =	vld [tilespmem:$0x7E0];
	v33 =	vand.u32 $0x7F, v20;
	v31 =	vor.u32 v63, v62;
	v45 =	vshll.u32 v8, $0x7;
	[tilespmem:$0x1EE0] =	vst v44  }
0x17e: {  	v39 =	vld [tilespmem:$0xFE0];
	v34 =	vor.u32 v33, v32;
	[tilespmem:$0x1EA0] =	vst v31;
	v48 =	vor.u32 v46, v45  }
0x17f: {  	v23 =	vld [tilespmem:$0xF50];
	[tilespmem:$0x1EB0] =	vst v34;
	v53 =	vshll.u32 v13, $0x7;
	v54 =	vand.u32 $0x7F, v12;
	v61 =	vshll.u32 v17, $0x7  }
0x180: {  	v43 =	vld [tilespmem:$0xF90];
	v62 =	vand.u32 $0x7F, v16;
	v29 =	vshll.u32 v25, $0x7;
	[tilespmem:$0x1EF0] =	vst v48;
	v56 =	vor.u32 v54, v53  }
0x181: {  	v47 =	vld [tilespmem:$0x7A0];
	v30 =	vand.u32 $0x7F, v24;
	v57 =	vshll.u32 v15, $0x7;
	v15 =	vor.u32 v62, v61;
	[tilespmem:$0x1F10] =	vst v56  }
0x182: {  	v20 =	vld [tilespmem:$0x780];
	v49 =	vshll.u32 v10, $0x7;
	v50 =	vand.u32 $0x7F, v9;
	v32 =	vor.u32 v30, v29;
	[tilespmem:$0x1F30] =	vst v15  }
0x183: {  	v58 =	vand.u32 $0x7F, v14;
	v59 =	vld [tilespmem:$0xFB0];
	v52 =	vor.u32 v50, v49;
	[tilespmem:$0x1F60] =	vst v32  }
0x184: {  	v63 =	vld [tilespmem:$0x7C0];
	v16 =	vshll.u32 v21, $0x7;
	v17 =	vand.u32 $0x7F, v18;
	v60 =	vor.u32 v58, v57;
	[tilespmem:$0x1F00] =	vst v52  }
0x185: {  	v31 =	vld [tilespmem:$0xFD0];
	v33 =	vshll.u32 v28, $0x7;
	v34 =	vand.u32 $0x7F, v26;
	v19 =	vor.u32 v17, v16;
	[tilespmem:$0x1F20] =	vst v60  }
0x186: {  	v18 =	vld [tilespmem:$0xFC0];
	v22 =	vand.u32 $0x7F, v22;
	v21 =	vshll.u32 v23, $0x7;
	v36 =	vor.u32 v34, v33;
	[tilespmem:$0x1F40] =	vst v19  }
0x187: {  	v42 =	vand.u32 $0x7F, v3;
	v23 =	vld [tilespmem:$0x7D0];
	v41 =	vshll.u32 v43, $0x7;
	v27 =	vor.u32 v22, v21;
	[tilespmem:$0x1F70] =	vst v36  }
0x188: {  	v45 =	vshll.u32 v51, $0x7;
	v43 =	vld [tilespmem:$0x7F0];
	v46 =	vand.u32 $0x7F, v47;
	v44 =	vor.u32 v42, v41;
	[tilespmem:$0x1F50] =	vst v27  }
0x189: {  	v37 =	vshll.u32 v11, $0x7;
	v47 =	vld [tilespmem:$0xFF0];
	v38 =	vand.u32 $0x7F, v20;
	v48 =	vor.u32 v46, v45;
	[tilespmem:$0x1F90] =	vst v44  }
0x18a: {  	v50 =	vand.u32 $0x7F, v55;
	v49 =	vshll.u32 v59, $0x7;
	v40 =	vor.u32 v38, v37;
	[tilespmem:$0x1FA0] =	vst v48  }
0x18b: {  	v58 =	vshll.u32 v39, $0x7;
	v59 =	vand.u32 $0x7F, v35;
	v51 =	vor.u32 v50, v49;
	[tilespmem:$0x1F80] =	vst v40  }
0x18c: {  	v53 =	vand.u32 $0x7F, v63;
	v60 =	vor.u32 v59, v58;
	[tilespmem:$0x1FB0] =	vst v51;
	v52 =	vshll.u32 v18, $0x7  }
0x18d: {  	v55 =	vshll.u32 v31, $0x7;
	[tilespmem:$0x1FE0] =	vst v60;
	v54 =	vor.u32 v53, v52;
	v56 =	vand.u32 $0x7F, v23  }
0x18e: {  	v61 =	vshll.u32 v47, $0x7;
	v62 =	vand.u32 $0x7F, v43;
	[tilespmem:$0x1FC0] =	vst v54;
	v57 =	vor.u32 v56, v55  }
0x18f: {  	v63 =	vor.u32 v62, v61;
	[tilespmem:$0x1FD0] =	vst v57  }
0x190: {  	s10 =	rddreg [dreg:$0xa];
	[tilespmem:$0x1FF0] =	vst v63  }
0x191: {  	[spmem:s1] =	stream.indirect.scatter.add.f32 [tilespmem:s8], [sflag:$0x1], $0x1, s10, s9, $0xb8;
	[tilespmem:$0xA000] =	vst v63  }
0x192: {  	_ =	swait.ge [sflag:s7], $0x80  }
0x193: {  	s2 =	rddreg [dreg:$0xb];
	[sflag:s7] =	ssyncset.done $0x0  }
0x194: {  	s10 =	rddreg [dreg:$0xc];
	[sflag:s7] =	ssyncadd.s32 $0xFFFFFF80  }
0x195: {  	[spmem:s1] =	stream.indirect.scatter.add.f32 [tilespmem:s10], [sflag:$0x1], $0x1, s2, s9, $0xb8;
	[tilespmem:$0xA000] =	vst v63  }
0x196: {  	_ =	swait.ge [sflag:s7], $0x80  }
0x197: {  	s2 =	rddreg [dreg:$0xd];
	[sflag:s7] =	ssyncset.done $0x0  }
0x198: {  	s10 =	rddreg [dreg:$0xe];
	[sflag:s7] =	ssyncadd.s32 $0xFFFFFF80  }
0x199: {  	[spmem:s1] =	stream.indirect.scatter.add.f32 [tilespmem:s10], [sflag:$0x1], $0x1, s2, s9, $0xb8;
	[tilespmem:$0xA000] =	vst v63  }
0x19a: {  	_ =	swait.ge [sflag:s7], $0x80  }
0x19b: {  	s2 =	rddreg [dreg:$0xf];
	[sflag:s7] =	ssyncset.done $0x0  }
0x19c: {  	s10 =	rddreg [dreg:$0x10];
	[sflag:s7] =	ssyncadd.s32 $0xFFFFFF80  }
0x19d: {  	[spmem:s1] =	stream.indirect.scatter.add.f32 [tilespmem:s10], [sflag:$0x1], $0x1, s2, s9, $0xb8;
	[tilespmem:$0xA000] =	vst v63  }
0x19e: {  	_ =	swait.ge [sflag:s7], $0x80  }
0x19f: {  	s2 =	rddreg [dreg:$0x11];
	[sflag:s7] =	ssyncset.done $0x0  }
0x1a0: {  	s10 =	rddreg [dreg:$0x12];
	[sflag:s7] =	ssyncadd.s32 $0xFFFFFF80  }
0x1a1: {  	[spmem:s1] =	stream.indirect.scatter.add.f32 [tilespmem:s10], [sflag:$0x1], $0x1, s2, s9, $0xb8;
	[tilespmem:$0xA000] =	vst v63  }
0x1a2: {  	_ =	swait.ge [sflag:s7], $0x80  }
0x1a3: {  	s2 =	rddreg [dreg:$0x13];
	[sflag:s7] =	ssyncset.done $0x0  }
0x1a4: {  	s10 =	rddreg [dreg:$0x14];
	[sflag:s7] =	ssyncadd.s32 $0xFFFFFF80  }
0x1a5: {  	[spmem:s1] =	stream.indirect.scatter.add.f32 [tilespmem:s10], [sflag:$0x1], $0x1, s2, s9, $0xb8;
	[tilespmem:$0xA000] =	vst v63  }
0x1a6: {  	_ =	swait.ge [sflag:s7], $0x80  }
0x1a7: {  	[sflag:s7] =	ssyncset.done $0x0  }
0x1a8: {  	s10 =	simm.s32 $0x1B00;
	[sflag:s7] =	ssyncadd.s32 $0xFFFFFF80  }
0x1a9: {  	[spmem:s1] =	stream.indirect.scatter.add.f32 [tilespmem:s11], [sflag:$0x1], $0x1, s10, s9, $0xb8;
	[tilespmem:$0xA000] =	vst v63  }
0x1aa: {  	_ =	swait.ge [sflag:s7], $0x80  }
0x1ab: {  	[sflag:s7] =	ssyncset.done $0x0  }
0x1ac: {  	[sflag:s7] =	ssyncadd.s32 $0xFFFFFF80  }
0x1ad: {  	[spmem:s1] =	stream.indirect.scatter.add.f32 [tilespmem:s13], [sflag:$0x1], $0x1, s12, s9, $0xb8;
	[tilespmem:$0xA000] =	vst v63  }
0x1ae: {  	_ =	swait.ge [sflag:s7], $0x80  }
0x1af: {  	[sflag:s7] =	ssyncset.done $0x0  }
0x1b0: {  	[sflag:s7] =	ssyncadd.s32 $0xFFFFFF80  }
0x1b1: {  	[spmem:s1] =	stream.indirect.scatter.add.f32 [tilespmem:s15], [sflag:$0x1], $0x1, s14, s9, $0xb8;
	[tilespmem:$0xA000] =	vst v63  }
0x1b2: {  	_ =	swait.ge [sflag:s7], $0x80  }
0x1b3: {  	[sflag:s7] =	ssyncset.done $0x0  }
0x1b4: {  	[sflag:s7] =	ssyncadd.s32 $0xFFFFFF80  }
0x1b5: {  	[spmem:s1] =	stream.indirect.scatter.add.f32 [tilespmem:s17], [sflag:$0x1], $0x1, s16, s9, $0xb8;
	[tilespmem:$0xA000] =	vst v63  }
0x1b6: {  	_ =	swait.ge [sflag:s7], $0x80  }
0x1b7: {  	[sflag:s7] =	ssyncset.done $0x0  }
0x1b8: {  	[sflag:s7] =	ssyncadd.s32 $0xFFFFFF80  }
0x1b9: {  	[spmem:s1] =	stream.indirect.scatter.add.f32 [tilespmem:s19], [sflag:$0x1], $0x1, s18, s9, $0xb8;
	[tilespmem:$0xA000] =	vst v63  }
0x1ba: {  	_ =	swait.ge [sflag:s7], $0x80  }
0x1bb: {  	[sflag:s7] =	ssyncset.done $0x0  }
0x1bc: {  	[sflag:s7] =	ssyncadd.s32 $0xFFFFFF80  }
0x1bd: {  	[spmem:s1] =	stream.indirect.scatter.add.f32 [tilespmem:s21], [sflag:$0x1], $0x1, s20, s9, $0xb8;
	[tilespmem:$0xA000] =	vst v63  }
0x1be: {  	_ =	swait.ge [sflag:s7], $0x80  }
0x1bf: {  	[sflag:s7] =	ssyncset.done $0x0  }
0x1c0: {  	[sflag:s7] =	ssyncadd.s32 $0xFFFFFF80  }
0x1c1: {  	[spmem:s1] =	stream.indirect.scatter.add.f32 [tilespmem:s23], [sflag:$0x1], $0x1, s22, s9, $0xb8;
	[tilespmem:$0xA000] =	vst v63  }
0x1c2: {  	_ =	swait.ge [sflag:s7], $0x80  }
0x1c3: {  	[sflag:s7] =	ssyncset.done $0x0  }
0x1c4: {  	[sflag:s7] =	ssyncadd.s32 $0xFFFFFF80  }
0x1c5: {  	[spmem:s1] =	stream.indirect.scatter.add.f32 [tilespmem:s25], [sflag:$0x1], $0x1, s24, s9, $0xb8;
	[tilespmem:$0xA000] =	vst v63  }
0x1c6: {  	_ =	swait.ge [sflag:s7], $0x80  }
0x1c7: {  	[sflag:s7] =	ssyncset.done $0x0  }
0x1c8: {  	[sflag:s7] =	ssyncadd.s32 $0xFFFFFF80  }
0x1c9: {  	[spmem:s1] =	stream.indirect.scatter.add.f32 [tilespmem:s28], [sflag:$0x1], $0x1, s26, s9, $0xb8;
	[tilespmem:$0xA000] =	vst v63  }
0x1ca: {  	_ =	swait.ge [sflag:s7], $0x80  }
0x1cb: {  	[sflag:s7] =	ssyncset.done $0x0  }
0x1cc: {  	[sflag:s7] =	ssyncadd.s32 $0xFFFFFF80  }
0x1cd: {  	[spmem:s1] =	stream.indirect.scatter.add.f32 [tilespmem:s30], [sflag:$0x1], $0x1, s29, s9, $0xb8;
	[tilespmem:$0xA000] =	vst v63  }
0x1ce: {  	_ =	swait.ge [sflag:s7], $0x80  }
0x1cf: {  	[sflag:s7] =	ssyncset.done $0x0  }
0x1d0: {  	[sflag:s7] =	ssyncadd.s32 $0xFFFFFF80  }
0x1d1: {  	p0 =	sne.s32 s5, $0x1;
	[bflag:$0x0] =	sbarrier.arrive $0xFFFF  }
.Ltmp0:
0x1d2: {  	s10 =	rddreg [dreg:$0x8];
	(pc) =	sbr.rel @p0 .LBB2_1-.Ltmp0, $4  }
0x1d3: {  	[hbm:s10@s31], [sflag:s4] =	dma.strided [spmem:s6@s0], $0x1000, s7, $0x10   }
0x1d4: {  	_ =	swait.ge [sflag:s7], $0x1000  }
0x1d5: {  	[sflag:s7] =	ssyncset.done $0x0  }
0x1d6: {  	s5 =	sadd.s32 $0xFFFFFFFF, s5;
	[sflag:s7] =	ssyncadd.s32 $0xFFFFF000  }
0x1d7: {  	_ =	sfence.sel $0x180000  }
0x1d8: {  	[bflag:$0x0] =	sbarrier.arrive $0xFFFF  }
0x1d9: {  	_ =	strace $0x90000047  }
0x1da: {  	s0 =	stileid.u32;
	[bflag:$0x2] =	sbarrier.arrive $0xFFFF  }
0x1db: {  	p0 =	sne.s32 s0, $0x0;
	s0 =	rddreg [dreg:$0x3]  }
0x1dc: {  	s0 =	sadd.s32 @!p0 $0x100000, s0  }
0x1dd: {  	[sflag:s0] =	ssyncadd.tile.s32 @!p0 $0x1;
	_ =	shalt  }
.Lfunc_end2:
_tile_overlayer_lowered:
.L_overlay_start_2:
0x1de: {  	(tag) =	ssettag $0x2  }
0x1df: {  	s0 =	rddreg [dreg:$0x0];
	s2 =	stileid.u32  }
0x1e0: {  	s1 =	rddreg [dreg:$0x1];
	p0 =	sne.s32 s2, $0x0  }
0x1e1: {  	s3 =	rddreg [dreg:$0x2];
	[bflag:$0x3] =	sbarrier.arrive $0xFFFF;
	s2 =	simm.s32 @!p0 $0x1C01  }
0x1e2: {  	[timem:s3], [sflag:s2] =	dma.local @!p0 [hbm:s0], s1  }
0x1e3: {  	s0 =	simm.s32 @!p0 $0x1  }
0x1e4: {  	_ =	swait.ge @!p0 [sflag:s0], s1  }
0x1e5: {  	s1 =	ssub.s32 @!p0 $0x0, s1;
	[sflag:s0] =	ssyncset.done @!p0 $0x0  }
0x1e6: {  	[sflag:s0] =	ssyncadd.s32 @!p0 s1  }
0x1e7: {  	[bflag:$0x3] =	sbarrier.arrive $0xFFFF  }
0x1e8: {  	_ =	shalt  }

</sc_bundles>
